<compile_context>
chip_gen: v7x
topology: tpu7x:2x2x1
jax: 0.10.2.dev20260603
libtpu: 0.0.44.dev20260713+nightly
codegen_flags: <defaults>
</compile_context>

<pallas_src>
import functools

import jax
import jax.numpy as jnp
from jax import lax
from jax.experimental import pallas as pl
from jax.experimental.pallas import tpu as pltpu
from jax.experimental.pallas import tpu_sc as plsc

N = 10000
NP = 10240
D_IN = 128
D_HID = 256
D_OUT = 128
E = 320000
C = 128
NC = 2
NS = 16
NW = NC * NS
NBD = 4
G = NBD * (-(-E // (NW * C * NBD)))
EP = G * NW * C
ROWS_PER_TILE = NP // NS

_mesh = plsc.VectorSubcoreMesh(core_axis_name="c", subcore_axis_name="s")


NB = 2
CNT0 = 112
CNT1 = 2 * G - CNT0
CNT_MAX = max(CNT0, CNT1)


def _deg_body(dstm, out, didx_all, onev, zvec, acc, s0, s1, s2, s3):
    cid = lax.axis_index("c")
    sid = lax.axis_index("s")
    wid = sid * NC + cid
    sems = [s0, s1, s2, s3]
    for i in range(8):
        onev[pl.ds(i * 16, 16)] = jnp.full((16,), 1.0, jnp.float32)
    for i in range(ROWS_PER_TILE // 16):
        zvec[pl.ds(i * 16, 16)] = jnp.zeros((16,), jnp.float32)
    pltpu.sync_copy(dstm.at[pl.ds(wid * G, G)], didx_all)
    pltpu.sync_copy(zvec, acc.at[pl.ds(sid * ROWS_PER_TILE, ROWS_PER_TILE)])
    plsc.subcore_barrier()

    for b in range(NBD):
        pltpu.async_copy(onev, acc.at[didx_all.at[b]], sems[b], add=True)

    def step(i, carry):
        go = i * NBD
        for b in range(NBD):
            pltpu.make_async_copy(onev, acc.at[didx_all.at[go + b - NBD]],
                                  sems[b]).wait()
            pltpu.async_copy(onev, acc.at[didx_all.at[go + b]], sems[b],
                             add=True)
        return carry

    lax.fori_loop(1, G // NBD, step, 0)
    for b in range(NBD):
        pltpu.make_async_copy(onev, acc.at[didx_all.at[G - NBD + b]],
                              sems[b]).wait()
    plsc.subcore_barrier()
    pltpu.sync_copy(
        acc.at[pl.ds(sid * ROWS_PER_TILE, ROWS_PER_TILE)],
        out.at[cid, pl.ds(sid * ROWS_PER_TILE, ROWS_PER_TILE)],
    )


_deg_call = functools.partial(
    pl.kernel,
    out_type=jax.ShapeDtypeStruct((NC, NP), jnp.float32),
    mesh=_mesh,
    scratch_types=[
        pltpu.VMEM((G, C), jnp.int32),
        pltpu.VMEM((C,), jnp.float32),
        pltpu.VMEM((ROWS_PER_TILE,), jnp.float32),
        pltpu.VMEM_SHARED((NP,), jnp.float32),
    ] + [pltpu.SemaphoreType.DMA] * NBD,
)(_deg_body)


def _agg_body(table, srcm, dstm, zeros2d, out, sidx_all, d0, d1,
              r0, r1, acc, g0, g1, i0, i1):
    cid = lax.axis_index("c")
    sid = lax.axis_index("s")
    rows = [r0, r1]
    didx = [d0, d1]
    sem_g = [g0, g1]
    sem_i = [i0, i1]

    base = jnp.where(cid == 0, sid * CNT0, NS * CNT0 + sid * CNT1)
    cnt = jnp.where(cid == 0, CNT0, CNT1)

    pltpu.sync_copy(srcm.at[pl.ds(base, CNT_MAX)], sidx_all)
    pltpu.sync_copy(zeros2d, rows[0])
    for k in range(ROWS_PER_TILE // C):
        pltpu.sync_copy(rows[0], acc.at[pl.ds(sid * ROWS_PER_TILE + k * C, C)])
    plsc.subcore_barrier()

    for b in range(NB):
        pltpu.async_copy(dstm.at[base + b], didx[b], sem_i[b])
        pltpu.async_copy(table.at[sidx_all.at[b]], rows[b], sem_g[b])

    def step(i, carry):
        go = i * NB
        for b in range(NB):
            g = go + b
            pltpu.make_async_copy(table.at[sidx_all.at[g]], rows[b],
                                  sem_g[b]).wait()
            pltpu.make_async_copy(dstm.at[base + g], didx[b],
                                  sem_i[b]).wait()
            pltpu.sync_copy(rows[b], acc.at[didx[b]], add=True)
            pltpu.async_copy(dstm.at[base + g + NB], didx[b], sem_i[b])
            pltpu.async_copy(table.at[sidx_all.at[g + NB]], rows[b], sem_g[b])
        return carry

    lax.fori_loop(0, cnt // NB - 1, step, 0)
    for b in range(NB):
        g = cnt - NB + b
        pltpu.make_async_copy(table.at[sidx_all.at[g]], rows[b],
                              sem_g[b]).wait()
        pltpu.make_async_copy(dstm.at[base + g], didx[b], sem_i[b]).wait()
        pltpu.sync_copy(rows[b], acc.at[didx[b]], add=True)
    plsc.subcore_barrier()
    pltpu.sync_copy(
        acc.at[pl.ds(sid * ROWS_PER_TILE, ROWS_PER_TILE)],
        out.at[cid, pl.ds(sid * ROWS_PER_TILE, ROWS_PER_TILE)],
    )


_agg_call = functools.partial(
    pl.kernel,
    out_type=jax.ShapeDtypeStruct((NC, NP, D_IN), jnp.float32),
    mesh=_mesh,
    scratch_types=[
        pltpu.VMEM((CNT_MAX, C), jnp.int32),
        pltpu.VMEM((C,), jnp.int32),
        pltpu.VMEM((C,), jnp.int32),
        pltpu.VMEM((C, D_IN), jnp.float32),
        pltpu.VMEM((C, D_IN), jnp.float32),
        pltpu.VMEM_SHARED((NP, D_IN), jnp.float32),
    ] + [pltpu.SemaphoreType.DMA] * (2 * NB),
)(_agg_body)


ROW_BLK = 512
_GRID = (NP // ROW_BLK,)


def _scale_body(d0, d1, x, s_out, xs_out):
    s = lax.rsqrt(d0[...] + d1[...] + 1.0)
    s_out[...] = s
    xs_out[...] = x[...] * s


_scale_call = pl.pallas_call(
    _scale_body,
    grid=_GRID,
    in_specs=[
        pl.BlockSpec((ROW_BLK, 1), lambda i: (i, 0)),
        pl.BlockSpec((ROW_BLK, 1), lambda i: (i, 0)),
        pl.BlockSpec((ROW_BLK, D_IN), lambda i: (i, 0)),
    ],
    out_specs=[
        pl.BlockSpec((ROW_BLK, 1), lambda i: (i, 0)),
        pl.BlockSpec((ROW_BLK, D_IN), lambda i: (i, 0)),
    ],
    out_shape=[
        jax.ShapeDtypeStruct((NP, 1), jnp.float32),
        jax.ShapeDtypeStruct((NP, D_IN), jnp.float32),
    ],
)


def _layer_body(a0, a1, xs, s, w1, b1, w2, gs_out):
    z = (a0[...] + a1[...] + xs[...]) * s[...]
    h = jnp.dot(z, w1[...], preferred_element_type=jnp.float32) + b1[...]
    h = jnp.maximum(h, 0.0)
    g = jnp.dot(h, w2[...], preferred_element_type=jnp.float32)
    gs_out[...] = g * s[...]


_layer_call = pl.pallas_call(
    _layer_body,
    grid=_GRID,
    in_specs=[
        pl.BlockSpec((ROW_BLK, D_IN), lambda i: (i, 0)),
        pl.BlockSpec((ROW_BLK, D_IN), lambda i: (i, 0)),
        pl.BlockSpec((ROW_BLK, D_IN), lambda i: (i, 0)),
        pl.BlockSpec((ROW_BLK, 1), lambda i: (i, 0)),
        pl.BlockSpec((D_IN, D_HID), lambda i: (0, 0)),
        pl.BlockSpec((1, D_HID), lambda i: (0, 0)),
        pl.BlockSpec((D_HID, D_OUT), lambda i: (0, 0)),
    ],
    out_specs=pl.BlockSpec((ROW_BLK, D_OUT), lambda i: (i, 0)),
    out_shape=jax.ShapeDtypeStruct((NP, D_OUT), jnp.float32),
)


def _final_body(a0, a1, gs, s, b2, o_out):
    o_out[...] = (a0[...] + a1[...] + gs[...]) * s[...] + b2[...]


_final_call = pl.pallas_call(
    _final_body,
    grid=_GRID,
    in_specs=[
        pl.BlockSpec((ROW_BLK, D_OUT), lambda i: (i, 0)),
        pl.BlockSpec((ROW_BLK, D_OUT), lambda i: (i, 0)),
        pl.BlockSpec((ROW_BLK, D_OUT), lambda i: (i, 0)),
        pl.BlockSpec((ROW_BLK, 1), lambda i: (i, 0)),
        pl.BlockSpec((1, D_OUT), lambda i: (0, 0)),
    ],
    out_specs=pl.BlockSpec((ROW_BLK, D_OUT), lambda i: (i, 0)),
    out_shape=jax.ShapeDtypeStruct((NP, D_OUT), jnp.float32),
)


def kernel(x, edge_index, W1, b1, W2, b2):
    ei = edge_index.astype(jnp.int32)
    pad_e = EP - E
    src = jnp.concatenate([ei[0], jnp.zeros((pad_e,), jnp.int32)])
    dst = jnp.concatenate([ei[1], jnp.full((pad_e,), N, jnp.int32)])
    srcm = src.reshape(EP // C, C)
    dstm = dst.reshape(EP // C, C)
    xp = jnp.pad(x, ((0, NP - N), (0, 0)))
    zeros2d = jnp.zeros((C, D_IN), jnp.float32)

    deg = _deg_call(dstm)
    s, xs = _scale_call(deg[0].reshape(NP, 1), deg[1].reshape(NP, 1), xp)
    agg1 = _agg_call(xs, srcm, dstm, zeros2d)
    gs = _layer_call(agg1[0], agg1[1], xs, s,
                     W1, b1.reshape(1, D_HID), W2)
    agg2 = _agg_call(gs, srcm, dstm, zeros2d)
    outp = _final_call(agg2[0], agg2[1], gs, s, b2.reshape(1, D_OUT))
    return outp[:N]

# --- scband reference (transcript-rebuilt; emitter-appended) ---
"""Pipeline reference for scband-gcn-26903675142173 (READ-ONLY COPY).

The authoritative reference and input builder live on the scoring server;
editing this copy changes nothing except your own understanding.
"""

import jax, jax.numpy as jnp
import numpy as np

N_NODES = 10000
N_EDGES = 320000
D_IN = 128
D_HID = 256
D_OUT = 128


def setup_inputs(seed: int = 0) -> dict:
    key = jax.random.key(seed)
    k1, k2, k3, k4, k5, k6, k7 = jax.random.split(key, 7)
    x = jax.random.normal(k1, (N_NODES, D_IN), dtype=jnp.float32)
    edge_index = jax.random.randint(k2, (2, N_EDGES), 0, N_NODES, dtype=jnp.int64)
    # Glorot-style init for GCNConv weights, zeros bias (torch_geometric default)
    W1 = jax.random.normal(k3, (D_IN, D_HID), dtype=jnp.float32) * (1.0 / np.sqrt(D_IN))
    b1 = jnp.zeros((D_HID,), dtype=jnp.float32)
    W2 = jax.random.normal(k4, (D_HID, D_OUT), dtype=jnp.float32) * (1.0 / np.sqrt(D_HID))
    b2 = jnp.zeros((D_OUT,), dtype=jnp.float32)
    return {"x": x, "edge_index": edge_index, "W1": W1, "b1": b1, "W2": W2, "b2": b2}


def _gcn_conv(x, src, dst, norm_e, W, b, num_nodes):
    # x' = D^{-1/2} (A + I) D^{-1/2} X W + b
    h = x @ W
    msg = jnp.take(h, src, axis=0) * norm_e[:, None]
    out = jax.ops.segment_sum(msg, dst, num_segments=num_nodes)
    return out + b


def reference(x, edge_index, W1, b1, W2, b2):
    num_nodes = x.shape[0]
    # add self-loops (torch_geometric GCNConv default add_self_loops=True)
    loop = jnp.arange(num_nodes, dtype=edge_index.dtype)
    src = jnp.concatenate([edge_index[0], loop])
    dst = jnp.concatenate([edge_index[1], loop])
    # symmetric normalization based on in-degree with self-loops
    deg = jax.ops.segment_sum(jnp.ones_like(dst, dtype=x.dtype), dst, num_segments=num_nodes)
    deg_inv_sqrt = jnp.where(deg > 0, jax.lax.rsqrt(deg), 0.0)
    norm_e = jnp.take(deg_inv_sqrt, src) * jnp.take(deg_inv_sqrt, dst)
    # layer 1 + relu (dropout p=0.0 is a no-op)
    h = _gcn_conv(x, src, dst, norm_e, W1, b1, num_nodes)
    h = jax.nn.relu(h)
    # layer 2 (no activation)
    out = _gcn_conv(h, src, dst, norm_e, W2, b2, num_nodes)
    return out

if __name__ == "__main__":
    import jax
    _d = setup_inputs()
    print(jax.jit(kernel)(*tuple(_d.values())))

</pallas_src>

<mosaic_0001>
#map = affine_map<(d0, d1) -> (0, 0)>
#map1 = affine_map<(d0, d1) -> (0, 0, 0)>
module attributes {stable_mosaic.version = 14 : i64} {
  func.func @_agg_body(%arg0: i32, %arg1: i32, %arg2: memref<10240x128xf32, #tpu.memory_space<hbm>>, %arg3: memref<2560x128xi32, #tpu.memory_space<hbm>>, %arg4: memref<2560x128xi32, #tpu.memory_space<hbm>>, %arg5: memref<128x128xf32, #tpu.memory_space<hbm>>, %arg6: memref<2x10240x128xf32, #tpu.memory_space<hbm>>, %arg7: memref<112x128xi32, #tpu.memory_space<vmem>>, %arg8: memref<128xi32, #tpu.memory_space<vmem>>, %arg9: memref<128xi32, #tpu.memory_space<vmem>>, %arg10: memref<128x128xf32, #tpu.memory_space<vmem>>, %arg11: memref<128x128xf32, #tpu.memory_space<vmem>>, %arg12: memref<10240x128xf32, #tpu.memory_space<vmem_shared>>, %arg13: memref<!tpu.dma_semaphore, #tpu.memory_space<semaphore_mem>>, %arg14: memref<!tpu.dma_semaphore, #tpu.memory_space<semaphore_mem>>, %arg15: memref<!tpu.dma_semaphore, #tpu.memory_space<semaphore_mem>>, %arg16: memref<!tpu.dma_semaphore, #tpu.memory_space<semaphore_mem>>) attributes {dimension_semantics = [#tpu.dimension_semantics<core_parallel>, #tpu.dimension_semantics<subcore_parallel>], iteration_bounds = array<i64: 2, 16>, scalar_prefetch = 0 : i64, scratch_operands = 10 : i64, tpu.core_type = #tpu.core_type<sc_vector_subcore>, window_params = [{transform_indices = #map}, {transform_indices = #map}, {transform_indices = #map}, {transform_indices = #map}, {transform_indices = #map1}]} {
    %eq3A = arith.constant 0 : i32
    %eq3A_0 = arith.cmpi eq, %arg0, %eq3A : i32
    %mul3A = arith.constant 112 : i32
    %mul3A_1 = arith.muli %arg1, %mul3A : i32
    %mul3A_2 = arith.constant 48 : i32
    %mul3A_3 = arith.muli %arg1, %mul3A_2 : i32
    %add3A = arith.constant 1792 : i32
    %add3A_4 = arith.addi %add3A, %mul3A_3 : i32
    %select_n3A = arith.select %eq3A_0, %mul3A_1, %add3A_4 : i32
    %eq3A_5 = arith.constant 0 : i32
    %eq3A_6 = arith.cmpi eq, %arg0, %eq3A_5 : i32
    %jit3A = arith.constant 112 : i32
    %jit3A_7 = arith.constant 48 : i32
    %select_n3A_8 = arith.select %eq3A_6, %jit3A, %jit3A_7 : i32
    "tpu.region"() ({
      %run_scoped3A = tpu.sem_alloc : memref<!tpu.dma_semaphore, #tpu.memory_space<semaphore_mem>>
      %dma_start3A_125 = arith.constant 0 : i32
      %dma_start3A_126 = tpu.memref_slice %arg3[%select_n3A, %dma_start3A_125] : memref<2560x128xi32, #tpu.memory_space<hbm>> -> memref<112x128xi32, #tpu.memory_space<hbm>>
      %dma_start3A_127 = arith.constant 0 : i32
      %dma_start3A_128 = tpu.memref_slice %arg3[%select_n3A, %dma_start3A_127] : memref<2560x128xi32, #tpu.memory_space<hbm>> -> memref<112x128xi32, #tpu.memory_space<hbm>>
      tpu.enqueue_dma source(%dma_start3A_128 : memref<112x128xi32, #tpu.memory_space<hbm>>) target(%arg7 : memref<112x128xi32, #tpu.memory_space<vmem>>) target_semaphore(%run_scoped3A : memref<!tpu.dma_semaphore, #tpu.memory_space<semaphore_mem>>)
      %dma_wait3A_129 = arith.constant 0 : i32
      %dma_wait3A_130 = tpu.memref_slice %arg3[%select_n3A, %dma_wait3A_129] : memref<2560x128xi32, #tpu.memory_space<hbm>> -> memref<112x128xi32, #tpu.memory_space<hbm>>
      %dma_wait3A_131 = arith.constant 0 : i32
      %dma_wait3A_132 = tpu.memref_slice %arg3[%select_n3A, %dma_wait3A_131] : memref<2560x128xi32, #tpu.memory_space<hbm>> -> memref<112x128xi32, #tpu.memory_space<hbm>>
      tpu.wait_dma2 semaphore(%run_scoped3A : memref<!tpu.dma_semaphore, #tpu.memory_space<semaphore_mem>>) src(%dma_wait3A_132 : memref<112x128xi32, #tpu.memory_space<hbm>>) dst(%arg7 : memref<112x128xi32, #tpu.memory_space<vmem>>)
      tpu.yield
    }) : () -> ()
    "tpu.region"() ({
      %run_scoped3A = tpu.sem_alloc : memref<!tpu.dma_semaphore, #tpu.memory_space<semaphore_mem>>
      tpu.enqueue_dma source(%arg5 : memref<128x128xf32, #tpu.memory_space<hbm>>) target(%arg10 : memref<128x128xf32, #tpu.memory_space<vmem>>) target_semaphore(%run_scoped3A : memref<!tpu.dma_semaphore, #tpu.memory_space<semaphore_mem>>)
      tpu.wait_dma2 semaphore(%run_scoped3A : memref<!tpu.dma_semaphore, #tpu.memory_space<semaphore_mem>>) src(%arg5 : memref<128x128xf32, #tpu.memory_space<hbm>>) dst(%arg10 : memref<128x128xf32, #tpu.memory_space<vmem>>)
      tpu.yield
    }) : () -> ()
    %mul3A_9 = arith.constant 640 : i32
    %mul3A_10 = arith.muli %arg1, %mul3A_9 : i32
    %add3A_11 = arith.constant 0 : i32
    %add3A_12 = arith.addi %mul3A_10, %add3A_11 : i32
    "tpu.region"() ({
      %run_scoped3A = tpu.sem_alloc : memref<!tpu.dma_semaphore, #tpu.memory_space<semaphore_mem>>
      %dma_start3A_125 = arith.constant 0 : i32
      %dma_start3A_126 = tpu.memref_slice %arg12[%add3A_12, %dma_start3A_125] : memref<10240x128xf32, #tpu.memory_space<vmem_shared>> -> memref<128x128xf32, #tpu.memory_space<vmem_shared>>
      %dma_start3A_127 = arith.constant 0 : i32
      %dma_start3A_128 = tpu.memref_slice %arg12[%add3A_12, %dma_start3A_127] : memref<10240x128xf32, #tpu.memory_space<vmem_shared>> -> memref<128x128xf32, #tpu.memory_space<vmem_shared>>
      tpu.enqueue_dma source(%arg10 : memref<128x128xf32, #tpu.memory_space<vmem>>) target(%dma_start3A_128 : memref<128x128xf32, #tpu.memory_space<vmem_shared>>) target_semaphore(%run_scoped3A : memref<!tpu.dma_semaphore, #tpu.memory_space<semaphore_mem>>)
      %dma_wait3A_129 = arith.constant 0 : i32
      %dma_wait3A_130 = tpu.memref_slice %arg12[%add3A_12, %dma_wait3A_129] : memref<10240x128xf32, #tpu.memory_space<vmem_shared>> -> memref<128x128xf32, #tpu.memory_space<vmem_shared>>
      %dma_wait3A_131 = arith.constant 0 : i32
      %dma_wait3A_132 = tpu.memref_slice %arg12[%add3A_12, %dma_wait3A_131] : memref<10240x128xf32, #tpu.memory_space<vmem_shared>> -> memref<128x128xf32, #tpu.memory_space<vmem_shared>>
      tpu.wait_dma2 semaphore(%run_scoped3A : memref<!tpu.dma_semaphore, #tpu.memory_space<semaphore_mem>>) src(%arg10 : memref<128x128xf32, #tpu.memory_space<vmem>>) dst(%dma_wait3A_132 : memref<128x128xf32, #tpu.memory_space<vmem_shared>>)
      tpu.yield
    }) : () -> ()
    %mul3A_13 = arith.constant 640 : i32
    %mul3A_14 = arith.muli %arg1, %mul3A_13 : i32
    %add3A_15 = arith.constant 128 : i32
    %add3A_16 = arith.addi %mul3A_14, %add3A_15 : i32
    "tpu.region"() ({
      %run_scoped3A = tpu.sem_alloc : memref<!tpu.dma_semaphore, #tpu.memory_space<semaphore_mem>>
      %dma_start3A_125 = arith.constant 0 : i32
      %dma_start3A_126 = tpu.memref_slice %arg12[%add3A_16, %dma_start3A_125] : memref<10240x128xf32, #tpu.memory_space<vmem_shared>> -> memref<128x128xf32, #tpu.memory_space<vmem_shared>>
      %dma_start3A_127 = arith.constant 0 : i32
      %dma_start3A_128 = tpu.memref_slice %arg12[%add3A_16, %dma_start3A_127] : memref<10240x128xf32, #tpu.memory_space<vmem_shared>> -> memref<128x128xf32, #tpu.memory_space<vmem_shared>>
      tpu.enqueue_dma source(%arg10 : memref<128x128xf32, #tpu.memory_space<vmem>>) target(%dma_start3A_128 : memref<128x128xf32, #tpu.memory_space<vmem_shared>>) target_semaphore(%run_scoped3A : memref<!tpu.dma_semaphore, #tpu.memory_space<semaphore_mem>>)
      %dma_wait3A_129 = arith.constant 0 : i32
      %dma_wait3A_130 = tpu.memref_slice %arg12[%add3A_16, %dma_wait3A_129] : memref<10240x128xf32, #tpu.memory_space<vmem_shared>> -> memref<128x128xf32, #tpu.memory_space<vmem_shared>>
      %dma_wait3A_131 = arith.constant 0 : i32
      %dma_wait3A_132 = tpu.memref_slice %arg12[%add3A_16, %dma_wait3A_131] : memref<10240x128xf32, #tpu.memory_space<vmem_shared>> -> memref<128x128xf32, #tpu.memory_space<vmem_shared>>
      tpu.wait_dma2 semaphore(%run_scoped3A : memref<!tpu.dma_semaphore, #tpu.memory_space<semaphore_mem>>) src(%arg10 : memref<128x128xf32, #tpu.memory_space<vmem>>) dst(%dma_wait3A_132 : memref<128x128xf32, #tpu.memory_space<vmem_shared>>)
      tpu.yield
    }) : () -> ()
    %mul3A_17 = arith.constant 640 : i32
    %mul3A_18 = arith.muli %arg1, %mul3A_17 : i32
    %add3A_19 = arith.constant 256 : i32
    %add3A_20 = arith.addi %mul3A_18, %add3A_19 : i32
    "tpu.region"() ({
      %run_scoped3A = tpu.sem_alloc : memref<!tpu.dma_semaphore, #tpu.memory_space<semaphore_mem>>
      %dma_start3A_125 = arith.constant 0 : i32
      %dma_start3A_126 = tpu.memref_slice %arg12[%add3A_20, %dma_start3A_125] : memref<10240x128xf32, #tpu.memory_space<vmem_shared>> -> memref<128x128xf32, #tpu.memory_space<vmem_shared>>
      %dma_start3A_127 = arith.constant 0 : i32
      %dma_start3A_128 = tpu.memref_slice %arg12[%add3A_20, %dma_start3A_127] : memref<10240x128xf32, #tpu.memory_space<vmem_shared>> -> memref<128x128xf32, #tpu.memory_space<vmem_shared>>
      tpu.enqueue_dma source(%arg10 : memref<128x128xf32, #tpu.memory_space<vmem>>) target(%dma_start3A_128 : memref<128x128xf32, #tpu.memory_space<vmem_shared>>) target_semaphore(%run_scoped3A : memref<!tpu.dma_semaphore, #tpu.memory_space<semaphore_mem>>)
      %dma_wait3A_129 = arith.constant 0 : i32
      %dma_wait3A_130 = tpu.memref_slice %arg12[%add3A_20, %dma_wait3A_129] : memref<10240x128xf32, #tpu.memory_space<vmem_shared>> -> memref<128x128xf32, #tpu.memory_space<vmem_shared>>
      %dma_wait3A_131 = arith.constant 0 : i32
      %dma_wait3A_132 = tpu.memref_slice %arg12[%add3A_20, %dma_wait3A_131] : memref<10240x128xf32, #tpu.memory_space<vmem_shared>> -> memref<128x128xf32, #tpu.memory_space<vmem_shared>>
      tpu.wait_dma2 semaphore(%run_scoped3A : memref<!tpu.dma_semaphore, #tpu.memory_space<semaphore_mem>>) src(%arg10 : memref<128x128xf32, #tpu.memory_space<vmem>>) dst(%dma_wait3A_132 : memref<128x128xf32, #tpu.memory_space<vmem_shared>>)
      tpu.yield
    }) : () -> ()
    %mul3A_21 = arith.constant 640 : i32
    %mul3A_22 = arith.muli %arg1, %mul3A_21 : i32
    %add3A_23 = arith.constant 384 : i32
    %add3A_24 = arith.addi %mul3A_22, %add3A_23 : i32
    "tpu.region"() ({
      %run_scoped3A = tpu.sem_alloc : memref<!tpu.dma_semaphore, #tpu.memory_space<semaphore_mem>>
      %dma_start3A_125 = arith.constant 0 : i32
      %dma_start3A_126 = tpu.memref_slice %arg12[%add3A_24, %dma_start3A_125] : memref<10240x128xf32, #tpu.memory_space<vmem_shared>> -> memref<128x128xf32, #tpu.memory_space<vmem_shared>>
      %dma_start3A_127 = arith.constant 0 : i32
      %dma_start3A_128 = tpu.memref_slice %arg12[%add3A_24, %dma_start3A_127] : memref<10240x128xf32, #tpu.memory_space<vmem_shared>> -> memref<128x128xf32, #tpu.memory_space<vmem_shared>>
      tpu.enqueue_dma source(%arg10 : memref<128x128xf32, #tpu.memory_space<vmem>>) target(%dma_start3A_128 : memref<128x128xf32, #tpu.memory_space<vmem_shared>>) target_semaphore(%run_scoped3A : memref<!tpu.dma_semaphore, #tpu.memory_space<semaphore_mem>>)
      %dma_wait3A_129 = arith.constant 0 : i32
      %dma_wait3A_130 = tpu.memref_slice %arg12[%add3A_24, %dma_wait3A_129] : memref<10240x128xf32, #tpu.memory_space<vmem_shared>> -> memref<128x128xf32, #tpu.memory_space<vmem_shared>>
      %dma_wait3A_131 = arith.constant 0 : i32
      %dma_wait3A_132 = tpu.memref_slice %arg12[%add3A_24, %dma_wait3A_131] : memref<10240x128xf32, #tpu.memory_space<vmem_shared>> -> memref<128x128xf32, #tpu.memory_space<vmem_shared>>
      tpu.wait_dma2 semaphore(%run_scoped3A : memref<!tpu.dma_semaphore, #tpu.memory_space<semaphore_mem>>) src(%arg10 : memref<128x128xf32, #tpu.memory_space<vmem>>) dst(%dma_wait3A_132 : memref<128x128xf32, #tpu.memory_space<vmem_shared>>)
      tpu.yield
    }) : () -> ()
    %mul3A_25 = arith.constant 640 : i32
    %mul3A_26 = arith.muli %arg1, %mul3A_25 : i32
    %add3A_27 = arith.constant 512 : i32
    %add3A_28 = arith.addi %mul3A_26, %add3A_27 : i32
    "tpu.region"() ({
      %run_scoped3A = tpu.sem_alloc : memref<!tpu.dma_semaphore, #tpu.memory_space<semaphore_mem>>
      %dma_start3A_125 = arith.constant 0 : i32
      %dma_start3A_126 = tpu.memref_slice %arg12[%add3A_28, %dma_start3A_125] : memref<10240x128xf32, #tpu.memory_space<vmem_shared>> -> memref<128x128xf32, #tpu.memory_space<vmem_shared>>
      %dma_start3A_127 = arith.constant 0 : i32
      %dma_start3A_128 = tpu.memref_slice %arg12[%add3A_28, %dma_start3A_127] : memref<10240x128xf32, #tpu.memory_space<vmem_shared>> -> memref<128x128xf32, #tpu.memory_space<vmem_shared>>
      tpu.enqueue_dma source(%arg10 : memref<128x128xf32, #tpu.memory_space<vmem>>) target(%dma_start3A_128 : memref<128x128xf32, #tpu.memory_space<vmem_shared>>) target_semaphore(%run_scoped3A : memref<!tpu.dma_semaphore, #tpu.memory_space<semaphore_mem>>)
      %dma_wait3A_129 = arith.constant 0 : i32
      %dma_wait3A_130 = tpu.memref_slice %arg12[%add3A_28, %dma_wait3A_129] : memref<10240x128xf32, #tpu.memory_space<vmem_shared>> -> memref<128x128xf32, #tpu.memory_space<vmem_shared>>
      %dma_wait3A_131 = arith.constant 0 : i32
      %dma_wait3A_132 = tpu.memref_slice %arg12[%add3A_28, %dma_wait3A_131] : memref<10240x128xf32, #tpu.memory_space<vmem_shared>> -> memref<128x128xf32, #tpu.memory_space<vmem_shared>>
      tpu.wait_dma2 semaphore(%run_scoped3A : memref<!tpu.dma_semaphore, #tpu.memory_space<semaphore_mem>>) src(%arg10 : memref<128x128xf32, #tpu.memory_space<vmem>>) dst(%dma_wait3A_132 : memref<128x128xf32, #tpu.memory_space<vmem_shared>>)
      tpu.yield
    }) : () -> ()
    %barrier3A = arith.constant 0 : index
    tpu.barrier barrier_id(%barrier3A)
    %add3A_29 = arith.constant 0 : i32
    %add3A_30 = arith.addi %select_n3A, %add3A_29 : i32
    %dma_start3A = arith.constant 0 : i32
    %dma_start3A_31 = tpu.memref_slice %arg4[%add3A_30, %dma_start3A] : memref<2560x128xi32, #tpu.memory_space<hbm>> -> memref<1x128xi32, #tpu.memory_space<hbm>>
    %dma_start3A_32 = tpu.memref_squeeze %dma_start3A_31 : memref<1x128xi32, #tpu.memory_space<hbm>> -> memref<128xi32, #tpu.memory_space<hbm>>
    %dma_start3A_33 = arith.constant 0 : i32
    %dma_start3A_34 = tpu.memref_slice %arg4[%add3A_30, %dma_start3A_33] : memref<2560x128xi32, #tpu.memory_space<hbm>> -> memref<1x128xi32, #tpu.memory_space<hbm>>
    %dma_start3A_35 = tpu.memref_squeeze %dma_start3A_34 : memref<1x128xi32, #tpu.memory_space<hbm>> -> memref<128xi32, #tpu.memory_space<hbm>>
    tpu.enqueue_dma source(%dma_start3A_35 : memref<128xi32, #tpu.memory_space<hbm>>) target(%arg8 : memref<128xi32, #tpu.memory_space<vmem>>) target_semaphore(%arg15 : memref<!tpu.dma_semaphore, #tpu.memory_space<semaphore_mem>>)
    %dma_start3A_36 = arith.constant 0 : i32
    %dma_start3A_37 = arith.constant 0 : i32
    %dma_start3A_38 = tpu.memref_slice %arg7[%dma_start3A_36, %dma_start3A_37] : memref<112x128xi32, #tpu.memory_space<vmem>> -> memref<1x128xi32, #tpu.memory_space<vmem>>
    %dma_start3A_39 = tpu.memref_squeeze %dma_start3A_38 : memref<1x128xi32, #tpu.memory_space<vmem>> -> memref<128xi32, #tpu.memory_space<vmem>>
    %dma_start3A_40 = arith.constant 0 : i32
    %dma_start3A_41 = arith.constant 0 : i32
    %dma_start3A_42 = tpu.memref_slice %arg2[%dma_start3A_40, %dma_start3A_41] : memref<10240x128xf32, #tpu.memory_space<hbm>> -> memref<10240x128xf32, #tpu.memory_space<hbm>>
    tpu.enqueue_indirect_dma source(%dma_start3A_42 : memref<10240x128xf32, #tpu.memory_space<hbm>>) target(%arg10 : memref<128x128xf32, #tpu.memory_space<vmem>>) offsets(%dma_start3A_39 : memref<128xi32, #tpu.memory_space<vmem>>) semaphore(%arg13 : memref<!tpu.dma_semaphore, #tpu.memory_space<semaphore_mem>>)
    %add3A_43 = arith.constant 1 : i32
    %add3A_44 = arith.addi %select_n3A, %add3A_43 : i32
    %dma_start3A_45 = arith.constant 0 : i32
    %dma_start3A_46 = tpu.memref_slice %arg4[%add3A_44, %dma_start3A_45] : memref<2560x128xi32, #tpu.memory_space<hbm>> -> memref<1x128xi32, #tpu.memory_space<hbm>>
    %dma_start3A_47 = tpu.memref_squeeze %dma_start3A_46 : memref<1x128xi32, #tpu.memory_space<hbm>> -> memref<128xi32, #tpu.memory_space<hbm>>
    %dma_start3A_48 = arith.constant 0 : i32
    %dma_start3A_49 = tpu.memref_slice %arg4[%add3A_44, %dma_start3A_48] : memref<2560x128xi32, #tpu.memory_space<hbm>> -> memref<1x128xi32, #tpu.memory_space<hbm>>
    %dma_start3A_50 = tpu.memref_squeeze %dma_start3A_49 : memref<1x128xi32, #tpu.memory_space<hbm>> -> memref<128xi32, #tpu.memory_space<hbm>>
    tpu.enqueue_dma source(%dma_start3A_50 : memref<128xi32, #tpu.memory_space<hbm>>) target(%arg9 : memref<128xi32, #tpu.memory_space<vmem>>) target_semaphore(%arg16 : memref<!tpu.dma_semaphore, #tpu.memory_space<semaphore_mem>>)
    %dma_start3A_51 = arith.constant 1 : i32
    %dma_start3A_52 = arith.constant 0 : i32
    %dma_start3A_53 = tpu.memref_slice %arg7[%dma_start3A_51, %dma_start3A_52] : memref<112x128xi32, #tpu.memory_space<vmem>> -> memref<1x128xi32, #tpu.memory_space<vmem>>
    %dma_start3A_54 = tpu.memref_squeeze %dma_start3A_53 : memref<1x128xi32, #tpu.memory_space<vmem>> -> memref<128xi32, #tpu.memory_space<vmem>>
    %dma_start3A_55 = arith.constant 0 : i32
    %dma_start3A_56 = arith.constant 0 : i32
    %dma_start3A_57 = tpu.memref_slice %arg2[%dma_start3A_55, %dma_start3A_56] : memref<10240x128xf32, #tpu.memory_space<hbm>> -> memref<10240x128xf32, #tpu.memory_space<hbm>>
    tpu.enqueue_indirect_dma source(%dma_start3A_57 : memref<10240x128xf32, #tpu.memory_space<hbm>>) target(%arg11 : memref<128x128xf32, #tpu.memory_space<vmem>>) offsets(%dma_start3A_54 : memref<128xi32, #tpu.memory_space<vmem>>) semaphore(%arg14 : memref<!tpu.dma_semaphore, #tpu.memory_space<semaphore_mem>>)
    %jit3A_58 = arith.constant 2 : i32
    %div3A = arith.divsi %select_n3A_8, %jit3A_58 : i32
    %sign3A = arith.constant 0 : i32
    %sign3A_59 = arith.cmpi sgt, %select_n3A_8, %sign3A : i32
    %sign3A_60 = arith.extui %sign3A_59 : i1 to i32
    %sign3A_61 = arith.constant 0 : i32
    %sign3A_62 = arith.cmpi slt, %select_n3A_8, %sign3A_61 : i32
    %sign3A_63 = arith.extui %sign3A_62 : i1 to i32
    %sign3A_64 = arith.subi %sign3A_60, %sign3A_63 : i32
    %sign3A_65 = arith.constant 0 : i32
    %sign3A_66 = arith.cmpi sgt, %jit3A_58, %sign3A_65 : i32
    %sign3A_67 = arith.extui %sign3A_66 : i1 to i32
    %sign3A_68 = arith.constant 0 : i32
    %sign3A_69 = arith.cmpi slt, %jit3A_58, %sign3A_68 : i32
    %sign3A_70 = arith.extui %sign3A_69 : i1 to i32
    %sign3A_71 = arith.subi %sign3A_67, %sign3A_70 : i32
    %ne3A = arith.cmpi ne, %sign3A_64, %sign3A_71 : i32
    %rem3A = arith.remsi %select_n3A_8, %jit3A_58 : i32
    %ne3A_72 = arith.constant 0 : i32
    %ne3A_73 = arith.cmpi ne, %rem3A, %ne3A_72 : i32
    %and3A = arith.andi %ne3A, %ne3A_73 : i1
    %sub3A = arith.constant 1 : i32
    %sub3A_74 = arith.subi %div3A, %sub3A : i32
    %select_n3A_75 = arith.select %and3A, %sub3A_74, %div3A : i32
    %sub3A_76 = arith.constant 1 : i32
    %sub3A_77 = arith.subi %select_n3A_75, %sub3A_76 : i32
    %while3A = arith.constant 0 : i32
    %while3A_78 = arith.constant 0 : i32
    %while3A_79 = arith.subi %sub3A_77, %while3A_78 : i32
    %while3A_80 = arith.addi %while3A_78, %while3A_79 : i32
    %while3A_81 = arith.constant 1 : i32
    %while3A_82 = arith.divsi %while3A_79, %while3A_81 : i32
    %while3A_83 = arith.muli %while3A_82, %while3A_81 : i32
    %while3A_84 = arith.addi %while3A_78, %while3A_83 : i32
    %while3A_85 = arith.constant 1 : i32
    scf.for %while3A_125 = %while3A_78 to %while3A_84 step %while3A_85  : i32 {
      %mul3A_126 = arith.constant 2 : i32
      %mul3A_127 = arith.muli %while3A_125, %mul3A_126 : i32
      %add3A_128 = arith.constant 0 : i32
      %add3A_129 = arith.addi %mul3A_127, %add3A_128 : i32
      %dma_wait3A_130 = arith.constant 0 : i32
      %dma_wait3A_131 = tpu.memref_slice %arg7[%add3A_129, %dma_wait3A_130] : memref<112x128xi32, #tpu.memory_space<vmem>> -> memref<1x128xi32, #tpu.memory_space<vmem>>
      %dma_wait3A_132 = tpu.memref_squeeze %dma_wait3A_131 : memref<1x128xi32, #tpu.memory_space<vmem>> -> memref<128xi32, #tpu.memory_space<vmem>>
      %dma_wait3A_133 = arith.constant 0 : i32
      %dma_wait3A_134 = arith.constant 0 : i32
      %dma_wait3A_135 = tpu.memref_slice %arg2[%dma_wait3A_133, %dma_wait3A_134] : memref<10240x128xf32, #tpu.memory_space<hbm>> -> memref<10240x128xf32, #tpu.memory_space<hbm>>
      tpu.wait_indirect_dma semaphore(%arg13 : memref<!tpu.dma_semaphore, #tpu.memory_space<semaphore_mem>>) src(%dma_wait3A_135 : memref<10240x128xf32, #tpu.memory_space<hbm>>) dst(%arg10 : memref<128x128xf32, #tpu.memory_space<vmem>>)
      %add3A_136 = arith.addi %select_n3A, %add3A_129 : i32
      %dma_wait3A_137 = arith.constant 0 : i32
      %dma_wait3A_138 = tpu.memref_slice %arg4[%add3A_136, %dma_wait3A_137] : memref<2560x128xi32, #tpu.memory_space<hbm>> -> memref<1x128xi32, #tpu.memory_space<hbm>>
      %dma_wait3A_139 = tpu.memref_squeeze %dma_wait3A_138 : memref<1x128xi32, #tpu.memory_space<hbm>> -> memref<128xi32, #tpu.memory_space<hbm>>
      %dma_wait3A_140 = arith.constant 0 : i32
      %dma_wait3A_141 = tpu.memref_slice %arg4[%add3A_136, %dma_wait3A_140] : memref<2560x128xi32, #tpu.memory_space<hbm>> -> memref<1x128xi32, #tpu.memory_space<hbm>>
      %dma_wait3A_142 = tpu.memref_squeeze %dma_wait3A_141 : memref<1x128xi32, #tpu.memory_space<hbm>> -> memref<128xi32, #tpu.memory_space<hbm>>
      tpu.wait_dma2 semaphore(%arg15 : memref<!tpu.dma_semaphore, #tpu.memory_space<semaphore_mem>>) src(%dma_wait3A_142 : memref<128xi32, #tpu.memory_space<hbm>>) dst(%arg8 : memref<128xi32, #tpu.memory_space<vmem>>)
      "tpu.region"() ({
        %run_scoped3A = tpu.sem_alloc : memref<!tpu.dma_semaphore, #tpu.memory_space<semaphore_mem>>
        %dma_start3A_192 = arith.constant 0 : i32
        %dma_start3A_193 = arith.constant 0 : i32
        %dma_start3A_194 = tpu.memref_slice %arg12[%dma_start3A_192, %dma_start3A_193] : memref<10240x128xf32, #tpu.memory_space<vmem_shared>> -> memref<10240x128xf32, #tpu.memory_space<vmem_shared>>
        tpu.enqueue_indirect_dma source(%arg10 : memref<128x128xf32, #tpu.memory_space<vmem>>) target(%dma_start3A_194 : memref<10240x128xf32, #tpu.memory_space<vmem_shared>>) offsets(%arg8 : memref<128xi32, #tpu.memory_space<vmem>>) semaphore(%run_scoped3A : memref<!tpu.dma_semaphore, #tpu.memory_space<semaphore_mem>>) {add = true}
        %dma_wait3A_195 = arith.constant 0 : i32
        %dma_wait3A_196 = arith.constant 0 : i32
        %dma_wait3A_197 = tpu.memref_slice %arg12[%dma_wait3A_195, %dma_wait3A_196] : memref<10240x128xf32, #tpu.memory_space<vmem_shared>> -> memref<10240x128xf32, #tpu.memory_space<vmem_shared>>
        tpu.wait_indirect_dma semaphore(%run_scoped3A : memref<!tpu.dma_semaphore, #tpu.memory_space<semaphore_mem>>) src(%arg10 : memref<128x128xf32, #tpu.memory_space<vmem>>) dst(%dma_wait3A_197 : memref<10240x128xf32, #tpu.memory_space<vmem_shared>>)
        tpu.yield
      }) : () -> ()
      %add3A_143 = arith.addi %select_n3A, %add3A_129 : i32
      %add3A_144 = arith.constant 2 : i32
      %add3A_145 = arith.addi %add3A_143, %add3A_144 : i32
      %dma_start3A_146 = arith.constant 0 : i32
      %dma_start3A_147 = tpu.memref_slice %arg4[%add3A_145, %dma_start3A_146] : memref<2560x128xi32, #tpu.memory_space<hbm>> -> memref<1x128xi32, #tpu.memory_space<hbm>>
      %dma_start3A_148 = tpu.memref_squeeze %dma_start3A_147 : memref<1x128xi32, #tpu.memory_space<hbm>> -> memref<128xi32, #tpu.memory_space<hbm>>
      %dma_start3A_149 = arith.constant 0 : i32
      %dma_start3A_150 = tpu.memref_slice %arg4[%add3A_145, %dma_start3A_149] : memref<2560x128xi32, #tpu.memory_space<hbm>> -> memref<1x128xi32, #tpu.memory_space<hbm>>
      %dma_start3A_151 = tpu.memref_squeeze %dma_start3A_150 : memref<1x128xi32, #tpu.memory_space<hbm>> -> memref<128xi32, #tpu.memory_space<hbm>>
      tpu.enqueue_dma source(%dma_start3A_151 : memref<128xi32, #tpu.memory_space<hbm>>) target(%arg8 : memref<128xi32, #tpu.memory_space<vmem>>) target_semaphore(%arg15 : memref<!tpu.dma_semaphore, #tpu.memory_space<semaphore_mem>>)
      %add3A_152 = arith.constant 2 : i32
      %add3A_153 = arith.addi %add3A_129, %add3A_152 : i32
      %dma_start3A_154 = arith.constant 0 : i32
      %dma_start3A_155 = tpu.memref_slice %arg7[%add3A_153, %dma_start3A_154] : memref<112x128xi32, #tpu.memory_space<vmem>> -> memref<1x128xi32, #tpu.memory_space<vmem>>
      %dma_start3A_156 = tpu.memref_squeeze %dma_start3A_155 : memref<1x128xi32, #tpu.memory_space<vmem>> -> memref<128xi32, #tpu.memory_space<vmem>>
      %dma_start3A_157 = arith.constant 0 : i32
      %dma_start3A_158 = arith.constant 0 : i32
      %dma_start3A_159 = tpu.memref_slice %arg2[%dma_start3A_157, %dma_start3A_158] : memref<10240x128xf32, #tpu.memory_space<hbm>> -> memref<10240x128xf32, #tpu.memory_space<hbm>>
      tpu.enqueue_indirect_dma source(%dma_start3A_159 : memref<10240x128xf32, #tpu.memory_space<hbm>>) target(%arg10 : memref<128x128xf32, #tpu.memory_space<vmem>>) offsets(%dma_start3A_156 : memref<128xi32, #tpu.memory_space<vmem>>) semaphore(%arg13 : memref<!tpu.dma_semaphore, #tpu.memory_space<semaphore_mem>>)
      %add3A_160 = arith.constant 1 : i32
      %add3A_161 = arith.addi %mul3A_127, %add3A_160 : i32
      %dma_wait3A_162 = arith.constant 0 : i32
      %dma_wait3A_163 = tpu.memref_slice %arg7[%add3A_161, %dma_wait3A_162] : memref<112x128xi32, #tpu.memory_space<vmem>> -> memref<1x128xi32, #tpu.memory_space<vmem>>
      %dma_wait3A_164 = tpu.memref_squeeze %dma_wait3A_163 : memref<1x128xi32, #tpu.memory_space<vmem>> -> memref<128xi32, #tpu.memory_space<vmem>>
      %dma_wait3A_165 = arith.constant 0 : i32
      %dma_wait3A_166 = arith.constant 0 : i32
      %dma_wait3A_167 = tpu.memref_slice %arg2[%dma_wait3A_165, %dma_wait3A_166] : memref<10240x128xf32, #tpu.memory_space<hbm>> -> memref<10240x128xf32, #tpu.memory_space<hbm>>
      tpu.wait_indirect_dma semaphore(%arg14 : memref<!tpu.dma_semaphore, #tpu.memory_space<semaphore_mem>>) src(%dma_wait3A_167 : memref<10240x128xf32, #tpu.memory_space<hbm>>) dst(%arg11 : memref<128x128xf32, #tpu.memory_space<vmem>>)
      %add3A_168 = arith.addi %select_n3A, %add3A_161 : i32
      %dma_wait3A_169 = arith.constant 0 : i32
      %dma_wait3A_170 = tpu.memref_slice %arg4[%add3A_168, %dma_wait3A_169] : memref<2560x128xi32, #tpu.memory_space<hbm>> -> memref<1x128xi32, #tpu.memory_space<hbm>>
      %dma_wait3A_171 = tpu.memref_squeeze %dma_wait3A_170 : memref<1x128xi32, #tpu.memory_space<hbm>> -> memref<128xi32, #tpu.memory_space<hbm>>
      %dma_wait3A_172 = arith.constant 0 : i32
      %dma_wait3A_173 = tpu.memref_slice %arg4[%add3A_168, %dma_wait3A_172] : memref<2560x128xi32, #tpu.memory_space<hbm>> -> memref<1x128xi32, #tpu.memory_space<hbm>>
      %dma_wait3A_174 = tpu.memref_squeeze %dma_wait3A_173 : memref<1x128xi32, #tpu.memory_space<hbm>> -> memref<128xi32, #tpu.memory_space<hbm>>
      tpu.wait_dma2 semaphore(%arg16 : memref<!tpu.dma_semaphore, #tpu.memory_space<semaphore_mem>>) src(%dma_wait3A_174 : memref<128xi32, #tpu.memory_space<hbm>>) dst(%arg9 : memref<128xi32, #tpu.memory_space<vmem>>)
      "tpu.region"() ({
        %run_scoped3A = tpu.sem_alloc : memref<!tpu.dma_semaphore, #tpu.memory_space<semaphore_mem>>
        %dma_start3A_192 = arith.constant 0 : i32
        %dma_start3A_193 = arith.constant 0 : i32
        %dma_start3A_194 = tpu.memref_slice %arg12[%dma_start3A_192, %dma_start3A_193] : memref<10240x128xf32, #tpu.memory_space<vmem_shared>> -> memref<10240x128xf32, #tpu.memory_space<vmem_shared>>
        tpu.enqueue_indirect_dma source(%arg11 : memref<128x128xf32, #tpu.memory_space<vmem>>) target(%dma_start3A_194 : memref<10240x128xf32, #tpu.memory_space<vmem_shared>>) offsets(%arg9 : memref<128xi32, #tpu.memory_space<vmem>>) semaphore(%run_scoped3A : memref<!tpu.dma_semaphore, #tpu.memory_space<semaphore_mem>>) {add = true}
        %dma_wait3A_195 = arith.constant 0 : i32
        %dma_wait3A_196 = arith.constant 0 : i32
        %dma_wait3A_197 = tpu.memref_slice %arg12[%dma_wait3A_195, %dma_wait3A_196] : memref<10240x128xf32, #tpu.memory_space<vmem_shared>> -> memref<10240x128xf32, #tpu.memory_space<vmem_shared>>
        tpu.wait_indirect_dma semaphore(%run_scoped3A : memref<!tpu.dma_semaphore, #tpu.memory_space<semaphore_mem>>) src(%arg11 : memref<128x128xf32, #tpu.memory_space<vmem>>) dst(%dma_wait3A_197 : memref<10240x128xf32, #tpu.memory_space<vmem_shared>>)
        tpu.yield
      }) : () -> ()
      %add3A_175 = arith.addi %select_n3A, %add3A_161 : i32
      %add3A_176 = arith.constant 2 : i32
      %add3A_177 = arith.addi %add3A_175, %add3A_176 : i32
      %dma_start3A_178 = arith.constant 0 : i32
      %dma_start3A_179 = tpu.memref_slice %arg4[%add3A_177, %dma_start3A_178] : memref<2560x128xi32, #tpu.memory_space<hbm>> -> memref<1x128xi32, #tpu.memory_space<hbm>>
      %dma_start3A_180 = tpu.memref_squeeze %dma_start3A_179 : memref<1x128xi32, #tpu.memory_space<hbm>> -> memref<128xi32, #tpu.memory_space<hbm>>
      %dma_start3A_181 = arith.constant 0 : i32
      %dma_start3A_182 = tpu.memref_slice %arg4[%add3A_177, %dma_start3A_181] : memref<2560x128xi32, #tpu.memory_space<hbm>> -> memref<1x128xi32, #tpu.memory_space<hbm>>
      %dma_start3A_183 = tpu.memref_squeeze %dma_start3A_182 : memref<1x128xi32, #tpu.memory_space<hbm>> -> memref<128xi32, #tpu.memory_space<hbm>>
      tpu.enqueue_dma source(%dma_start3A_183 : memref<128xi32, #tpu.memory_space<hbm>>) target(%arg9 : memref<128xi32, #tpu.memory_space<vmem>>) target_semaphore(%arg16 : memref<!tpu.dma_semaphore, #tpu.memory_space<semaphore_mem>>)
      %add3A_184 = arith.constant 2 : i32
      %add3A_185 = arith.addi %add3A_161, %add3A_184 : i32
      %dma_start3A_186 = arith.constant 0 : i32
      %dma_start3A_187 = tpu.memref_slice %arg7[%add3A_185, %dma_start3A_186] : memref<112x128xi32, #tpu.memory_space<vmem>> -> memref<1x128xi32, #tpu.memory_space<vmem>>
      %dma_start3A_188 = tpu.memref_squeeze %dma_start3A_187 : memref<1x128xi32, #tpu.memory_space<vmem>> -> memref<128xi32, #tpu.memory_space<vmem>>
      %dma_start3A_189 = arith.constant 0 : i32
      %dma_start3A_190 = arith.constant 0 : i32
      %dma_start3A_191 = tpu.memref_slice %arg2[%dma_start3A_189, %dma_start3A_190] : memref<10240x128xf32, #tpu.memory_space<hbm>> -> memref<10240x128xf32, #tpu.memory_space<hbm>>
      tpu.enqueue_indirect_dma source(%dma_start3A_191 : memref<10240x128xf32, #tpu.memory_space<hbm>>) target(%arg11 : memref<128x128xf32, #tpu.memory_space<vmem>>) offsets(%dma_start3A_188 : memref<128xi32, #tpu.memory_space<vmem>>) semaphore(%arg14 : memref<!tpu.dma_semaphore, #tpu.memory_space<semaphore_mem>>)
    }
    %while3A_86 = arith.constant 1 : i32
    scf.for %while3A_125 = %while3A_84 to %while3A_80 step %while3A_86  : i32 {
      %mul3A_126 = arith.constant 2 : i32
      %mul3A_127 = arith.muli %while3A_125, %mul3A_126 : i32
      %add3A_128 = arith.constant 0 : i32
      %add3A_129 = arith.addi %mul3A_127, %add3A_128 : i32
      %dma_wait3A_130 = arith.constant 0 : i32
      %dma_wait3A_131 = tpu.memref_slice %arg7[%add3A_129, %dma_wait3A_130] : memref<112x128xi32, #tpu.memory_space<vmem>> -> memref<1x128xi32, #tpu.memory_space<vmem>>
      %dma_wait3A_132 = tpu.memref_squeeze %dma_wait3A_131 : memref<1x128xi32, #tpu.memory_space<vmem>> -> memref<128xi32, #tpu.memory_space<vmem>>
      %dma_wait3A_133 = arith.constant 0 : i32
      %dma_wait3A_134 = arith.constant 0 : i32
      %dma_wait3A_135 = tpu.memref_slice %arg2[%dma_wait3A_133, %dma_wait3A_134] : memref<10240x128xf32, #tpu.memory_space<hbm>> -> memref<10240x128xf32, #tpu.memory_space<hbm>>
      tpu.wait_indirect_dma semaphore(%arg13 : memref<!tpu.dma_semaphore, #tpu.memory_space<semaphore_mem>>) src(%dma_wait3A_135 : memref<10240x128xf32, #tpu.memory_space<hbm>>) dst(%arg10 : memref<128x128xf32, #tpu.memory_space<vmem>>)
      %add3A_136 = arith.addi %select_n3A, %add3A_129 : i32
      %dma_wait3A_137 = arith.constant 0 : i32
      %dma_wait3A_138 = tpu.memref_slice %arg4[%add3A_136, %dma_wait3A_137] : memref<2560x128xi32, #tpu.memory_space<hbm>> -> memref<1x128xi32, #tpu.memory_space<hbm>>
      %dma_wait3A_139 = tpu.memref_squeeze %dma_wait3A_138 : memref<1x128xi32, #tpu.memory_space<hbm>> -> memref<128xi32, #tpu.memory_space<hbm>>
      %dma_wait3A_140 = arith.constant 0 : i32
      %dma_wait3A_141 = tpu.memref_slice %arg4[%add3A_136, %dma_wait3A_140] : memref<2560x128xi32, #tpu.memory_space<hbm>> -> memref<1x128xi32, #tpu.memory_space<hbm>>
      %dma_wait3A_142 = tpu.memref_squeeze %dma_wait3A_141 : memref<1x128xi32, #tpu.memory_space<hbm>> -> memref<128xi32, #tpu.memory_space<hbm>>
      tpu.wait_dma2 semaphore(%arg15 : memref<!tpu.dma_semaphore, #tpu.memory_space<semaphore_mem>>) src(%dma_wait3A_142 : memref<128xi32, #tpu.memory_space<hbm>>) dst(%arg8 : memref<128xi32, #tpu.memory_space<vmem>>)
      "tpu.region"() ({
        %run_scoped3A = tpu.sem_alloc : memref<!tpu.dma_semaphore, #tpu.memory_space<semaphore_mem>>
        %dma_start3A_192 = arith.constant 0 : i32
        %dma_start3A_193 = arith.constant 0 : i32
        %dma_start3A_194 = tpu.memref_slice %arg12[%dma_start3A_192, %dma_start3A_193] : memref<10240x128xf32, #tpu.memory_space<vmem_shared>> -> memref<10240x128xf32, #tpu.memory_space<vmem_shared>>
        tpu.enqueue_indirect_dma source(%arg10 : memref<128x128xf32, #tpu.memory_space<vmem>>) target(%dma_start3A_194 : memref<10240x128xf32, #tpu.memory_space<vmem_shared>>) offsets(%arg8 : memref<128xi32, #tpu.memory_space<vmem>>) semaphore(%run_scoped3A : memref<!tpu.dma_semaphore, #tpu.memory_space<semaphore_mem>>) {add = true}
        %dma_wait3A_195 = arith.constant 0 : i32
        %dma_wait3A_196 = arith.constant 0 : i32
        %dma_wait3A_197 = tpu.memref_slice %arg12[%dma_wait3A_195, %dma_wait3A_196] : memref<10240x128xf32, #tpu.memory_space<vmem_shared>> -> memref<10240x128xf32, #tpu.memory_space<vmem_shared>>
        tpu.wait_indirect_dma semaphore(%run_scoped3A : memref<!tpu.dma_semaphore, #tpu.memory_space<semaphore_mem>>) src(%arg10 : memref<128x128xf32, #tpu.memory_space<vmem>>) dst(%dma_wait3A_197 : memref<10240x128xf32, #tpu.memory_space<vmem_shared>>)
        tpu.yield
      }) : () -> ()
      %add3A_143 = arith.addi %select_n3A, %add3A_129 : i32
      %add3A_144 = arith.constant 2 : i32
      %add3A_145 = arith.addi %add3A_143, %add3A_144 : i32
      %dma_start3A_146 = arith.constant 0 : i32
      %dma_start3A_147 = tpu.memref_slice %arg4[%add3A_145, %dma_start3A_146] : memref<2560x128xi32, #tpu.memory_space<hbm>> -> memref<1x128xi32, #tpu.memory_space<hbm>>
      %dma_start3A_148 = tpu.memref_squeeze %dma_start3A_147 : memref<1x128xi32, #tpu.memory_space<hbm>> -> memref<128xi32, #tpu.memory_space<hbm>>
      %dma_start3A_149 = arith.constant 0 : i32
      %dma_start3A_150 = tpu.memref_slice %arg4[%add3A_145, %dma_start3A_149] : memref<2560x128xi32, #tpu.memory_space<hbm>> -> memref<1x128xi32, #tpu.memory_space<hbm>>
      %dma_start3A_151 = tpu.memref_squeeze %dma_start3A_150 : memref<1x128xi32, #tpu.memory_space<hbm>> -> memref<128xi32, #tpu.memory_space<hbm>>
      tpu.enqueue_dma source(%dma_start3A_151 : memref<128xi32, #tpu.memory_space<hbm>>) target(%arg8 : memref<128xi32, #tpu.memory_space<vmem>>) target_semaphore(%arg15 : memref<!tpu.dma_semaphore, #tpu.memory_space<semaphore_mem>>)
      %add3A_152 = arith.constant 2 : i32
      %add3A_153 = arith.addi %add3A_129, %add3A_152 : i32
      %dma_start3A_154 = arith.constant 0 : i32
      %dma_start3A_155 = tpu.memref_slice %arg7[%add3A_153, %dma_start3A_154] : memref<112x128xi32, #tpu.memory_space<vmem>> -> memref<1x128xi32, #tpu.memory_space<vmem>>
      %dma_start3A_156 = tpu.memref_squeeze %dma_start3A_155 : memref<1x128xi32, #tpu.memory_space<vmem>> -> memref<128xi32, #tpu.memory_space<vmem>>
      %dma_start3A_157 = arith.constant 0 : i32
      %dma_start3A_158 = arith.constant 0 : i32
      %dma_start3A_159 = tpu.memref_slice %arg2[%dma_start3A_157, %dma_start3A_158] : memref<10240x128xf32, #tpu.memory_space<hbm>> -> memref<10240x128xf32, #tpu.memory_space<hbm>>
      tpu.enqueue_indirect_dma source(%dma_start3A_159 : memref<10240x128xf32, #tpu.memory_space<hbm>>) target(%arg10 : memref<128x128xf32, #tpu.memory_space<vmem>>) offsets(%dma_start3A_156 : memref<128xi32, #tpu.memory_space<vmem>>) semaphore(%arg13 : memref<!tpu.dma_semaphore, #tpu.memory_space<semaphore_mem>>)
      %add3A_160 = arith.constant 1 : i32
      %add3A_161 = arith.addi %mul3A_127, %add3A_160 : i32
      %dma_wait3A_162 = arith.constant 0 : i32
      %dma_wait3A_163 = tpu.memref_slice %arg7[%add3A_161, %dma_wait3A_162] : memref<112x128xi32, #tpu.memory_space<vmem>> -> memref<1x128xi32, #tpu.memory_space<vmem>>
      %dma_wait3A_164 = tpu.memref_squeeze %dma_wait3A_163 : memref<1x128xi32, #tpu.memory_space<vmem>> -> memref<128xi32, #tpu.memory_space<vmem>>
      %dma_wait3A_165 = arith.constant 0 : i32
      %dma_wait3A_166 = arith.constant 0 : i32
      %dma_wait3A_167 = tpu.memref_slice %arg2[%dma_wait3A_165, %dma_wait3A_166] : memref<10240x128xf32, #tpu.memory_space<hbm>> -> memref<10240x128xf32, #tpu.memory_space<hbm>>
      tpu.wait_indirect_dma semaphore(%arg14 : memref<!tpu.dma_semaphore, #tpu.memory_space<semaphore_mem>>) src(%dma_wait3A_167 : memref<10240x128xf32, #tpu.memory_space<hbm>>) dst(%arg11 : memref<128x128xf32, #tpu.memory_space<vmem>>)
      %add3A_168 = arith.addi %select_n3A, %add3A_161 : i32
      %dma_wait3A_169 = arith.constant 0 : i32
      %dma_wait3A_170 = tpu.memref_slice %arg4[%add3A_168, %dma_wait3A_169] : memref<2560x128xi32, #tpu.memory_space<hbm>> -> memref<1x128xi32, #tpu.memory_space<hbm>>
      %dma_wait3A_171 = tpu.memref_squeeze %dma_wait3A_170 : memref<1x128xi32, #tpu.memory_space<hbm>> -> memref<128xi32, #tpu.memory_space<hbm>>
      %dma_wait3A_172 = arith.constant 0 : i32
      %dma_wait3A_173 = tpu.memref_slice %arg4[%add3A_168, %dma_wait3A_172] : memref<2560x128xi32, #tpu.memory_space<hbm>> -> memref<1x128xi32, #tpu.memory_space<hbm>>
      %dma_wait3A_174 = tpu.memref_squeeze %dma_wait3A_173 : memref<1x128xi32, #tpu.memory_space<hbm>> -> memref<128xi32, #tpu.memory_space<hbm>>
      tpu.wait_dma2 semaphore(%arg16 : memref<!tpu.dma_semaphore, #tpu.memory_space<semaphore_mem>>) src(%dma_wait3A_174 : memref<128xi32, #tpu.memory_space<hbm>>) dst(%arg9 : memref<128xi32, #tpu.memory_space<vmem>>)
      "tpu.region"() ({
        %run_scoped3A = tpu.sem_alloc : memref<!tpu.dma_semaphore, #tpu.memory_space<semaphore_mem>>
        %dma_start3A_192 = arith.constant 0 : i32
        %dma_start3A_193 = arith.constant 0 : i32
        %dma_start3A_194 = tpu.memref_slice %arg12[%dma_start3A_192, %dma_start3A_193] : memref<10240x128xf32, #tpu.memory_space<vmem_shared>> -> memref<10240x128xf32, #tpu.memory_space<vmem_shared>>
        tpu.enqueue_indirect_dma source(%arg11 : memref<128x128xf32, #tpu.memory_space<vmem>>) target(%dma_start3A_194 : memref<10240x128xf32, #tpu.memory_space<vmem_shared>>) offsets(%arg9 : memref<128xi32, #tpu.memory_space<vmem>>) semaphore(%run_scoped3A : memref<!tpu.dma_semaphore, #tpu.memory_space<semaphore_mem>>) {add = true}
        %dma_wait3A_195 = arith.constant 0 : i32
        %dma_wait3A_196 = arith.constant 0 : i32
        %dma_wait3A_197 = tpu.memref_slice %arg12[%dma_wait3A_195, %dma_wait3A_196] : memref<10240x128xf32, #tpu.memory_space<vmem_shared>> -> memref<10240x128xf32, #tpu.memory_space<vmem_shared>>
        tpu.wait_indirect_dma semaphore(%run_scoped3A : memref<!tpu.dma_semaphore, #tpu.memory_space<semaphore_mem>>) src(%arg11 : memref<128x128xf32, #tpu.memory_space<vmem>>) dst(%dma_wait3A_197 : memref<10240x128xf32, #tpu.memory_space<vmem_shared>>)
        tpu.yield
      }) : () -> ()
      %add3A_175 = arith.addi %select_n3A, %add3A_161 : i32
      %add3A_176 = arith.constant 2 : i32
      %add3A_177 = arith.addi %add3A_175, %add3A_176 : i32
      %dma_start3A_178 = arith.constant 0 : i32
      %dma_start3A_179 = tpu.memref_slice %arg4[%add3A_177, %dma_start3A_178] : memref<2560x128xi32, #tpu.memory_space<hbm>> -> memref<1x128xi32, #tpu.memory_space<hbm>>
      %dma_start3A_180 = tpu.memref_squeeze %dma_start3A_179 : memref<1x128xi32, #tpu.memory_space<hbm>> -> memref<128xi32, #tpu.memory_space<hbm>>
      %dma_start3A_181 = arith.constant 0 : i32
      %dma_start3A_182 = tpu.memref_slice %arg4[%add3A_177, %dma_start3A_181] : memref<2560x128xi32, #tpu.memory_space<hbm>> -> memref<1x128xi32, #tpu.memory_space<hbm>>
      %dma_start3A_183 = tpu.memref_squeeze %dma_start3A_182 : memref<1x128xi32, #tpu.memory_space<hbm>> -> memref<128xi32, #tpu.memory_space<hbm>>
      tpu.enqueue_dma source(%dma_start3A_183 : memref<128xi32, #tpu.memory_space<hbm>>) target(%arg9 : memref<128xi32, #tpu.memory_space<vmem>>) target_semaphore(%arg16 : memref<!tpu.dma_semaphore, #tpu.memory_space<semaphore_mem>>)
      %add3A_184 = arith.constant 2 : i32
      %add3A_185 = arith.addi %add3A_161, %add3A_184 : i32
      %dma_start3A_186 = arith.constant 0 : i32
      %dma_start3A_187 = tpu.memref_slice %arg7[%add3A_185, %dma_start3A_186] : memref<112x128xi32, #tpu.memory_space<vmem>> -> memref<1x128xi32, #tpu.memory_space<vmem>>
      %dma_start3A_188 = tpu.memref_squeeze %dma_start3A_187 : memref<1x128xi32, #tpu.memory_space<vmem>> -> memref<128xi32, #tpu.memory_space<vmem>>
      %dma_start3A_189 = arith.constant 0 : i32
      %dma_start3A_190 = arith.constant 0 : i32
      %dma_start3A_191 = tpu.memref_slice %arg2[%dma_start3A_189, %dma_start3A_190] : memref<10240x128xf32, #tpu.memory_space<hbm>> -> memref<10240x128xf32, #tpu.memory_space<hbm>>
      tpu.enqueue_indirect_dma source(%dma_start3A_191 : memref<10240x128xf32, #tpu.memory_space<hbm>>) target(%arg11 : memref<128x128xf32, #tpu.memory_space<vmem>>) offsets(%dma_start3A_188 : memref<128xi32, #tpu.memory_space<vmem>>) semaphore(%arg14 : memref<!tpu.dma_semaphore, #tpu.memory_space<semaphore_mem>>)
    }
    %sub3A_87 = arith.constant 2 : i32
    %sub3A_88 = arith.subi %select_n3A_8, %sub3A_87 : i32
    %add3A_89 = arith.constant 0 : i32
    %add3A_90 = arith.addi %sub3A_88, %add3A_89 : i32
    %dma_wait3A = arith.constant 0 : i32
    %dma_wait3A_91 = tpu.memref_slice %arg7[%add3A_90, %dma_wait3A] : memref<112x128xi32, #tpu.memory_space<vmem>> -> memref<1x128xi32, #tpu.memory_space<vmem>>
    %dma_wait3A_92 = tpu.memref_squeeze %dma_wait3A_91 : memref<1x128xi32, #tpu.memory_space<vmem>> -> memref<128xi32, #tpu.memory_space<vmem>>
    %dma_wait3A_93 = arith.constant 0 : i32
    %dma_wait3A_94 = arith.constant 0 : i32
    %dma_wait3A_95 = tpu.memref_slice %arg2[%dma_wait3A_93, %dma_wait3A_94] : memref<10240x128xf32, #tpu.memory_space<hbm>> -> memref<10240x128xf32, #tpu.memory_space<hbm>>
    tpu.wait_indirect_dma semaphore(%arg13 : memref<!tpu.dma_semaphore, #tpu.memory_space<semaphore_mem>>) src(%dma_wait3A_95 : memref<10240x128xf32, #tpu.memory_space<hbm>>) dst(%arg10 : memref<128x128xf32, #tpu.memory_space<vmem>>)
    %add3A_96 = arith.addi %select_n3A, %add3A_90 : i32
    %dma_wait3A_97 = arith.constant 0 : i32
    %dma_wait3A_98 = tpu.memref_slice %arg4[%add3A_96, %dma_wait3A_97] : memref<2560x128xi32, #tpu.memory_space<hbm>> -> memref<1x128xi32, #tpu.memory_space<hbm>>
    %dma_wait3A_99 = tpu.memref_squeeze %dma_wait3A_98 : memref<1x128xi32, #tpu.memory_space<hbm>> -> memref<128xi32, #tpu.memory_space<hbm>>
    %dma_wait3A_100 = arith.constant 0 : i32
    %dma_wait3A_101 = tpu.memref_slice %arg4[%add3A_96, %dma_wait3A_100] : memref<2560x128xi32, #tpu.memory_space<hbm>> -> memref<1x128xi32, #tpu.memory_space<hbm>>
    %dma_wait3A_102 = tpu.memref_squeeze %dma_wait3A_101 : memref<1x128xi32, #tpu.memory_space<hbm>> -> memref<128xi32, #tpu.memory_space<hbm>>
    tpu.wait_dma2 semaphore(%arg15 : memref<!tpu.dma_semaphore, #tpu.memory_space<semaphore_mem>>) src(%dma_wait3A_102 : memref<128xi32, #tpu.memory_space<hbm>>) dst(%arg8 : memref<128xi32, #tpu.memory_space<vmem>>)
    "tpu.region"() ({
      %run_scoped3A = tpu.sem_alloc : memref<!tpu.dma_semaphore, #tpu.memory_space<semaphore_mem>>
      %dma_start3A_125 = arith.constant 0 : i32
      %dma_start3A_126 = arith.constant 0 : i32
      %dma_start3A_127 = tpu.memref_slice %arg12[%dma_start3A_125, %dma_start3A_126] : memref<10240x128xf32, #tpu.memory_space<vmem_shared>> -> memref<10240x128xf32, #tpu.memory_space<vmem_shared>>
      tpu.enqueue_indirect_dma source(%arg10 : memref<128x128xf32, #tpu.memory_space<vmem>>) target(%dma_start3A_127 : memref<10240x128xf32, #tpu.memory_space<vmem_shared>>) offsets(%arg8 : memref<128xi32, #tpu.memory_space<vmem>>) semaphore(%run_scoped3A : memref<!tpu.dma_semaphore, #tpu.memory_space<semaphore_mem>>) {add = true}
      %dma_wait3A_128 = arith.constant 0 : i32
      %dma_wait3A_129 = arith.constant 0 : i32
      %dma_wait3A_130 = tpu.memref_slice %arg12[%dma_wait3A_128, %dma_wait3A_129] : memref<10240x128xf32, #tpu.memory_space<vmem_shared>> -> memref<10240x128xf32, #tpu.memory_space<vmem_shared>>
      tpu.wait_indirect_dma semaphore(%run_scoped3A : memref<!tpu.dma_semaphore, #tpu.memory_space<semaphore_mem>>) src(%arg10 : memref<128x128xf32, #tpu.memory_space<vmem>>) dst(%dma_wait3A_130 : memref<10240x128xf32, #tpu.memory_space<vmem_shared>>)
      tpu.yield
    }) : () -> ()
    %sub3A_103 = arith.constant 2 : i32
    %sub3A_104 = arith.subi %select_n3A_8, %sub3A_103 : i32
    %add3A_105 = arith.constant 1 : i32
    %add3A_106 = arith.addi %sub3A_104, %add3A_105 : i32
    %dma_wait3A_107 = arith.constant 0 : i32
    %dma_wait3A_108 = tpu.memref_slice %arg7[%add3A_106, %dma_wait3A_107] : memref<112x128xi32, #tpu.memory_space<vmem>> -> memref<1x128xi32, #tpu.memory_space<vmem>>
    %dma_wait3A_109 = tpu.memref_squeeze %dma_wait3A_108 : memref<1x128xi32, #tpu.memory_space<vmem>> -> memref<128xi32, #tpu.memory_space<vmem>>
    %dma_wait3A_110 = arith.constant 0 : i32
    %dma_wait3A_111 = arith.constant 0 : i32
    %dma_wait3A_112 = tpu.memref_slice %arg2[%dma_wait3A_110, %dma_wait3A_111] : memref<10240x128xf32, #tpu.memory_space<hbm>> -> memref<10240x128xf32, #tpu.memory_space<hbm>>
    tpu.wait_indirect_dma semaphore(%arg14 : memref<!tpu.dma_semaphore, #tpu.memory_space<semaphore_mem>>) src(%dma_wait3A_112 : memref<10240x128xf32, #tpu.memory_space<hbm>>) dst(%arg11 : memref<128x128xf32, #tpu.memory_space<vmem>>)
    %add3A_113 = arith.addi %select_n3A, %add3A_106 : i32
    %dma_wait3A_114 = arith.constant 0 : i32
    %dma_wait3A_115 = tpu.memref_slice %arg4[%add3A_113, %dma_wait3A_114] : memref<2560x128xi32, #tpu.memory_space<hbm>> -> memref<1x128xi32, #tpu.memory_space<hbm>>
    %dma_wait3A_116 = tpu.memref_squeeze %dma_wait3A_115 : memref<1x128xi32, #tpu.memory_space<hbm>> -> memref<128xi32, #tpu.memory_space<hbm>>
    %dma_wait3A_117 = arith.constant 0 : i32
    %dma_wait3A_118 = tpu.memref_slice %arg4[%add3A_113, %dma_wait3A_117] : memref<2560x128xi32, #tpu.memory_space<hbm>> -> memref<1x128xi32, #tpu.memory_space<hbm>>
    %dma_wait3A_119 = tpu.memref_squeeze %dma_wait3A_118 : memref<1x128xi32, #tpu.memory_space<hbm>> -> memref<128xi32, #tpu.memory_space<hbm>>
    tpu.wait_dma2 semaphore(%arg16 : memref<!tpu.dma_semaphore, #tpu.memory_space<semaphore_mem>>) src(%dma_wait3A_119 : memref<128xi32, #tpu.memory_space<hbm>>) dst(%arg9 : memref<128xi32, #tpu.memory_space<vmem>>)
    "tpu.region"() ({
      %run_scoped3A = tpu.sem_alloc : memref<!tpu.dma_semaphore, #tpu.memory_space<semaphore_mem>>
      %dma_start3A_125 = arith.constant 0 : i32
      %dma_start3A_126 = arith.constant 0 : i32
      %dma_start3A_127 = tpu.memref_slice %arg12[%dma_start3A_125, %dma_start3A_126] : memref<10240x128xf32, #tpu.memory_space<vmem_shared>> -> memref<10240x128xf32, #tpu.memory_space<vmem_shared>>
      tpu.enqueue_indirect_dma source(%arg11 : memref<128x128xf32, #tpu.memory_space<vmem>>) target(%dma_start3A_127 : memref<10240x128xf32, #tpu.memory_space<vmem_shared>>) offsets(%arg9 : memref<128xi32, #tpu.memory_space<vmem>>) semaphore(%run_scoped3A : memref<!tpu.dma_semaphore, #tpu.memory_space<semaphore_mem>>) {add = true}
      %dma_wait3A_128 = arith.constant 0 : i32
      %dma_wait3A_129 = arith.constant 0 : i32
      %dma_wait3A_130 = tpu.memref_slice %arg12[%dma_wait3A_128, %dma_wait3A_129] : memref<10240x128xf32, #tpu.memory_space<vmem_shared>> -> memref<10240x128xf32, #tpu.memory_space<vmem_shared>>
      tpu.wait_indirect_dma semaphore(%run_scoped3A : memref<!tpu.dma_semaphore, #tpu.memory_space<semaphore_mem>>) src(%arg11 : memref<128x128xf32, #tpu.memory_space<vmem>>) dst(%dma_wait3A_130 : memref<10240x128xf32, #tpu.memory_space<vmem_shared>>)
      tpu.yield
    }) : () -> ()
    %barrier3A_120 = arith.constant 0 : index
    tpu.barrier barrier_id(%barrier3A_120)
    %mul3A_121 = arith.constant 640 : i32
    %mul3A_122 = arith.muli %arg1, %mul3A_121 : i32
    %mul3A_123 = arith.constant 640 : i32
    %mul3A_124 = arith.muli %arg1, %mul3A_123 : i32
    "tpu.region"() ({
      %run_scoped3A = tpu.sem_alloc : memref<!tpu.dma_semaphore, #tpu.memory_space<semaphore_mem>>
      %dma_start3A_125 = arith.constant 0 : i32
      %dma_start3A_126 = tpu.memref_slice %arg6[%arg0, %mul3A_124, %dma_start3A_125] : memref<2x10240x128xf32, #tpu.memory_space<hbm>> -> memref<1x640x128xf32, #tpu.memory_space<hbm>>
      %dma_start3A_127 = tpu.memref_squeeze %dma_start3A_126 : memref<1x640x128xf32, #tpu.memory_space<hbm>> -> memref<640x128xf32, #tpu.memory_space<hbm>>
      %dma_start3A_128 = arith.constant 0 : i32
      %dma_start3A_129 = tpu.memref_slice %arg12[%mul3A_122, %dma_start3A_128] : memref<10240x128xf32, #tpu.memory_space<vmem_shared>> -> memref<640x128xf32, #tpu.memory_space<vmem_shared>>
      tpu.enqueue_dma source(%dma_start3A_129 : memref<640x128xf32, #tpu.memory_space<vmem_shared>>) target(%dma_start3A_127 : memref<640x128xf32, #tpu.memory_space<hbm>>) target_semaphore(%run_scoped3A : memref<!tpu.dma_semaphore, #tpu.memory_space<semaphore_mem>>)
      %dma_wait3A_130 = arith.constant 0 : i32
      %dma_wait3A_131 = tpu.memref_slice %arg6[%arg0, %mul3A_124, %dma_wait3A_130] : memref<2x10240x128xf32, #tpu.memory_space<hbm>> -> memref<1x640x128xf32, #tpu.memory_space<hbm>>
      %dma_wait3A_132 = tpu.memref_squeeze %dma_wait3A_131 : memref<1x640x128xf32, #tpu.memory_space<hbm>> -> memref<640x128xf32, #tpu.memory_space<hbm>>
      %dma_wait3A_133 = arith.constant 0 : i32
      %dma_wait3A_134 = tpu.memref_slice %arg12[%mul3A_122, %dma_wait3A_133] : memref<10240x128xf32, #tpu.memory_space<vmem_shared>> -> memref<640x128xf32, #tpu.memory_space<vmem_shared>>
      tpu.wait_dma2 semaphore(%run_scoped3A : memref<!tpu.dma_semaphore, #tpu.memory_space<semaphore_mem>>) src(%dma_wait3A_134 : memref<640x128xf32, #tpu.memory_space<vmem_shared>>) dst(%dma_wait3A_132 : memref<640x128xf32, #tpu.memory_space<hbm>>)
      tpu.yield
    }) : () -> ()
    return
  }
}

#map = affine_map<(d0, d1) -> (0, 0)>
module attributes {stable_mosaic.version = 14 : i64} {
  func.func @_deg_body(%arg0: i32, %arg1: i32, %arg2: memref<2560x128xi32, #tpu.memory_space<hbm>>, %arg3: memref<2x10240xf32, #tpu.memory_space<hbm>>, %arg4: memref<80x128xi32, #tpu.memory_space<vmem>>, %arg5: memref<128xf32, #tpu.memory_space<vmem>>, %arg6: memref<640xf32, #tpu.memory_space<vmem>>, %arg7: memref<10240xf32, #tpu.memory_space<vmem_shared>>, %arg8: memref<!tpu.dma_semaphore, #tpu.memory_space<semaphore_mem>>, %arg9: memref<!tpu.dma_semaphore, #tpu.memory_space<semaphore_mem>>, %arg10: memref<!tpu.dma_semaphore, #tpu.memory_space<semaphore_mem>>, %arg11: memref<!tpu.dma_semaphore, #tpu.memory_space<semaphore_mem>>) attributes {dimension_semantics = [#tpu.dimension_semantics<core_parallel>, #tpu.dimension_semantics<subcore_parallel>], iteration_bounds = array<i64: 2, 16>, scalar_prefetch = 0 : i64, scratch_operands = 8 : i64, tpu.core_type = #tpu.core_type<sc_vector_subcore>, window_params = [{transform_indices = #map}, {transform_indices = #map}]} {
    %mul3A = arith.constant 2 : i32
    %mul3A_0 = arith.muli %arg1, %mul3A : i32
    %add3A = arith.addi %mul3A_0, %arg0 : i32
    %broadcast_in_dim3A = arith.constant 1.000000e+00 : f32
    %broadcast_in_dim3A_1 = vector.broadcast %broadcast_in_dim3A : f32 to vector<16xf32>
    %swap3A = arith.constant 0 : index
    %swap3A_2 = tpu.vector_load %arg5[%swap3A] {strides = array<i32>} : memref<128xf32, #tpu.memory_space<vmem>>, vector<16xf32>,
    %swap3A_3 = vector.shape_cast %swap3A_2 : vector<16xf32> to vector<16xf32>
    %swap3A_4 = vector.shape_cast %broadcast_in_dim3A_1 : vector<16xf32> to vector<16xf32>
    tpu.vector_store %arg5[%swap3A], %swap3A_4 {strides = array<i32>} : memref<128xf32, #tpu.memory_space<vmem>>, vector<16xf32>,
    %broadcast_in_dim3A_5 = arith.constant 1.000000e+00 : f32
    %broadcast_in_dim3A_6 = vector.broadcast %broadcast_in_dim3A_5 : f32 to vector<16xf32>
    %swap3A_7 = arith.constant 16 : index
    %swap3A_8 = tpu.vector_load %arg5[%swap3A_7] {strides = array<i32>} : memref<128xf32, #tpu.memory_space<vmem>>, vector<16xf32>,
    %swap3A_9 = vector.shape_cast %swap3A_8 : vector<16xf32> to vector<16xf32>
    %swap3A_10 = vector.shape_cast %broadcast_in_dim3A_6 : vector<16xf32> to vector<16xf32>
    tpu.vector_store %arg5[%swap3A_7], %swap3A_10 {strides = array<i32>} : memref<128xf32, #tpu.memory_space<vmem>>, vector<16xf32>,
    %broadcast_in_dim3A_11 = arith.constant 1.000000e+00 : f32
    %broadcast_in_dim3A_12 = vector.broadcast %broadcast_in_dim3A_11 : f32 to vector<16xf32>
    %swap3A_13 = arith.constant 32 : index
    %swap3A_14 = tpu.vector_load %arg5[%swap3A_13] {strides = array<i32>} : memref<128xf32, #tpu.memory_space<vmem>>, vector<16xf32>,
    %swap3A_15 = vector.shape_cast %swap3A_14 : vector<16xf32> to vector<16xf32>
    %swap3A_16 = vector.shape_cast %broadcast_in_dim3A_12 : vector<16xf32> to vector<16xf32>
    tpu.vector_store %arg5[%swap3A_13], %swap3A_16 {strides = array<i32>} : memref<128xf32, #tpu.memory_space<vmem>>, vector<16xf32>,
    %broadcast_in_dim3A_17 = arith.constant 1.000000e+00 : f32
    %broadcast_in_dim3A_18 = vector.broadcast %broadcast_in_dim3A_17 : f32 to vector<16xf32>
    %swap3A_19 = arith.constant 48 : index
    %swap3A_20 = tpu.vector_load %arg5[%swap3A_19] {strides = array<i32>} : memref<128xf32, #tpu.memory_space<vmem>>, vector<16xf32>,
    %swap3A_21 = vector.shape_cast %swap3A_20 : vector<16xf32> to vector<16xf32>
    %swap3A_22 = vector.shape_cast %broadcast_in_dim3A_18 : vector<16xf32> to vector<16xf32>
    tpu.vector_store %arg5[%swap3A_19], %swap3A_22 {strides = array<i32>} : memref<128xf32, #tpu.memory_space<vmem>>, vector<16xf32>,
    %broadcast_in_dim3A_23 = arith.constant 1.000000e+00 : f32
    %broadcast_in_dim3A_24 = vector.broadcast %broadcast_in_dim3A_23 : f32 to vector<16xf32>
    %swap3A_25 = arith.constant 64 : index
    %swap3A_26 = tpu.vector_load %arg5[%swap3A_25] {strides = array<i32>} : memref<128xf32, #tpu.memory_space<vmem>>, vector<16xf32>,
    %swap3A_27 = vector.shape_cast %swap3A_26 : vector<16xf32> to vector<16xf32>
    %swap3A_28 = vector.shape_cast %broadcast_in_dim3A_24 : vector<16xf32> to vector<16xf32>
    tpu.vector_store %arg5[%swap3A_25], %swap3A_28 {strides = array<i32>} : memref<128xf32, #tpu.memory_space<vmem>>, vector<16xf32>,
    %broadcast_in_dim3A_29 = arith.constant 1.000000e+00 : f32
    %broadcast_in_dim3A_30 = vector.broadcast %broadcast_in_dim3A_29 : f32 to vector<16xf32>
    %swap3A_31 = arith.constant 80 : index
    %swap3A_32 = tpu.vector_load %arg5[%swap3A_31] {strides = array<i32>} : memref<128xf32, #tpu.memory_space<vmem>>, vector<16xf32>,
    %swap3A_33 = vector.shape_cast %swap3A_32 : vector<16xf32> to vector<16xf32>
    %swap3A_34 = vector.shape_cast %broadcast_in_dim3A_30 : vector<16xf32> to vector<16xf32>
    tpu.vector_store %arg5[%swap3A_31], %swap3A_34 {strides = array<i32>} : memref<128xf32, #tpu.memory_space<vmem>>, vector<16xf32>,
    %broadcast_in_dim3A_35 = arith.constant 1.000000e+00 : f32
    %broadcast_in_dim3A_36 = vector.broadcast %broadcast_in_dim3A_35 : f32 to vector<16xf32>
    %swap3A_37 = arith.constant 96 : index
    %swap3A_38 = tpu.vector_load %arg5[%swap3A_37] {strides = array<i32>} : memref<128xf32, #tpu.memory_space<vmem>>, vector<16xf32>,
    %swap3A_39 = vector.shape_cast %swap3A_38 : vector<16xf32> to vector<16xf32>
    %swap3A_40 = vector.shape_cast %broadcast_in_dim3A_36 : vector<16xf32> to vector<16xf32>
    tpu.vector_store %arg5[%swap3A_37], %swap3A_40 {strides = array<i32>} : memref<128xf32, #tpu.memory_space<vmem>>, vector<16xf32>,
    %broadcast_in_dim3A_41 = arith.constant 1.000000e+00 : f32
    %broadcast_in_dim3A_42 = vector.broadcast %broadcast_in_dim3A_41 : f32 to vector<16xf32>
    %swap3A_43 = arith.constant 112 : index
    %swap3A_44 = tpu.vector_load %arg5[%swap3A_43] {strides = array<i32>} : memref<128xf32, #tpu.memory_space<vmem>>, vector<16xf32>,
    %swap3A_45 = vector.shape_cast %swap3A_44 : vector<16xf32> to vector<16xf32>
    %swap3A_46 = vector.shape_cast %broadcast_in_dim3A_42 : vector<16xf32> to vector<16xf32>
    tpu.vector_store %arg5[%swap3A_43], %swap3A_46 {strides = array<i32>} : memref<128xf32, #tpu.memory_space<vmem>>, vector<16xf32>,
    %broadcast_in_dim3A_47 = arith.constant 0.000000e+00 : f32
    %broadcast_in_dim3A_48 = vector.broadcast %broadcast_in_dim3A_47 : f32 to vector<16xf32>
    %swap3A_49 = arith.constant 0 : index
    %swap3A_50 = tpu.vector_load %arg6[%swap3A_49] {strides = array<i32>} : memref<640xf32, #tpu.memory_space<vmem>>, vector<16xf32>,
    %swap3A_51 = vector.shape_cast %swap3A_50 : vector<16xf32> to vector<16xf32>
    %swap3A_52 = vector.shape_cast %broadcast_in_dim3A_48 : vector<16xf32> to vector<16xf32>
    tpu.vector_store %arg6[%swap3A_49], %swap3A_52 {strides = array<i32>} : memref<640xf32, #tpu.memory_space<vmem>>, vector<16xf32>,
    %broadcast_in_dim3A_53 = arith.constant 0.000000e+00 : f32
    %broadcast_in_dim3A_54 = vector.broadcast %broadcast_in_dim3A_53 : f32 to vector<16xf32>
    %swap3A_55 = arith.constant 16 : index
    %swap3A_56 = tpu.vector_load %arg6[%swap3A_55] {strides = array<i32>} : memref<640xf32, #tpu.memory_space<vmem>>, vector<16xf32>,
    %swap3A_57 = vector.shape_cast %swap3A_56 : vector<16xf32> to vector<16xf32>
    %swap3A_58 = vector.shape_cast %broadcast_in_dim3A_54 : vector<16xf32> to vector<16xf32>
    tpu.vector_store %arg6[%swap3A_55], %swap3A_58 {strides = array<i32>} : memref<640xf32, #tpu.memory_space<vmem>>, vector<16xf32>,
    %broadcast_in_dim3A_59 = arith.constant 0.000000e+00 : f32
    %broadcast_in_dim3A_60 = vector.broadcast %broadcast_in_dim3A_59 : f32 to vector<16xf32>
    %swap3A_61 = arith.constant 32 : index
    %swap3A_62 = tpu.vector_load %arg6[%swap3A_61] {strides = array<i32>} : memref<640xf32, #tpu.memory_space<vmem>>, vector<16xf32>,
    %swap3A_63 = vector.shape_cast %swap3A_62 : vector<16xf32> to vector<16xf32>
    %swap3A_64 = vector.shape_cast %broadcast_in_dim3A_60 : vector<16xf32> to vector<16xf32>
    tpu.vector_store %arg6[%swap3A_61], %swap3A_64 {strides = array<i32>} : memref<640xf32, #tpu.memory_space<vmem>>, vector<16xf32>,
    %broadcast_in_dim3A_65 = arith.constant 0.000000e+00 : f32
    %broadcast_in_dim3A_66 = vector.broadcast %broadcast_in_dim3A_65 : f32 to vector<16xf32>
    %swap3A_67 = arith.constant 48 : index
    %swap3A_68 = tpu.vector_load %arg6[%swap3A_67] {strides = array<i32>} : memref<640xf32, #tpu.memory_space<vmem>>, vector<16xf32>,
    %swap3A_69 = vector.shape_cast %swap3A_68 : vector<16xf32> to vector<16xf32>
    %swap3A_70 = vector.shape_cast %broadcast_in_dim3A_66 : vector<16xf32> to vector<16xf32>
    tpu.vector_store %arg6[%swap3A_67], %swap3A_70 {strides = array<i32>} : memref<640xf32, #tpu.memory_space<vmem>>, vector<16xf32>,
    %broadcast_in_dim3A_71 = arith.constant 0.000000e+00 : f32
    %broadcast_in_dim3A_72 = vector.broadcast %broadcast_in_dim3A_71 : f32 to vector<16xf32>
    %swap3A_73 = arith.constant 64 : index
    %swap3A_74 = tpu.vector_load %arg6[%swap3A_73] {strides = array<i32>} : memref<640xf32, #tpu.memory_space<vmem>>, vector<16xf32>,
    %swap3A_75 = vector.shape_cast %swap3A_74 : vector<16xf32> to vector<16xf32>
    %swap3A_76 = vector.shape_cast %broadcast_in_dim3A_72 : vector<16xf32> to vector<16xf32>
    tpu.vector_store %arg6[%swap3A_73], %swap3A_76 {strides = array<i32>} : memref<640xf32, #tpu.memory_space<vmem>>, vector<16xf32>,
    %broadcast_in_dim3A_77 = arith.constant 0.000000e+00 : f32
    %broadcast_in_dim3A_78 = vector.broadcast %broadcast_in_dim3A_77 : f32 to vector<16xf32>
    %swap3A_79 = arith.constant 80 : index
    %swap3A_80 = tpu.vector_load %arg6[%swap3A_79] {strides = array<i32>} : memref<640xf32, #tpu.memory_space<vmem>>, vector<16xf32>,
    %swap3A_81 = vector.shape_cast %swap3A_80 : vector<16xf32> to vector<16xf32>
    %swap3A_82 = vector.shape_cast %broadcast_in_dim3A_78 : vector<16xf32> to vector<16xf32>
    tpu.vector_store %arg6[%swap3A_79], %swap3A_82 {strides = array<i32>} : memref<640xf32, #tpu.memory_space<vmem>>, vector<16xf32>,
    %broadcast_in_dim3A_83 = arith.constant 0.000000e+00 : f32
    %broadcast_in_dim3A_84 = vector.broadcast %broadcast_in_dim3A_83 : f32 to vector<16xf32>
    %swap3A_85 = arith.constant 96 : index
    %swap3A_86 = tpu.vector_load %arg6[%swap3A_85] {strides = array<i32>} : memref<640xf32, #tpu.memory_space<vmem>>, vector<16xf32>,
    %swap3A_87 = vector.shape_cast %swap3A_86 : vector<16xf32> to vector<16xf32>
    %swap3A_88 = vector.shape_cast %broadcast_in_dim3A_84 : vector<16xf32> to vector<16xf32>
    tpu.vector_store %arg6[%swap3A_85], %swap3A_88 {strides = array<i32>} : memref<640xf32, #tpu.memory_space<vmem>>, vector<16xf32>,
    %broadcast_in_dim3A_89 = arith.constant 0.000000e+00 : f32
    %broadcast_in_dim3A_90 = vector.broadcast %broadcast_in_dim3A_89 : f32 to vector<16xf32>
    %swap3A_91 = arith.constant 112 : index
    %swap3A_92 = tpu.vector_load %arg6[%swap3A_91] {strides = array<i32>} : memref<640xf32, #tpu.memory_space<vmem>>, vector<16xf32>,
    %swap3A_93 = vector.shape_cast %swap3A_92 : vector<16xf32> to vector<16xf32>
    %swap3A_94 = vector.shape_cast %broadcast_in_dim3A_90 : vector<16xf32> to vector<16xf32>
    tpu.vector_store %arg6[%swap3A_91], %swap3A_94 {strides = array<i32>} : memref<640xf32, #tpu.memory_space<vmem>>, vector<16xf32>,
    %broadcast_in_dim3A_95 = arith.constant 0.000000e+00 : f32
    %broadcast_in_dim3A_96 = vector.broadcast %broadcast_in_dim3A_95 : f32 to vector<16xf32>
    %swap3A_97 = arith.constant 128 : index
    %swap3A_98 = tpu.vector_load %arg6[%swap3A_97] {strides = array<i32>} : memref<640xf32, #tpu.memory_space<vmem>>, vector<16xf32>,
    %swap3A_99 = vector.shape_cast %swap3A_98 : vector<16xf32> to vector<16xf32>
    %swap3A_100 = vector.shape_cast %broadcast_in_dim3A_96 : vector<16xf32> to vector<16xf32>
    tpu.vector_store %arg6[%swap3A_97], %swap3A_100 {strides = array<i32>} : memref<640xf32, #tpu.memory_space<vmem>>, vector<16xf32>,
    %broadcast_in_dim3A_101 = arith.constant 0.000000e+00 : f32
    %broadcast_in_dim3A_102 = vector.broadcast %broadcast_in_dim3A_101 : f32 to vector<16xf32>
    %swap3A_103 = arith.constant 144 : index
    %swap3A_104 = tpu.vector_load %arg6[%swap3A_103] {strides = array<i32>} : memref<640xf32, #tpu.memory_space<vmem>>, vector<16xf32>,
    %swap3A_105 = vector.shape_cast %swap3A_104 : vector<16xf32> to vector<16xf32>
    %swap3A_106 = vector.shape_cast %broadcast_in_dim3A_102 : vector<16xf32> to vector<16xf32>
    tpu.vector_store %arg6[%swap3A_103], %swap3A_106 {strides = array<i32>} : memref<640xf32, #tpu.memory_space<vmem>>, vector<16xf32>,
    %broadcast_in_dim3A_107 = arith.constant 0.000000e+00 : f32
    %broadcast_in_dim3A_108 = vector.broadcast %broadcast_in_dim3A_107 : f32 to vector<16xf32>
    %swap3A_109 = arith.constant 160 : index
    %swap3A_110 = tpu.vector_load %arg6[%swap3A_109] {strides = array<i32>} : memref<640xf32, #tpu.memory_space<vmem>>, vector<16xf32>,
    %swap3A_111 = vector.shape_cast %swap3A_110 : vector<16xf32> to vector<16xf32>
    %swap3A_112 = vector.shape_cast %broadcast_in_dim3A_108 : vector<16xf32> to vector<16xf32>
    tpu.vector_store %arg6[%swap3A_109], %swap3A_112 {strides = array<i32>} : memref<640xf32, #tpu.memory_space<vmem>>, vector<16xf32>,
    %broadcast_in_dim3A_113 = arith.constant 0.000000e+00 : f32
    %broadcast_in_dim3A_114 = vector.broadcast %broadcast_in_dim3A_113 : f32 to vector<16xf32>
    %swap3A_115 = arith.constant 176 : index
    %swap3A_116 = tpu.vector_load %arg6[%swap3A_115] {strides = array<i32>} : memref<640xf32, #tpu.memory_space<vmem>>, vector<16xf32>,
    %swap3A_117 = vector.shape_cast %swap3A_116 : vector<16xf32> to vector<16xf32>
    %swap3A_118 = vector.shape_cast %broadcast_in_dim3A_114 : vector<16xf32> to vector<16xf32>
    tpu.vector_store %arg6[%swap3A_115], %swap3A_118 {strides = array<i32>} : memref<640xf32, #tpu.memory_space<vmem>>, vector<16xf32>,
    %broadcast_in_dim3A_119 = arith.constant 0.000000e+00 : f32
    %broadcast_in_dim3A_120 = vector.broadcast %broadcast_in_dim3A_119 : f32 to vector<16xf32>
    %swap3A_121 = arith.constant 192 : index
    %swap3A_122 = tpu.vector_load %arg6[%swap3A_121] {strides = array<i32>} : memref<640xf32, #tpu.memory_space<vmem>>, vector<16xf32>,
    %swap3A_123 = vector.shape_cast %swap3A_122 : vector<16xf32> to vector<16xf32>
    %swap3A_124 = vector.shape_cast %broadcast_in_dim3A_120 : vector<16xf32> to vector<16xf32>
    tpu.vector_store %arg6[%swap3A_121], %swap3A_124 {strides = array<i32>} : memref<640xf32, #tpu.memory_space<vmem>>, vector<16xf32>,
    %broadcast_in_dim3A_125 = arith.constant 0.000000e+00 : f32
    %broadcast_in_dim3A_126 = vector.broadcast %broadcast_in_dim3A_125 : f32 to vector<16xf32>
    %swap3A_127 = arith.constant 208 : index
    %swap3A_128 = tpu.vector_load %arg6[%swap3A_127] {strides = array<i32>} : memref<640xf32, #tpu.memory_space<vmem>>, vector<16xf32>,
    %swap3A_129 = vector.shape_cast %swap3A_128 : vector<16xf32> to vector<16xf32>
    %swap3A_130 = vector.shape_cast %broadcast_in_dim3A_126 : vector<16xf32> to vector<16xf32>
    tpu.vector_store %arg6[%swap3A_127], %swap3A_130 {strides = array<i32>} : memref<640xf32, #tpu.memory_space<vmem>>, vector<16xf32>,
    %broadcast_in_dim3A_131 = arith.constant 0.000000e+00 : f32
    %broadcast_in_dim3A_132 = vector.broadcast %broadcast_in_dim3A_131 : f32 to vector<16xf32>
    %swap3A_133 = arith.constant 224 : index
    %swap3A_134 = tpu.vector_load %arg6[%swap3A_133] {strides = array<i32>} : memref<640xf32, #tpu.memory_space<vmem>>, vector<16xf32>,
    %swap3A_135 = vector.shape_cast %swap3A_134 : vector<16xf32> to vector<16xf32>
    %swap3A_136 = vector.shape_cast %broadcast_in_dim3A_132 : vector<16xf32> to vector<16xf32>
    tpu.vector_store %arg6[%swap3A_133], %swap3A_136 {strides = array<i32>} : memref<640xf32, #tpu.memory_space<vmem>>, vector<16xf32>,
    %broadcast_in_dim3A_137 = arith.constant 0.000000e+00 : f32
    %broadcast_in_dim3A_138 = vector.broadcast %broadcast_in_dim3A_137 : f32 to vector<16xf32>
    %swap3A_139 = arith.constant 240 : index
    %swap3A_140 = tpu.vector_load %arg6[%swap3A_139] {strides = array<i32>} : memref<640xf32, #tpu.memory_space<vmem>>, vector<16xf32>,
    %swap3A_141 = vector.shape_cast %swap3A_140 : vector<16xf32> to vector<16xf32>
    %swap3A_142 = vector.shape_cast %broadcast_in_dim3A_138 : vector<16xf32> to vector<16xf32>
    tpu.vector_store %arg6[%swap3A_139], %swap3A_142 {strides = array<i32>} : memref<640xf32, #tpu.memory_space<vmem>>, vector<16xf32>,
    %broadcast_in_dim3A_143 = arith.constant 0.000000e+00 : f32
    %broadcast_in_dim3A_144 = vector.broadcast %broadcast_in_dim3A_143 : f32 to vector<16xf32>
    %swap3A_145 = arith.constant 256 : index
    %swap3A_146 = tpu.vector_load %arg6[%swap3A_145] {strides = array<i32>} : memref<640xf32, #tpu.memory_space<vmem>>, vector<16xf32>,
    %swap3A_147 = vector.shape_cast %swap3A_146 : vector<16xf32> to vector<16xf32>
    %swap3A_148 = vector.shape_cast %broadcast_in_dim3A_144 : vector<16xf32> to vector<16xf32>
    tpu.vector_store %arg6[%swap3A_145], %swap3A_148 {strides = array<i32>} : memref<640xf32, #tpu.memory_space<vmem>>, vector<16xf32>,
    %broadcast_in_dim3A_149 = arith.constant 0.000000e+00 : f32
    %broadcast_in_dim3A_150 = vector.broadcast %broadcast_in_dim3A_149 : f32 to vector<16xf32>
    %swap3A_151 = arith.constant 272 : index
    %swap3A_152 = tpu.vector_load %arg6[%swap3A_151] {strides = array<i32>} : memref<640xf32, #tpu.memory_space<vmem>>, vector<16xf32>,
    %swap3A_153 = vector.shape_cast %swap3A_152 : vector<16xf32> to vector<16xf32>
    %swap3A_154 = vector.shape_cast %broadcast_in_dim3A_150 : vector<16xf32> to vector<16xf32>
    tpu.vector_store %arg6[%swap3A_151], %swap3A_154 {strides = array<i32>} : memref<640xf32, #tpu.memory_space<vmem>>, vector<16xf32>,
    %broadcast_in_dim3A_155 = arith.constant 0.000000e+00 : f32
    %broadcast_in_dim3A_156 = vector.broadcast %broadcast_in_dim3A_155 : f32 to vector<16xf32>
    %swap3A_157 = arith.constant 288 : index
    %swap3A_158 = tpu.vector_load %arg6[%swap3A_157] {strides = array<i32>} : memref<640xf32, #tpu.memory_space<vmem>>, vector<16xf32>,
    %swap3A_159 = vector.shape_cast %swap3A_158 : vector<16xf32> to vector<16xf32>
    %swap3A_160 = vector.shape_cast %broadcast_in_dim3A_156 : vector<16xf32> to vector<16xf32>
    tpu.vector_store %arg6[%swap3A_157], %swap3A_160 {strides = array<i32>} : memref<640xf32, #tpu.memory_space<vmem>>, vector<16xf32>,
    %broadcast_in_dim3A_161 = arith.constant 0.000000e+00 : f32
    %broadcast_in_dim3A_162 = vector.broadcast %broadcast_in_dim3A_161 : f32 to vector<16xf32>
    %swap3A_163 = arith.constant 304 : index
    %swap3A_164 = tpu.vector_load %arg6[%swap3A_163] {strides = array<i32>} : memref<640xf32, #tpu.memory_space<vmem>>, vector<16xf32>,
    %swap3A_165 = vector.shape_cast %swap3A_164 : vector<16xf32> to vector<16xf32>
    %swap3A_166 = vector.shape_cast %broadcast_in_dim3A_162 : vector<16xf32> to vector<16xf32>
    tpu.vector_store %arg6[%swap3A_163], %swap3A_166 {strides = array<i32>} : memref<640xf32, #tpu.memory_space<vmem>>, vector<16xf32>,
    %broadcast_in_dim3A_167 = arith.constant 0.000000e+00 : f32
    %broadcast_in_dim3A_168 = vector.broadcast %broadcast_in_dim3A_167 : f32 to vector<16xf32>
    %swap3A_169 = arith.constant 320 : index
    %swap3A_170 = tpu.vector_load %arg6[%swap3A_169] {strides = array<i32>} : memref<640xf32, #tpu.memory_space<vmem>>, vector<16xf32>,
    %swap3A_171 = vector.shape_cast %swap3A_170 : vector<16xf32> to vector<16xf32>
    %swap3A_172 = vector.shape_cast %broadcast_in_dim3A_168 : vector<16xf32> to vector<16xf32>
    tpu.vector_store %arg6[%swap3A_169], %swap3A_172 {strides = array<i32>} : memref<640xf32, #tpu.memory_space<vmem>>, vector<16xf32>,
    %broadcast_in_dim3A_173 = arith.constant 0.000000e+00 : f32
    %broadcast_in_dim3A_174 = vector.broadcast %broadcast_in_dim3A_173 : f32 to vector<16xf32>
    %swap3A_175 = arith.constant 336 : index
    %swap3A_176 = tpu.vector_load %arg6[%swap3A_175] {strides = array<i32>} : memref<640xf32, #tpu.memory_space<vmem>>, vector<16xf32>,
    %swap3A_177 = vector.shape_cast %swap3A_176 : vector<16xf32> to vector<16xf32>
    %swap3A_178 = vector.shape_cast %broadcast_in_dim3A_174 : vector<16xf32> to vector<16xf32>
    tpu.vector_store %arg6[%swap3A_175], %swap3A_178 {strides = array<i32>} : memref<640xf32, #tpu.memory_space<vmem>>, vector<16xf32>,
    %broadcast_in_dim3A_179 = arith.constant 0.000000e+00 : f32
    %broadcast_in_dim3A_180 = vector.broadcast %broadcast_in_dim3A_179 : f32 to vector<16xf32>
    %swap3A_181 = arith.constant 352 : index
    %swap3A_182 = tpu.vector_load %arg6[%swap3A_181] {strides = array<i32>} : memref<640xf32, #tpu.memory_space<vmem>>, vector<16xf32>,
    %swap3A_183 = vector.shape_cast %swap3A_182 : vector<16xf32> to vector<16xf32>
    %swap3A_184 = vector.shape_cast %broadcast_in_dim3A_180 : vector<16xf32> to vector<16xf32>
    tpu.vector_store %arg6[%swap3A_181], %swap3A_184 {strides = array<i32>} : memref<640xf32, #tpu.memory_space<vmem>>, vector<16xf32>,
    %broadcast_in_dim3A_185 = arith.constant 0.000000e+00 : f32
    %broadcast_in_dim3A_186 = vector.broadcast %broadcast_in_dim3A_185 : f32 to vector<16xf32>
    %swap3A_187 = arith.constant 368 : index
    %swap3A_188 = tpu.vector_load %arg6[%swap3A_187] {strides = array<i32>} : memref<640xf32, #tpu.memory_space<vmem>>, vector<16xf32>,
    %swap3A_189 = vector.shape_cast %swap3A_188 : vector<16xf32> to vector<16xf32>
    %swap3A_190 = vector.shape_cast %broadcast_in_dim3A_186 : vector<16xf32> to vector<16xf32>
    tpu.vector_store %arg6[%swap3A_187], %swap3A_190 {strides = array<i32>} : memref<640xf32, #tpu.memory_space<vmem>>, vector<16xf32>,
    %broadcast_in_dim3A_191 = arith.constant 0.000000e+00 : f32
    %broadcast_in_dim3A_192 = vector.broadcast %broadcast_in_dim3A_191 : f32 to vector<16xf32>
    %swap3A_193 = arith.constant 384 : index
    %swap3A_194 = tpu.vector_load %arg6[%swap3A_193] {strides = array<i32>} : memref<640xf32, #tpu.memory_space<vmem>>, vector<16xf32>,
    %swap3A_195 = vector.shape_cast %swap3A_194 : vector<16xf32> to vector<16xf32>
    %swap3A_196 = vector.shape_cast %broadcast_in_dim3A_192 : vector<16xf32> to vector<16xf32>
    tpu.vector_store %arg6[%swap3A_193], %swap3A_196 {strides = array<i32>} : memref<640xf32, #tpu.memory_space<vmem>>, vector<16xf32>,
    %broadcast_in_dim3A_197 = arith.constant 0.000000e+00 : f32
    %broadcast_in_dim3A_198 = vector.broadcast %broadcast_in_dim3A_197 : f32 to vector<16xf32>
    %swap3A_199 = arith.constant 400 : index
    %swap3A_200 = tpu.vector_load %arg6[%swap3A_199] {strides = array<i32>} : memref<640xf32, #tpu.memory_space<vmem>>, vector<16xf32>,
    %swap3A_201 = vector.shape_cast %swap3A_200 : vector<16xf32> to vector<16xf32>
    %swap3A_202 = vector.shape_cast %broadcast_in_dim3A_198 : vector<16xf32> to vector<16xf32>
    tpu.vector_store %arg6[%swap3A_199], %swap3A_202 {strides = array<i32>} : memref<640xf32, #tpu.memory_space<vmem>>, vector<16xf32>,
    %broadcast_in_dim3A_203 = arith.constant 0.000000e+00 : f32
    %broadcast_in_dim3A_204 = vector.broadcast %broadcast_in_dim3A_203 : f32 to vector<16xf32>
    %swap3A_205 = arith.constant 416 : index
    %swap3A_206 = tpu.vector_load %arg6[%swap3A_205] {strides = array<i32>} : memref<640xf32, #tpu.memory_space<vmem>>, vector<16xf32>,
    %swap3A_207 = vector.shape_cast %swap3A_206 : vector<16xf32> to vector<16xf32>
    %swap3A_208 = vector.shape_cast %broadcast_in_dim3A_204 : vector<16xf32> to vector<16xf32>
    tpu.vector_store %arg6[%swap3A_205], %swap3A_208 {strides = array<i32>} : memref<640xf32, #tpu.memory_space<vmem>>, vector<16xf32>,
    %broadcast_in_dim3A_209 = arith.constant 0.000000e+00 : f32
    %broadcast_in_dim3A_210 = vector.broadcast %broadcast_in_dim3A_209 : f32 to vector<16xf32>
    %swap3A_211 = arith.constant 432 : index
    %swap3A_212 = tpu.vector_load %arg6[%swap3A_211] {strides = array<i32>} : memref<640xf32, #tpu.memory_space<vmem>>, vector<16xf32>,
    %swap3A_213 = vector.shape_cast %swap3A_212 : vector<16xf32> to vector<16xf32>
    %swap3A_214 = vector.shape_cast %broadcast_in_dim3A_210 : vector<16xf32> to vector<16xf32>
    tpu.vector_store %arg6[%swap3A_211], %swap3A_214 {strides = array<i32>} : memref<640xf32, #tpu.memory_space<vmem>>, vector<16xf32>,
    %broadcast_in_dim3A_215 = arith.constant 0.000000e+00 : f32
    %broadcast_in_dim3A_216 = vector.broadcast %broadcast_in_dim3A_215 : f32 to vector<16xf32>
    %swap3A_217 = arith.constant 448 : index
    %swap3A_218 = tpu.vector_load %arg6[%swap3A_217] {strides = array<i32>} : memref<640xf32, #tpu.memory_space<vmem>>, vector<16xf32>,
    %swap3A_219 = vector.shape_cast %swap3A_218 : vector<16xf32> to vector<16xf32>
    %swap3A_220 = vector.shape_cast %broadcast_in_dim3A_216 : vector<16xf32> to vector<16xf32>
    tpu.vector_store %arg6[%swap3A_217], %swap3A_220 {strides = array<i32>} : memref<640xf32, #tpu.memory_space<vmem>>, vector<16xf32>,
    %broadcast_in_dim3A_221 = arith.constant 0.000000e+00 : f32
    %broadcast_in_dim3A_222 = vector.broadcast %broadcast_in_dim3A_221 : f32 to vector<16xf32>
    %swap3A_223 = arith.constant 464 : index
    %swap3A_224 = tpu.vector_load %arg6[%swap3A_223] {strides = array<i32>} : memref<640xf32, #tpu.memory_space<vmem>>, vector<16xf32>,
    %swap3A_225 = vector.shape_cast %swap3A_224 : vector<16xf32> to vector<16xf32>
    %swap3A_226 = vector.shape_cast %broadcast_in_dim3A_222 : vector<16xf32> to vector<16xf32>
    tpu.vector_store %arg6[%swap3A_223], %swap3A_226 {strides = array<i32>} : memref<640xf32, #tpu.memory_space<vmem>>, vector<16xf32>,
    %broadcast_in_dim3A_227 = arith.constant 0.000000e+00 : f32
    %broadcast_in_dim3A_228 = vector.broadcast %broadcast_in_dim3A_227 : f32 to vector<16xf32>
    %swap3A_229 = arith.constant 480 : index
    %swap3A_230 = tpu.vector_load %arg6[%swap3A_229] {strides = array<i32>} : memref<640xf32, #tpu.memory_space<vmem>>, vector<16xf32>,
    %swap3A_231 = vector.shape_cast %swap3A_230 : vector<16xf32> to vector<16xf32>
    %swap3A_232 = vector.shape_cast %broadcast_in_dim3A_228 : vector<16xf32> to vector<16xf32>
    tpu.vector_store %arg6[%swap3A_229], %swap3A_232 {strides = array<i32>} : memref<640xf32, #tpu.memory_space<vmem>>, vector<16xf32>,
    %broadcast_in_dim3A_233 = arith.constant 0.000000e+00 : f32
    %broadcast_in_dim3A_234 = vector.broadcast %broadcast_in_dim3A_233 : f32 to vector<16xf32>
    %swap3A_235 = arith.constant 496 : index
    %swap3A_236 = tpu.vector_load %arg6[%swap3A_235] {strides = array<i32>} : memref<640xf32, #tpu.memory_space<vmem>>, vector<16xf32>,
    %swap3A_237 = vector.shape_cast %swap3A_236 : vector<16xf32> to vector<16xf32>
    %swap3A_238 = vector.shape_cast %broadcast_in_dim3A_234 : vector<16xf32> to vector<16xf32>
    tpu.vector_store %arg6[%swap3A_235], %swap3A_238 {strides = array<i32>} : memref<640xf32, #tpu.memory_space<vmem>>, vector<16xf32>,
    %broadcast_in_dim3A_239 = arith.constant 0.000000e+00 : f32
    %broadcast_in_dim3A_240 = vector.broadcast %broadcast_in_dim3A_239 : f32 to vector<16xf32>
    %swap3A_241 = arith.constant 512 : index
    %swap3A_242 = tpu.vector_load %arg6[%swap3A_241] {strides = array<i32>} : memref<640xf32, #tpu.memory_space<vmem>>, vector<16xf32>,
    %swap3A_243 = vector.shape_cast %swap3A_242 : vector<16xf32> to vector<16xf32>
    %swap3A_244 = vector.shape_cast %broadcast_in_dim3A_240 : vector<16xf32> to vector<16xf32>
    tpu.vector_store %arg6[%swap3A_241], %swap3A_244 {strides = array<i32>} : memref<640xf32, #tpu.memory_space<vmem>>, vector<16xf32>,
    %broadcast_in_dim3A_245 = arith.constant 0.000000e+00 : f32
    %broadcast_in_dim3A_246 = vector.broadcast %broadcast_in_dim3A_245 : f32 to vector<16xf32>
    %swap3A_247 = arith.constant 528 : index
    %swap3A_248 = tpu.vector_load %arg6[%swap3A_247] {strides = array<i32>} : memref<640xf32, #tpu.memory_space<vmem>>, vector<16xf32>,
    %swap3A_249 = vector.shape_cast %swap3A_248 : vector<16xf32> to vector<16xf32>
    %swap3A_250 = vector.shape_cast %broadcast_in_dim3A_246 : vector<16xf32> to vector<16xf32>
    tpu.vector_store %arg6[%swap3A_247], %swap3A_250 {strides = array<i32>} : memref<640xf32, #tpu.memory_space<vmem>>, vector<16xf32>,
    %broadcast_in_dim3A_251 = arith.constant 0.000000e+00 : f32
    %broadcast_in_dim3A_252 = vector.broadcast %broadcast_in_dim3A_251 : f32 to vector<16xf32>
    %swap3A_253 = arith.constant 544 : index
    %swap3A_254 = tpu.vector_load %arg6[%swap3A_253] {strides = array<i32>} : memref<640xf32, #tpu.memory_space<vmem>>, vector<16xf32>,
    %swap3A_255 = vector.shape_cast %swap3A_254 : vector<16xf32> to vector<16xf32>
    %swap3A_256 = vector.shape_cast %broadcast_in_dim3A_252 : vector<16xf32> to vector<16xf32>
    tpu.vector_store %arg6[%swap3A_253], %swap3A_256 {strides = array<i32>} : memref<640xf32, #tpu.memory_space<vmem>>, vector<16xf32>,
    %broadcast_in_dim3A_257 = arith.constant 0.000000e+00 : f32
    %broadcast_in_dim3A_258 = vector.broadcast %broadcast_in_dim3A_257 : f32 to vector<16xf32>
    %swap3A_259 = arith.constant 560 : index
    %swap3A_260 = tpu.vector_load %arg6[%swap3A_259] {strides = array<i32>} : memref<640xf32, #tpu.memory_space<vmem>>, vector<16xf32>,
    %swap3A_261 = vector.shape_cast %swap3A_260 : vector<16xf32> to vector<16xf32>
    %swap3A_262 = vector.shape_cast %broadcast_in_dim3A_258 : vector<16xf32> to vector<16xf32>
    tpu.vector_store %arg6[%swap3A_259], %swap3A_262 {strides = array<i32>} : memref<640xf32, #tpu.memory_space<vmem>>, vector<16xf32>,
    %broadcast_in_dim3A_263 = arith.constant 0.000000e+00 : f32
    %broadcast_in_dim3A_264 = vector.broadcast %broadcast_in_dim3A_263 : f32 to vector<16xf32>
    %swap3A_265 = arith.constant 576 : index
    %swap3A_266 = tpu.vector_load %arg6[%swap3A_265] {strides = array<i32>} : memref<640xf32, #tpu.memory_space<vmem>>, vector<16xf32>,
    %swap3A_267 = vector.shape_cast %swap3A_266 : vector<16xf32> to vector<16xf32>
    %swap3A_268 = vector.shape_cast %broadcast_in_dim3A_264 : vector<16xf32> to vector<16xf32>
    tpu.vector_store %arg6[%swap3A_265], %swap3A_268 {strides = array<i32>} : memref<640xf32, #tpu.memory_space<vmem>>, vector<16xf32>,
    %broadcast_in_dim3A_269 = arith.constant 0.000000e+00 : f32
    %broadcast_in_dim3A_270 = vector.broadcast %broadcast_in_dim3A_269 : f32 to vector<16xf32>
    %swap3A_271 = arith.constant 592 : index
    %swap3A_272 = tpu.vector_load %arg6[%swap3A_271] {strides = array<i32>} : memref<640xf32, #tpu.memory_space<vmem>>, vector<16xf32>,
    %swap3A_273 = vector.shape_cast %swap3A_272 : vector<16xf32> to vector<16xf32>
    %swap3A_274 = vector.shape_cast %broadcast_in_dim3A_270 : vector<16xf32> to vector<16xf32>
    tpu.vector_store %arg6[%swap3A_271], %swap3A_274 {strides = array<i32>} : memref<640xf32, #tpu.memory_space<vmem>>, vector<16xf32>,
    %broadcast_in_dim3A_275 = arith.constant 0.000000e+00 : f32
    %broadcast_in_dim3A_276 = vector.broadcast %broadcast_in_dim3A_275 : f32 to vector<16xf32>
    %swap3A_277 = arith.constant 608 : index
    %swap3A_278 = tpu.vector_load %arg6[%swap3A_277] {strides = array<i32>} : memref<640xf32, #tpu.memory_space<vmem>>, vector<16xf32>,
    %swap3A_279 = vector.shape_cast %swap3A_278 : vector<16xf32> to vector<16xf32>
    %swap3A_280 = vector.shape_cast %broadcast_in_dim3A_276 : vector<16xf32> to vector<16xf32>
    tpu.vector_store %arg6[%swap3A_277], %swap3A_280 {strides = array<i32>} : memref<640xf32, #tpu.memory_space<vmem>>, vector<16xf32>,
    %broadcast_in_dim3A_281 = arith.constant 0.000000e+00 : f32
    %broadcast_in_dim3A_282 = vector.broadcast %broadcast_in_dim3A_281 : f32 to vector<16xf32>
    %swap3A_283 = arith.constant 624 : index
    %swap3A_284 = tpu.vector_load %arg6[%swap3A_283] {strides = array<i32>} : memref<640xf32, #tpu.memory_space<vmem>>, vector<16xf32>,
    %swap3A_285 = vector.shape_cast %swap3A_284 : vector<16xf32> to vector<16xf32>
    %swap3A_286 = vector.shape_cast %broadcast_in_dim3A_282 : vector<16xf32> to vector<16xf32>
    tpu.vector_store %arg6[%swap3A_283], %swap3A_286 {strides = array<i32>} : memref<640xf32, #tpu.memory_space<vmem>>, vector<16xf32>,
    %mul3A_287 = arith.constant 80 : i32
    %mul3A_288 = arith.muli %add3A, %mul3A_287 : i32
    "tpu.region"() ({
      %run_scoped3A = tpu.sem_alloc : memref<!tpu.dma_semaphore, #tpu.memory_space<semaphore_mem>>
      %dma_start3A_347 = arith.constant 0 : i32
      %dma_start3A_348 = tpu.memref_slice %arg2[%mul3A_288, %dma_start3A_347] : memref<2560x128xi32, #tpu.memory_space<hbm>> -> memref<80x128xi32, #tpu.memory_space<hbm>>
      %dma_start3A_349 = arith.constant 0 : i32
      %dma_start3A_350 = tpu.memref_slice %arg2[%mul3A_288, %dma_start3A_349] : memref<2560x128xi32, #tpu.memory_space<hbm>> -> memref<80x128xi32, #tpu.memory_space<hbm>>
      tpu.enqueue_dma source(%dma_start3A_350 : memref<80x128xi32, #tpu.memory_space<hbm>>) target(%arg4 : memref<80x128xi32, #tpu.memory_space<vmem>>) target_semaphore(%run_scoped3A : memref<!tpu.dma_semaphore, #tpu.memory_space<semaphore_mem>>)
      %dma_wait3A_351 = arith.constant 0 : i32
      %dma_wait3A_352 = tpu.memref_slice %arg2[%mul3A_288, %dma_wait3A_351] : memref<2560x128xi32, #tpu.memory_space<hbm>> -> memref<80x128xi32, #tpu.memory_space<hbm>>
      %dma_wait3A_353 = arith.constant 0 : i32
      %dma_wait3A_354 = tpu.memref_slice %arg2[%mul3A_288, %dma_wait3A_353] : memref<2560x128xi32, #tpu.memory_space<hbm>> -> memref<80x128xi32, #tpu.memory_space<hbm>>
      tpu.wait_dma2 semaphore(%run_scoped3A : memref<!tpu.dma_semaphore, #tpu.memory_space<semaphore_mem>>) src(%dma_wait3A_354 : memref<80x128xi32, #tpu.memory_space<hbm>>) dst(%arg4 : memref<80x128xi32, #tpu.memory_space<vmem>>)
      tpu.yield
    }) : () -> ()
    %mul3A_289 = arith.constant 640 : i32
    %mul3A_290 = arith.muli %arg1, %mul3A_289 : i32
    "tpu.region"() ({
      %run_scoped3A = tpu.sem_alloc : memref<!tpu.dma_semaphore, #tpu.memory_space<semaphore_mem>>
      %dma_start3A_347 = tpu.memref_slice %arg7[%mul3A_290] : memref<10240xf32, #tpu.memory_space<vmem_shared>> -> memref<640xf32, #tpu.memory_space<vmem_shared>>
      %dma_start3A_348 = tpu.memref_slice %arg7[%mul3A_290] : memref<10240xf32, #tpu.memory_space<vmem_shared>> -> memref<640xf32, #tpu.memory_space<vmem_shared>>
      tpu.enqueue_dma source(%arg6 : memref<640xf32, #tpu.memory_space<vmem>>) target(%dma_start3A_348 : memref<640xf32, #tpu.memory_space<vmem_shared>>) target_semaphore(%run_scoped3A : memref<!tpu.dma_semaphore, #tpu.memory_space<semaphore_mem>>)
      %dma_wait3A_349 = tpu.memref_slice %arg7[%mul3A_290] : memref<10240xf32, #tpu.memory_space<vmem_shared>> -> memref<640xf32, #tpu.memory_space<vmem_shared>>
      %dma_wait3A_350 = tpu.memref_slice %arg7[%mul3A_290] : memref<10240xf32, #tpu.memory_space<vmem_shared>> -> memref<640xf32, #tpu.memory_space<vmem_shared>>
      tpu.wait_dma2 semaphore(%run_scoped3A : memref<!tpu.dma_semaphore, #tpu.memory_space<semaphore_mem>>) src(%arg6 : memref<640xf32, #tpu.memory_space<vmem>>) dst(%dma_wait3A_350 : memref<640xf32, #tpu.memory_space<vmem_shared>>)
      tpu.yield
    }) : () -> ()
    %barrier3A = arith.constant 0 : index
    tpu.barrier barrier_id(%barrier3A)
    %dma_start3A = arith.constant 0 : i32
    %dma_start3A_291 = arith.constant 0 : i32
    %dma_start3A_292 = tpu.memref_slice %arg4[%dma_start3A, %dma_start3A_291] : memref<80x128xi32, #tpu.memory_space<vmem>> -> memref<1x128xi32, #tpu.memory_space<vmem>>
    %dma_start3A_293 = tpu.memref_squeeze %dma_start3A_292 : memref<1x128xi32, #tpu.memory_space<vmem>> -> memref<128xi32, #tpu.memory_space<vmem>>
    %dma_start3A_294 = arith.constant 0 : i32
    %dma_start3A_295 = tpu.memref_slice %arg7[%dma_start3A_294] : memref<10240xf32, #tpu.memory_space<vmem_shared>> -> memref<10240xf32, #tpu.memory_space<vmem_shared>>
    tpu.enqueue_indirect_dma source(%arg5 : memref<128xf32, #tpu.memory_space<vmem>>) target(%dma_start3A_295 : memref<10240xf32, #tpu.memory_space<vmem_shared>>) offsets(%dma_start3A_293 : memref<128xi32, #tpu.memory_space<vmem>>) semaphore(%arg8 : memref<!tpu.dma_semaphore, #tpu.memory_space<semaphore_mem>>) {add = true}
    %dma_start3A_296 = arith.constant 1 : i32
    %dma_start3A_297 = arith.constant 0 : i32
    %dma_start3A_298 = tpu.memref_slice %arg4[%dma_start3A_296, %dma_start3A_297] : memref<80x128xi32, #tpu.memory_space<vmem>> -> memref<1x128xi32, #tpu.memory_space<vmem>>
    %dma_start3A_299 = tpu.memref_squeeze %dma_start3A_298 : memref<1x128xi32, #tpu.memory_space<vmem>> -> memref<128xi32, #tpu.memory_space<vmem>>
    %dma_start3A_300 = arith.constant 0 : i32
    %dma_start3A_301 = tpu.memref_slice %arg7[%dma_start3A_300] : memref<10240xf32, #tpu.memory_space<vmem_shared>> -> memref<10240xf32, #tpu.memory_space<vmem_shared>>
    tpu.enqueue_indirect_dma source(%arg5 : memref<128xf32, #tpu.memory_space<vmem>>) target(%dma_start3A_301 : memref<10240xf32, #tpu.memory_space<vmem_shared>>) offsets(%dma_start3A_299 : memref<128xi32, #tpu.memory_space<vmem>>) semaphore(%arg9 : memref<!tpu.dma_semaphore, #tpu.memory_space<semaphore_mem>>) {add = true}
    %dma_start3A_302 = arith.constant 2 : i32
    %dma_start3A_303 = arith.constant 0 : i32
    %dma_start3A_304 = tpu.memref_slice %arg4[%dma_start3A_302, %dma_start3A_303] : memref<80x128xi32, #tpu.memory_space<vmem>> -> memref<1x128xi32, #tpu.memory_space<vmem>>
    %dma_start3A_305 = tpu.memref_squeeze %dma_start3A_304 : memref<1x128xi32, #tpu.memory_space<vmem>> -> memref<128xi32, #tpu.memory_space<vmem>>
    %dma_start3A_306 = arith.constant 0 : i32
    %dma_start3A_307 = tpu.memref_slice %arg7[%dma_start3A_306] : memref<10240xf32, #tpu.memory_space<vmem_shared>> -> memref<10240xf32, #tpu.memory_space<vmem_shared>>
    tpu.enqueue_indirect_dma source(%arg5 : memref<128xf32, #tpu.memory_space<vmem>>) target(%dma_start3A_307 : memref<10240xf32, #tpu.memory_space<vmem_shared>>) offsets(%dma_start3A_305 : memref<128xi32, #tpu.memory_space<vmem>>) semaphore(%arg10 : memref<!tpu.dma_semaphore, #tpu.memory_space<semaphore_mem>>) {add = true}
    %dma_start3A_308 = arith.constant 3 : i32
    %dma_start3A_309 = arith.constant 0 : i32
    %dma_start3A_310 = tpu.memref_slice %arg4[%dma_start3A_308, %dma_start3A_309] : memref<80x128xi32, #tpu.memory_space<vmem>> -> memref<1x128xi32, #tpu.memory_space<vmem>>
    %dma_start3A_311 = tpu.memref_squeeze %dma_start3A_310 : memref<1x128xi32, #tpu.memory_space<vmem>> -> memref<128xi32, #tpu.memory_space<vmem>>
    %dma_start3A_312 = arith.constant 0 : i32
    %dma_start3A_313 = tpu.memref_slice %arg7[%dma_start3A_312] : memref<10240xf32, #tpu.memory_space<vmem_shared>> -> memref<10240xf32, #tpu.memory_space<vmem_shared>>
    tpu.enqueue_indirect_dma source(%arg5 : memref<128xf32, #tpu.memory_space<vmem>>) target(%dma_start3A_313 : memref<10240xf32, #tpu.memory_space<vmem_shared>>) offsets(%dma_start3A_311 : memref<128xi32, #tpu.memory_space<vmem>>) semaphore(%arg11 : memref<!tpu.dma_semaphore, #tpu.memory_space<semaphore_mem>>) {add = true}
    %scan3A = arith.constant 0 : i32
    %scan3A_314 = arith.constant 1 : i32
    %scan3A_315 = arith.constant 19 : i32
    %scan3A_316 = arith.addi %scan3A_314, %scan3A_315 : i32
    %scan3A_317 = arith.constant 1 : i32
    scf.for %scan3A_347 = %scan3A_314 to %scan3A_316 step %scan3A_317  : i32 {
      %mul3A_348 = arith.constant 4 : i32
      %mul3A_349 = arith.muli %scan3A_347, %mul3A_348 : i32
      %add3A_350 = arith.constant 0 : i32
      %add3A_351 = arith.addi %mul3A_349, %add3A_350 : i32
      %sub3A = arith.constant 4 : i32
      %sub3A_352 = arith.subi %add3A_351, %sub3A : i32
      %dma_wait3A_353 = arith.constant 0 : i32
      %dma_wait3A_354 = tpu.memref_slice %arg4[%sub3A_352, %dma_wait3A_353] : memref<80x128xi32, #tpu.memory_space<vmem>> -> memref<1x128xi32, #tpu.memory_space<vmem>>
      %dma_wait3A_355 = tpu.memref_squeeze %dma_wait3A_354 : memref<1x128xi32, #tpu.memory_space<vmem>> -> memref<128xi32, #tpu.memory_space<vmem>>
      %dma_wait3A_356 = arith.constant 0 : i32
      %dma_wait3A_357 = tpu.memref_slice %arg7[%dma_wait3A_356] : memref<10240xf32, #tpu.memory_space<vmem_shared>> -> memref<10240xf32, #tpu.memory_space<vmem_shared>>
      tpu.wait_indirect_dma semaphore(%arg8 : memref<!tpu.dma_semaphore, #tpu.memory_space<semaphore_mem>>) src(%arg5 : memref<128xf32, #tpu.memory_space<vmem>>) dst(%dma_wait3A_357 : memref<10240xf32, #tpu.memory_space<vmem_shared>>)
      %add3A_358 = arith.constant 0 : i32
      %add3A_359 = arith.addi %mul3A_349, %add3A_358 : i32
      %dma_start3A_360 = arith.constant 0 : i32
      %dma_start3A_361 = tpu.memref_slice %arg4[%add3A_359, %dma_start3A_360] : memref<80x128xi32, #tpu.memory_space<vmem>> -> memref<1x128xi32, #tpu.memory_space<vmem>>
      %dma_start3A_362 = tpu.memref_squeeze %dma_start3A_361 : memref<1x128xi32, #tpu.memory_space<vmem>> -> memref<128xi32, #tpu.memory_space<vmem>>
      %dma_start3A_363 = arith.constant 0 : i32
      %dma_start3A_364 = tpu.memref_slice %arg7[%dma_start3A_363] : memref<10240xf32, #tpu.memory_space<vmem_shared>> -> memref<10240xf32, #tpu.memory_space<vmem_shared>>
      tpu.enqueue_indirect_dma source(%arg5 : memref<128xf32, #tpu.memory_space<vmem>>) target(%dma_start3A_364 : memref<10240xf32, #tpu.memory_space<vmem_shared>>) offsets(%dma_start3A_362 : memref<128xi32, #tpu.memory_space<vmem>>) semaphore(%arg8 : memref<!tpu.dma_semaphore, #tpu.memory_space<semaphore_mem>>) {add = true}
      %add3A_365 = arith.constant 1 : i32
      %add3A_366 = arith.addi %mul3A_349, %add3A_365 : i32
      %sub3A_367 = arith.constant 4 : i32
      %sub3A_368 = arith.subi %add3A_366, %sub3A_367 : i32
      %dma_wait3A_369 = arith.constant 0 : i32
      %dma_wait3A_370 = tpu.memref_slice %arg4[%sub3A_368, %dma_wait3A_369] : memref<80x128xi32, #tpu.memory_space<vmem>> -> memref<1x128xi32, #tpu.memory_space<vmem>>
      %dma_wait3A_371 = tpu.memref_squeeze %dma_wait3A_370 : memref<1x128xi32, #tpu.memory_space<vmem>> -> memref<128xi32, #tpu.memory_space<vmem>>
      %dma_wait3A_372 = arith.constant 0 : i32
      %dma_wait3A_373 = tpu.memref_slice %arg7[%dma_wait3A_372] : memref<10240xf32, #tpu.memory_space<vmem_shared>> -> memref<10240xf32, #tpu.memory_space<vmem_shared>>
      tpu.wait_indirect_dma semaphore(%arg9 : memref<!tpu.dma_semaphore, #tpu.memory_space<semaphore_mem>>) src(%arg5 : memref<128xf32, #tpu.memory_space<vmem>>) dst(%dma_wait3A_373 : memref<10240xf32, #tpu.memory_space<vmem_shared>>)
      %add3A_374 = arith.constant 1 : i32
      %add3A_375 = arith.addi %mul3A_349, %add3A_374 : i32
      %dma_start3A_376 = arith.constant 0 : i32
      %dma_start3A_377 = tpu.memref_slice %arg4[%add3A_375, %dma_start3A_376] : memref<80x128xi32, #tpu.memory_space<vmem>> -> memref<1x128xi32, #tpu.memory_space<vmem>>
      %dma_start3A_378 = tpu.memref_squeeze %dma_start3A_377 : memref<1x128xi32, #tpu.memory_space<vmem>> -> memref<128xi32, #tpu.memory_space<vmem>>
      %dma_start3A_379 = arith.constant 0 : i32
      %dma_start3A_380 = tpu.memref_slice %arg7[%dma_start3A_379] : memref<10240xf32, #tpu.memory_space<vmem_shared>> -> memref<10240xf32, #tpu.memory_space<vmem_shared>>
      tpu.enqueue_indirect_dma source(%arg5 : memref<128xf32, #tpu.memory_space<vmem>>) target(%dma_start3A_380 : memref<10240xf32, #tpu.memory_space<vmem_shared>>) offsets(%dma_start3A_378 : memref<128xi32, #tpu.memory_space<vmem>>) semaphore(%arg9 : memref<!tpu.dma_semaphore, #tpu.memory_space<semaphore_mem>>) {add = true}
      %add3A_381 = arith.constant 2 : i32
      %add3A_382 = arith.addi %mul3A_349, %add3A_381 : i32
      %sub3A_383 = arith.constant 4 : i32
      %sub3A_384 = arith.subi %add3A_382, %sub3A_383 : i32
      %dma_wait3A_385 = arith.constant 0 : i32
      %dma_wait3A_386 = tpu.memref_slice %arg4[%sub3A_384, %dma_wait3A_385] : memref<80x128xi32, #tpu.memory_space<vmem>> -> memref<1x128xi32, #tpu.memory_space<vmem>>
      %dma_wait3A_387 = tpu.memref_squeeze %dma_wait3A_386 : memref<1x128xi32, #tpu.memory_space<vmem>> -> memref<128xi32, #tpu.memory_space<vmem>>
      %dma_wait3A_388 = arith.constant 0 : i32
      %dma_wait3A_389 = tpu.memref_slice %arg7[%dma_wait3A_388] : memref<10240xf32, #tpu.memory_space<vmem_shared>> -> memref<10240xf32, #tpu.memory_space<vmem_shared>>
      tpu.wait_indirect_dma semaphore(%arg10 : memref<!tpu.dma_semaphore, #tpu.memory_space<semaphore_mem>>) src(%arg5 : memref<128xf32, #tpu.memory_space<vmem>>) dst(%dma_wait3A_389 : memref<10240xf32, #tpu.memory_space<vmem_shared>>)
      %add3A_390 = arith.constant 2 : i32
      %add3A_391 = arith.addi %mul3A_349, %add3A_390 : i32
      %dma_start3A_392 = arith.constant 0 : i32
      %dma_start3A_393 = tpu.memref_slice %arg4[%add3A_391, %dma_start3A_392] : memref<80x128xi32, #tpu.memory_space<vmem>> -> memref<1x128xi32, #tpu.memory_space<vmem>>
      %dma_start3A_394 = tpu.memref_squeeze %dma_start3A_393 : memref<1x128xi32, #tpu.memory_space<vmem>> -> memref<128xi32, #tpu.memory_space<vmem>>
      %dma_start3A_395 = arith.constant 0 : i32
      %dma_start3A_396 = tpu.memref_slice %arg7[%dma_start3A_395] : memref<10240xf32, #tpu.memory_space<vmem_shared>> -> memref<10240xf32, #tpu.memory_space<vmem_shared>>
      tpu.enqueue_indirect_dma source(%arg5 : memref<128xf32, #tpu.memory_space<vmem>>) target(%dma_start3A_396 : memref<10240xf32, #tpu.memory_space<vmem_shared>>) offsets(%dma_start3A_394 : memref<128xi32, #tpu.memory_space<vmem>>) semaphore(%arg10 : memref<!tpu.dma_semaphore, #tpu.memory_space<semaphore_mem>>) {add = true}
      %add3A_397 = arith.constant 3 : i32
      %add3A_398 = arith.addi %mul3A_349, %add3A_397 : i32
      %sub3A_399 = arith.constant 4 : i32
      %sub3A_400 = arith.subi %add3A_398, %sub3A_399 : i32
      %dma_wait3A_401 = arith.constant 0 : i32
      %dma_wait3A_402 = tpu.memref_slice %arg4[%sub3A_400, %dma_wait3A_401] : memref<80x128xi32, #tpu.memory_space<vmem>> -> memref<1x128xi32, #tpu.memory_space<vmem>>
      %dma_wait3A_403 = tpu.memref_squeeze %dma_wait3A_402 : memref<1x128xi32, #tpu.memory_space<vmem>> -> memref<128xi32, #tpu.memory_space<vmem>>
      %dma_wait3A_404 = arith.constant 0 : i32
      %dma_wait3A_405 = tpu.memref_slice %arg7[%dma_wait3A_404] : memref<10240xf32, #tpu.memory_space<vmem_shared>> -> memref<10240xf32, #tpu.memory_space<vmem_shared>>
      tpu.wait_indirect_dma semaphore(%arg11 : memref<!tpu.dma_semaphore, #tpu.memory_space<semaphore_mem>>) src(%arg5 : memref<128xf32, #tpu.memory_space<vmem>>) dst(%dma_wait3A_405 : memref<10240xf32, #tpu.memory_space<vmem_shared>>)
      %add3A_406 = arith.constant 3 : i32
      %add3A_407 = arith.addi %mul3A_349, %add3A_406 : i32
      %dma_start3A_408 = arith.constant 0 : i32
      %dma_start3A_409 = tpu.memref_slice %arg4[%add3A_407, %dma_start3A_408] : memref<80x128xi32, #tpu.memory_space<vmem>> -> memref<1x128xi32, #tpu.memory_space<vmem>>
      %dma_start3A_410 = tpu.memref_squeeze %dma_start3A_409 : memref<1x128xi32, #tpu.memory_space<vmem>> -> memref<128xi32, #tpu.memory_space<vmem>>
      %dma_start3A_411 = arith.constant 0 : i32
      %dma_start3A_412 = tpu.memref_slice %arg7[%dma_start3A_411] : memref<10240xf32, #tpu.memory_space<vmem_shared>> -> memref<10240xf32, #tpu.memory_space<vmem_shared>>
      tpu.enqueue_indirect_dma source(%arg5 : memref<128xf32, #tpu.memory_space<vmem>>) target(%dma_start3A_412 : memref<10240xf32, #tpu.memory_space<vmem_shared>>) offsets(%dma_start3A_410 : memref<128xi32, #tpu.memory_space<vmem>>) semaphore(%arg11 : memref<!tpu.dma_semaphore, #tpu.memory_space<semaphore_mem>>) {add = true}
    }
    %scan3A_318 = arith.constant 19 : i32
    %dma_wait3A = arith.constant 76 : i32
    %dma_wait3A_319 = arith.constant 0 : i32
    %dma_wait3A_320 = tpu.memref_slice %arg4[%dma_wait3A, %dma_wait3A_319] : memref<80x128xi32, #tpu.memory_space<vmem>> -> memref<1x128xi32, #tpu.memory_space<vmem>>
    %dma_wait3A_321 = tpu.memref_squeeze %dma_wait3A_320 : memref<1x128xi32, #tpu.memory_space<vmem>> -> memref<128xi32, #tpu.memory_space<vmem>>
    %dma_wait3A_322 = arith.constant 0 : i32
    %dma_wait3A_323 = tpu.memref_slice %arg7[%dma_wait3A_322] : memref<10240xf32, #tpu.memory_space<vmem_shared>> -> memref<10240xf32, #tpu.memory_space<vmem_shared>>
    tpu.wait_indirect_dma semaphore(%arg8 : memref<!tpu.dma_semaphore, #tpu.memory_space<semaphore_mem>>) src(%arg5 : memref<128xf32, #tpu.memory_space<vmem>>) dst(%dma_wait3A_323 : memref<10240xf32, #tpu.memory_space<vmem_shared>>)
    %dma_wait3A_324 = arith.constant 77 : i32
    %dma_wait3A_325 = arith.constant 0 : i32
    %dma_wait3A_326 = tpu.memref_slice %arg4[%dma_wait3A_324, %dma_wait3A_325] : memref<80x128xi32, #tpu.memory_space<vmem>> -> memref<1x128xi32, #tpu.memory_space<vmem>>
    %dma_wait3A_327 = tpu.memref_squeeze %dma_wait3A_326 : memref<1x128xi32, #tpu.memory_space<vmem>> -> memref<128xi32, #tpu.memory_space<vmem>>
    %dma_wait3A_328 = arith.constant 0 : i32
    %dma_wait3A_329 = tpu.memref_slice %arg7[%dma_wait3A_328] : memref<10240xf32, #tpu.memory_space<vmem_shared>> -> memref<10240xf32, #tpu.memory_space<vmem_shared>>
    tpu.wait_indirect_dma semaphore(%arg9 : memref<!tpu.dma_semaphore, #tpu.memory_space<semaphore_mem>>) src(%arg5 : memref<128xf32, #tpu.memory_space<vmem>>) dst(%dma_wait3A_329 : memref<10240xf32, #tpu.memory_space<vmem_shared>>)
    %dma_wait3A_330 = arith.constant 78 : i32
    %dma_wait3A_331 = arith.constant 0 : i32
    %dma_wait3A_332 = tpu.memref_slice %arg4[%dma_wait3A_330, %dma_wait3A_331] : memref<80x128xi32, #tpu.memory_space<vmem>> -> memref<1x128xi32, #tpu.memory_space<vmem>>
    %dma_wait3A_333 = tpu.memref_squeeze %dma_wait3A_332 : memref<1x128xi32, #tpu.memory_space<vmem>> -> memref<128xi32, #tpu.memory_space<vmem>>
    %dma_wait3A_334 = arith.constant 0 : i32
    %dma_wait3A_335 = tpu.memref_slice %arg7[%dma_wait3A_334] : memref<10240xf32, #tpu.memory_space<vmem_shared>> -> memref<10240xf32, #tpu.memory_space<vmem_shared>>
    tpu.wait_indirect_dma semaphore(%arg10 : memref<!tpu.dma_semaphore, #tpu.memory_space<semaphore_mem>>) src(%arg5 : memref<128xf32, #tpu.memory_space<vmem>>) dst(%dma_wait3A_335 : memref<10240xf32, #tpu.memory_space<vmem_shared>>)
    %dma_wait3A_336 = arith.constant 79 : i32
    %dma_wait3A_337 = arith.constant 0 : i32
    %dma_wait3A_338 = tpu.memref_slice %arg4[%dma_wait3A_336, %dma_wait3A_337] : memref<80x128xi32, #tpu.memory_space<vmem>> -> memref<1x128xi32, #tpu.memory_space<vmem>>
    %dma_wait3A_339 = tpu.memref_squeeze %dma_wait3A_338 : memref<1x128xi32, #tpu.memory_space<vmem>> -> memref<128xi32, #tpu.memory_space<vmem>>
    %dma_wait3A_340 = arith.constant 0 : i32
    %dma_wait3A_341 = tpu.memref_slice %arg7[%dma_wait3A_340] : memref<10240xf32, #tpu.memory_space<vmem_shared>> -> memref<10240xf32, #tpu.memory_space<vmem_shared>>
    tpu.wait_indirect_dma semaphore(%arg11 : memref<!tpu.dma_semaphore, #tpu.memory_space<semaphore_mem>>) src(%arg5 : memref<128xf32, #tpu.memory_space<vmem>>) dst(%dma_wait3A_341 : memref<10240xf32, #tpu.memory_space<vmem_shared>>)
    %barrier3A_342 = arith.constant 0 : index
    tpu.barrier barrier_id(%barrier3A_342)
    %mul3A_343 = arith.constant 640 : i32
    %mul3A_344 = arith.muli %arg1, %mul3A_343 : i32
    %mul3A_345 = arith.constant 640 : i32
    %mul3A_346 = arith.muli %arg1, %mul3A_345 : i32
    "tpu.region"() ({
      %run_scoped3A = tpu.sem_alloc : memref<!tpu.dma_semaphore, #tpu.memory_space<semaphore_mem>>
      %dma_start3A_347 = tpu.memref_slice %arg3[%arg0, %mul3A_346] : memref<2x10240xf32, #tpu.memory_space<hbm>> -> memref<1x640xf32, #tpu.memory_space<hbm>>
      %dma_start3A_348 = tpu.memref_squeeze %dma_start3A_347 : memref<1x640xf32, #tpu.memory_space<hbm>> -> memref<640xf32, #tpu.memory_space<hbm>>
      %dma_start3A_349 = tpu.memref_slice %arg7[%mul3A_344] : memref<10240xf32, #tpu.memory_space<vmem_shared>> -> memref<640xf32, #tpu.memory_space<vmem_shared>>
      tpu.enqueue_dma source(%dma_start3A_349 : memref<640xf32, #tpu.memory_space<vmem_shared>>) target(%dma_start3A_348 : memref<640xf32, #tpu.memory_space<hbm>>) target_semaphore(%run_scoped3A : memref<!tpu.dma_semaphore, #tpu.memory_space<semaphore_mem>>)
      %dma_wait3A_350 = tpu.memref_slice %arg3[%arg0, %mul3A_346] : memref<2x10240xf32, #tpu.memory_space<hbm>> -> memref<1x640xf32, #tpu.memory_space<hbm>>
      %dma_wait3A_351 = tpu.memref_squeeze %dma_wait3A_350 : memref<1x640xf32, #tpu.memory_space<hbm>> -> memref<640xf32, #tpu.memory_space<hbm>>
      %dma_wait3A_352 = tpu.memref_slice %arg7[%mul3A_344] : memref<10240xf32, #tpu.memory_space<vmem_shared>> -> memref<640xf32, #tpu.memory_space<vmem_shared>>
      tpu.wait_dma2 semaphore(%run_scoped3A : memref<!tpu.dma_semaphore, #tpu.memory_space<semaphore_mem>>) src(%dma_wait3A_352 : memref<640xf32, #tpu.memory_space<vmem_shared>>) dst(%dma_wait3A_351 : memref<640xf32, #tpu.memory_space<hbm>>)
      tpu.yield
    }) : () -> ()
    return
  }
}

#map = affine_map<(d0, d1) -> (0, 0)>
#map1 = affine_map<(d0, d1) -> (0, 0, 0)>
module attributes {stable_mosaic.version = 14 : i64} {
  func.func @_agg_body(%arg0: i32, %arg1: i32, %arg2: memref<10240x128xf32, #tpu.memory_space<hbm>>, %arg3: memref<2560x128xi32, #tpu.memory_space<hbm>>, %arg4: memref<2560x128xi32, #tpu.memory_space<hbm>>, %arg5: memref<128x128xf32, #tpu.memory_space<hbm>>, %arg6: memref<2x10240x128xf32, #tpu.memory_space<hbm>>, %arg7: memref<112x128xi32, #tpu.memory_space<vmem>>, %arg8: memref<128xi32, #tpu.memory_space<vmem>>, %arg9: memref<128xi32, #tpu.memory_space<vmem>>, %arg10: memref<128x128xf32, #tpu.memory_space<vmem>>, %arg11: memref<128x128xf32, #tpu.memory_space<vmem>>, %arg12: memref<10240x128xf32, #tpu.memory_space<vmem_shared>>, %arg13: memref<!tpu.dma_semaphore, #tpu.memory_space<semaphore_mem>>, %arg14: memref<!tpu.dma_semaphore, #tpu.memory_space<semaphore_mem>>, %arg15: memref<!tpu.dma_semaphore, #tpu.memory_space<semaphore_mem>>, %arg16: memref<!tpu.dma_semaphore, #tpu.memory_space<semaphore_mem>>) attributes {dimension_semantics = [#tpu.dimension_semantics<core_parallel>, #tpu.dimension_semantics<subcore_parallel>], iteration_bounds = array<i64: 2, 16>, scalar_prefetch = 0 : i64, scratch_operands = 10 : i64, tpu.core_type = #tpu.core_type<sc_vector_subcore>, window_params = [{transform_indices = #map}, {transform_indices = #map}, {transform_indices = #map}, {transform_indices = #map}, {transform_indices = #map1}]} {
    %eq3A = arith.constant 0 : i32
    %eq3A_0 = arith.cmpi eq, %arg0, %eq3A : i32
    %mul3A = arith.constant 112 : i32
    %mul3A_1 = arith.muli %arg1, %mul3A : i32
    %mul3A_2 = arith.constant 48 : i32
    %mul3A_3 = arith.muli %arg1, %mul3A_2 : i32
    %add3A = arith.constant 1792 : i32
    %add3A_4 = arith.addi %add3A, %mul3A_3 : i32
    %select_n3A = arith.select %eq3A_0, %mul3A_1, %add3A_4 : i32
    %eq3A_5 = arith.constant 0 : i32
    %eq3A_6 = arith.cmpi eq, %arg0, %eq3A_5 : i32
    %jit3A = arith.constant 112 : i32
    %jit3A_7 = arith.constant 48 : i32
    %select_n3A_8 = arith.select %eq3A_6, %jit3A, %jit3A_7 : i32
    "tpu.region"() ({
      %run_scoped3A = tpu.sem_alloc : memref<!tpu.dma_semaphore, #tpu.memory_space<semaphore_mem>>
      %dma_start3A_125 = arith.constant 0 : i32
      %dma_start3A_126 = tpu.memref_slice %arg3[%select_n3A, %dma_start3A_125] : memref<2560x128xi32, #tpu.memory_space<hbm>> -> memref<112x128xi32, #tpu.memory_space<hbm>>
      %dma_start3A_127 = arith.constant 0 : i32
      %dma_start3A_128 = tpu.memref_slice %arg3[%select_n3A, %dma_start3A_127] : memref<2560x128xi32, #tpu.memory_space<hbm>> -> memref<112x128xi32, #tpu.memory_space<hbm>>
      tpu.enqueue_dma source(%dma_start3A_128 : memref<112x128xi32, #tpu.memory_space<hbm>>) target(%arg7 : memref<112x128xi32, #tpu.memory_space<vmem>>) target_semaphore(%run_scoped3A : memref<!tpu.dma_semaphore, #tpu.memory_space<semaphore_mem>>)
      %dma_wait3A_129 = arith.constant 0 : i32
      %dma_wait3A_130 = tpu.memref_slice %arg3[%select_n3A, %dma_wait3A_129] : memref<2560x128xi32, #tpu.memory_space<hbm>> -> memref<112x128xi32, #tpu.memory_space<hbm>>
      %dma_wait3A_131 = arith.constant 0 : i32
      %dma_wait3A_132 = tpu.memref_slice %arg3[%select_n3A, %dma_wait3A_131] : memref<2560x128xi32, #tpu.memory_space<hbm>> -> memref<112x128xi32, #tpu.memory_space<hbm>>
      tpu.wait_dma2 semaphore(%run_scoped3A : memref<!tpu.dma_semaphore, #tpu.memory_space<semaphore_mem>>) src(%dma_wait3A_132 : memref<112x128xi32, #tpu.memory_space<hbm>>) dst(%arg7 : memref<112x128xi32, #tpu.memory_space<vmem>>)
      tpu.yield
    }) : () -> ()
    "tpu.region"() ({
      %run_scoped3A = tpu.sem_alloc : memref<!tpu.dma_semaphore, #tpu.memory_space<semaphore_mem>>
      tpu.enqueue_dma source(%arg5 : memref<128x128xf32, #tpu.memory_space<hbm>>) target(%arg10 : memref<128x128xf32, #tpu.memory_space<vmem>>) target_semaphore(%run_scoped3A : memref<!tpu.dma_semaphore, #tpu.memory_space<semaphore_mem>>)
      tpu.wait_dma2 semaphore(%run_scoped3A : memref<!tpu.dma_semaphore, #tpu.memory_space<semaphore_mem>>) src(%arg5 : memref<128x128xf32, #tpu.memory_space<hbm>>) dst(%arg10 : memref<128x128xf32, #tpu.memory_space<vmem>>)
      tpu.yield
    }) : () -> ()
    %mul3A_9 = arith.constant 640 : i32
    %mul3A_10 = arith.muli %arg1, %mul3A_9 : i32
    %add3A_11 = arith.constant 0 : i32
    %add3A_12 = arith.addi %mul3A_10, %add3A_11 : i32
    "tpu.region"() ({
      %run_scoped3A = tpu.sem_alloc : memref<!tpu.dma_semaphore, #tpu.memory_space<semaphore_mem>>
      %dma_start3A_125 = arith.constant 0 : i32
      %dma_start3A_126 = tpu.memref_slice %arg12[%add3A_12, %dma_start3A_125] : memref<10240x128xf32, #tpu.memory_space<vmem_shared>> -> memref<128x128xf32, #tpu.memory_space<vmem_shared>>
      %dma_start3A_127 = arith.constant 0 : i32
      %dma_start3A_128 = tpu.memref_slice %arg12[%add3A_12, %dma_start3A_127] : memref<10240x128xf32, #tpu.memory_space<vmem_shared>> -> memref<128x128xf32, #tpu.memory_space<vmem_shared>>
      tpu.enqueue_dma source(%arg10 : memref<128x128xf32, #tpu.memory_space<vmem>>) target(%dma_start3A_128 : memref<128x128xf32, #tpu.memory_space<vmem_shared>>) target_semaphore(%run_scoped3A : memref<!tpu.dma_semaphore, #tpu.memory_space<semaphore_mem>>)
      %dma_wait3A_129 = arith.constant 0 : i32
      %dma_wait3A_130 = tpu.memref_slice %arg12[%add3A_12, %dma_wait3A_129] : memref<10240x128xf32, #tpu.memory_space<vmem_shared>> -> memref<128x128xf32, #tpu.memory_space<vmem_shared>>
      %dma_wait3A_131 = arith.constant 0 : i32
      %dma_wait3A_132 = tpu.memref_slice %arg12[%add3A_12, %dma_wait3A_131] : memref<10240x128xf32, #tpu.memory_space<vmem_shared>> -> memref<128x128xf32, #tpu.memory_space<vmem_shared>>
      tpu.wait_dma2 semaphore(%run_scoped3A : memref<!tpu.dma_semaphore, #tpu.memory_space<semaphore_mem>>) src(%arg10 : memref<128x128xf32, #tpu.memory_space<vmem>>) dst(%dma_wait3A_132 : memref<128x128xf32, #tpu.memory_space<vmem_shared>>)
      tpu.yield
    }) : () -> ()
    %mul3A_13 = arith.constant 640 : i32
    %mul3A_14 = arith.muli %arg1, %mul3A_13 : i32
    %add3A_15 = arith.constant 128 : i32
    %add3A_16 = arith.addi %mul3A_14, %add3A_15 : i32
    "tpu.region"() ({
      %run_scoped3A = tpu.sem_alloc : memref<!tpu.dma_semaphore, #tpu.memory_space<semaphore_mem>>
      %dma_start3A_125 = arith.constant 0 : i32
      %dma_start3A_126 = tpu.memref_slice %arg12[%add3A_16, %dma_start3A_125] : memref<10240x128xf32, #tpu.memory_space<vmem_shared>> -> memref<128x128xf32, #tpu.memory_space<vmem_shared>>
      %dma_start3A_127 = arith.constant 0 : i32
      %dma_start3A_128 = tpu.memref_slice %arg12[%add3A_16, %dma_start3A_127] : memref<10240x128xf32, #tpu.memory_space<vmem_shared>> -> memref<128x128xf32, #tpu.memory_space<vmem_shared>>
      tpu.enqueue_dma source(%arg10 : memref<128x128xf32, #tpu.memory_space<vmem>>) target(%dma_start3A_128 : memref<128x128xf32, #tpu.memory_space<vmem_shared>>) target_semaphore(%run_scoped3A : memref<!tpu.dma_semaphore, #tpu.memory_space<semaphore_mem>>)
      %dma_wait3A_129 = arith.constant 0 : i32
      %dma_wait3A_130 = tpu.memref_slice %arg12[%add3A_16, %dma_wait3A_129] : memref<10240x128xf32, #tpu.memory_space<vmem_shared>> -> memref<128x128xf32, #tpu.memory_space<vmem_shared>>
      %dma_wait3A_131 = arith.constant 0 : i32
      %dma_wait3A_132 = tpu.memref_slice %arg12[%add3A_16, %dma_wait3A_131] : memref<10240x128xf32, #tpu.memory_space<vmem_shared>> -> memref<128x128xf32, #tpu.memory_space<vmem_shared>>
      tpu.wait_dma2 semaphore(%run_scoped3A : memref<!tpu.dma_semaphore, #tpu.memory_space<semaphore_mem>>) src(%arg10 : memref<128x128xf32, #tpu.memory_space<vmem>>) dst(%dma_wait3A_132 : memref<128x128xf32, #tpu.memory_space<vmem_shared>>)
      tpu.yield
    }) : () -> ()
    %mul3A_17 = arith.constant 640 : i32
    %mul3A_18 = arith.muli %arg1, %mul3A_17 : i32
    %add3A_19 = arith.constant 256 : i32
    %add3A_20 = arith.addi %mul3A_18, %add3A_19 : i32
    "tpu.region"() ({
      %run_scoped3A = tpu.sem_alloc : memref<!tpu.dma_semaphore, #tpu.memory_space<semaphore_mem>>
      %dma_start3A_125 = arith.constant 0 : i32
      %dma_start3A_126 = tpu.memref_slice %arg12[%add3A_20, %dma_start3A_125] : memref<10240x128xf32, #tpu.memory_space<vmem_shared>> -> memref<128x128xf32, #tpu.memory_space<vmem_shared>>
      %dma_start3A_127 = arith.constant 0 : i32
      %dma_start3A_128 = tpu.memref_slice %arg12[%add3A_20, %dma_start3A_127] : memref<10240x128xf32, #tpu.memory_space<vmem_shared>> -> memref<128x128xf32, #tpu.memory_space<vmem_shared>>
      tpu.enqueue_dma source(%arg10 : memref<128x128xf32, #tpu.memory_space<vmem>>) target(%dma_start3A_128 : memref<128x128xf32, #tpu.memory_space<vmem_shared>>) target_semaphore(%run_scoped3A : memref<!tpu.dma_semaphore, #tpu.memory_space<semaphore_mem>>)
      %dma_wait3A_129 = arith.constant 0 : i32
      %dma_wait3A_130 = tpu.memref_slice %arg12[%add3A_20, %dma_wait3A_129] : memref<10240x128xf32, #tpu.memory_space<vmem_shared>> -> memref<128x128xf32, #tpu.memory_space<vmem_shared>>
      %dma_wait3A_131 = arith.constant 0 : i32
      %dma_wait3A_132 = tpu.memref_slice %arg12[%add3A_20, %dma_wait3A_131] : memref<10240x128xf32, #tpu.memory_space<vmem_shared>> -> memref<128x128xf32, #tpu.memory_space<vmem_shared>>
      tpu.wait_dma2 semaphore(%run_scoped3A : memref<!tpu.dma_semaphore, #tpu.memory_space<semaphore_mem>>) src(%arg10 : memref<128x128xf32, #tpu.memory_space<vmem>>) dst(%dma_wait3A_132 : memref<128x128xf32, #tpu.memory_space<vmem_shared>>)
      tpu.yield
    }) : () -> ()
    %mul3A_21 = arith.constant 640 : i32
    %mul3A_22 = arith.muli %arg1, %mul3A_21 : i32
    %add3A_23 = arith.constant 384 : i32
    %add3A_24 = arith.addi %mul3A_22, %add3A_23 : i32
    "tpu.region"() ({
      %run_scoped3A = tpu.sem_alloc : memref<!tpu.dma_semaphore, #tpu.memory_space<semaphore_mem>>
      %dma_start3A_125 = arith.constant 0 : i32
      %dma_start3A_126 = tpu.memref_slice %arg12[%add3A_24, %dma_start3A_125] : memref<10240x128xf32, #tpu.memory_space<vmem_shared>> -> memref<128x128xf32, #tpu.memory_space<vmem_shared>>
      %dma_start3A_127 = arith.constant 0 : i32
      %dma_start3A_128 = tpu.memref_slice %arg12[%add3A_24, %dma_start3A_127] : memref<10240x128xf32, #tpu.memory_space<vmem_shared>> -> memref<128x128xf32, #tpu.memory_space<vmem_shared>>
      tpu.enqueue_dma source(%arg10 : memref<128x128xf32, #tpu.memory_space<vmem>>) target(%dma_start3A_128 : memref<128x128xf32, #tpu.memory_space<vmem_shared>>) target_semaphore(%run_scoped3A : memref<!tpu.dma_semaphore, #tpu.memory_space<semaphore_mem>>)
      %dma_wait3A_129 = arith.constant 0 : i32
      %dma_wait3A_130 = tpu.memref_slice %arg12[%add3A_24, %dma_wait3A_129] : memref<10240x128xf32, #tpu.memory_space<vmem_shared>> -> memref<128x128xf32, #tpu.memory_space<vmem_shared>>
      %dma_wait3A_131 = arith.constant 0 : i32
      %dma_wait3A_132 = tpu.memref_slice %arg12[%add3A_24, %dma_wait3A_131] : memref<10240x128xf32, #tpu.memory_space<vmem_shared>> -> memref<128x128xf32, #tpu.memory_space<vmem_shared>>
      tpu.wait_dma2 semaphore(%run_scoped3A : memref<!tpu.dma_semaphore, #tpu.memory_space<semaphore_mem>>) src(%arg10 : memref<128x128xf32, #tpu.memory_space<vmem>>) dst(%dma_wait3A_132 : memref<128x128xf32, #tpu.memory_space<vmem_shared>>)
      tpu.yield
    }) : () -> ()
    %mul3A_25 = arith.constant 640 : i32
    %mul3A_26 = arith.muli %arg1, %mul3A_25 : i32
    %add3A_27 = arith.constant 512 : i32
    %add3A_28 = arith.addi %mul3A_26, %add3A_27 : i32
    "tpu.region"() ({
      %run_scoped3A = tpu.sem_alloc : memref<!tpu.dma_semaphore, #tpu.memory_space<semaphore_mem>>
      %dma_start3A_125 = arith.constant 0 : i32
      %dma_start3A_126 = tpu.memref_slice %arg12[%add3A_28, %dma_start3A_125] : memref<10240x128xf32, #tpu.memory_space<vmem_shared>> -> memref<128x128xf32, #tpu.memory_space<vmem_shared>>
      %dma_start3A_127 = arith.constant 0 : i32
      %dma_start3A_128 = tpu.memref_slice %arg12[%add3A_28, %dma_start3A_127] : memref<10240x128xf32, #tpu.memory_space<vmem_shared>> -> memref<128x128xf32, #tpu.memory_space<vmem_shared>>
      tpu.enqueue_dma source(%arg10 : memref<128x128xf32, #tpu.memory_space<vmem>>) target(%dma_start3A_128 : memref<128x128xf32, #tpu.memory_space<vmem_shared>>) target_semaphore(%run_scoped3A : memref<!tpu.dma_semaphore, #tpu.memory_space<semaphore_mem>>)
      %dma_wait3A_129 = arith.constant 0 : i32
      %dma_wait3A_130 = tpu.memref_slice %arg12[%add3A_28, %dma_wait3A_129] : memref<10240x128xf32, #tpu.memory_space<vmem_shared>> -> memref<128x128xf32, #tpu.memory_space<vmem_shared>>
      %dma_wait3A_131 = arith.constant 0 : i32
      %dma_wait3A_132 = tpu.memref_slice %arg12[%add3A_28, %dma_wait3A_131] : memref<10240x128xf32, #tpu.memory_space<vmem_shared>> -> memref<128x128xf32, #tpu.memory_space<vmem_shared>>
      tpu.wait_dma2 semaphore(%run_scoped3A : memref<!tpu.dma_semaphore, #tpu.memory_space<semaphore_mem>>) src(%arg10 : memref<128x128xf32, #tpu.memory_space<vmem>>) dst(%dma_wait3A_132 : memref<128x128xf32, #tpu.memory_space<vmem_shared>>)
      tpu.yield
    }) : () -> ()
    %barrier3A = arith.constant 0 : index
    tpu.barrier barrier_id(%barrier3A)
    %add3A_29 = arith.constant 0 : i32
    %add3A_30 = arith.addi %select_n3A, %add3A_29 : i32
    %dma_start3A = arith.constant 0 : i32
    %dma_start3A_31 = tpu.memref_slice %arg4[%add3A_30, %dma_start3A] : memref<2560x128xi32, #tpu.memory_space<hbm>> -> memref<1x128xi32, #tpu.memory_space<hbm>>
    %dma_start3A_32 = tpu.memref_squeeze %dma_start3A_31 : memref<1x128xi32, #tpu.memory_space<hbm>> -> memref<128xi32, #tpu.memory_space<hbm>>
    %dma_start3A_33 = arith.constant 0 : i32
    %dma_start3A_34 = tpu.memref_slice %arg4[%add3A_30, %dma_start3A_33] : memref<2560x128xi32, #tpu.memory_space<hbm>> -> memref<1x128xi32, #tpu.memory_space<hbm>>
    %dma_start3A_35 = tpu.memref_squeeze %dma_start3A_34 : memref<1x128xi32, #tpu.memory_space<hbm>> -> memref<128xi32, #tpu.memory_space<hbm>>
    tpu.enqueue_dma source(%dma_start3A_35 : memref<128xi32, #tpu.memory_space<hbm>>) target(%arg8 : memref<128xi32, #tpu.memory_space<vmem>>) target_semaphore(%arg15 : memref<!tpu.dma_semaphore, #tpu.memory_space<semaphore_mem>>)
    %dma_start3A_36 = arith.constant 0 : i32
    %dma_start3A_37 = arith.constant 0 : i32
    %dma_start3A_38 = tpu.memref_slice %arg7[%dma_start3A_36, %dma_start3A_37] : memref<112x128xi32, #tpu.memory_space<vmem>> -> memref<1x128xi32, #tpu.memory_space<vmem>>
    %dma_start3A_39 = tpu.memref_squeeze %dma_start3A_38 : memref<1x128xi32, #tpu.memory_space<vmem>> -> memref<128xi32, #tpu.memory_space<vmem>>
    %dma_start3A_40 = arith.constant 0 : i32
    %dma_start3A_41 = arith.constant 0 : i32
    %dma_start3A_42 = tpu.memref_slice %arg2[%dma_start3A_40, %dma_start3A_41] : memref<10240x128xf32, #tpu.memory_space<hbm>> -> memref<10240x128xf32, #tpu.memory_space<hbm>>
    tpu.enqueue_indirect_dma source(%dma_start3A_42 : memref<10240x128xf32, #tpu.memory_space<hbm>>) target(%arg10 : memref<128x128xf32, #tpu.memory_space<vmem>>) offsets(%dma_start3A_39 : memref<128xi32, #tpu.memory_space<vmem>>) semaphore(%arg13 : memref<!tpu.dma_semaphore, #tpu.memory_space<semaphore_mem>>)
    %add3A_43 = arith.constant 1 : i32
    %add3A_44 = arith.addi %select_n3A, %add3A_43 : i32
    %dma_start3A_45 = arith.constant 0 : i32
    %dma_start3A_46 = tpu.memref_slice %arg4[%add3A_44, %dma_start3A_45] : memref<2560x128xi32, #tpu.memory_space<hbm>> -> memref<1x128xi32, #tpu.memory_space<hbm>>
    %dma_start3A_47 = tpu.memref_squeeze %dma_start3A_46 : memref<1x128xi32, #tpu.memory_space<hbm>> -> memref<128xi32, #tpu.memory_space<hbm>>
    %dma_start3A_48 = arith.constant 0 : i32
    %dma_start3A_49 = tpu.memref_slice %arg4[%add3A_44, %dma_start3A_48] : memref<2560x128xi32, #tpu.memory_space<hbm>> -> memref<1x128xi32, #tpu.memory_space<hbm>>
    %dma_start3A_50 = tpu.memref_squeeze %dma_start3A_49 : memref<1x128xi32, #tpu.memory_space<hbm>> -> memref<128xi32, #tpu.memory_space<hbm>>
    tpu.enqueue_dma source(%dma_start3A_50 : memref<128xi32, #tpu.memory_space<hbm>>) target(%arg9 : memref<128xi32, #tpu.memory_space<vmem>>) target_semaphore(%arg16 : memref<!tpu.dma_semaphore, #tpu.memory_space<semaphore_mem>>)
    %dma_start3A_51 = arith.constant 1 : i32
    %dma_start3A_52 = arith.constant 0 : i32
    %dma_start3A_53 = tpu.memref_slice %arg7[%dma_start3A_51, %dma_start3A_52] : memref<112x128xi32, #tpu.memory_space<vmem>> -> memref<1x128xi32, #tpu.memory_space<vmem>>
    %dma_start3A_54 = tpu.memref_squeeze %dma_start3A_53 : memref<1x128xi32, #tpu.memory_space<vmem>> -> memref<128xi32, #tpu.memory_space<vmem>>
    %dma_start3A_55 = arith.constant 0 : i32
    %dma_start3A_56 = arith.constant 0 : i32
    %dma_start3A_57 = tpu.memref_slice %arg2[%dma_start3A_55, %dma_start3A_56] : memref<10240x128xf32, #tpu.memory_space<hbm>> -> memref<10240x128xf32, #tpu.memory_space<hbm>>
    tpu.enqueue_indirect_dma source(%dma_start3A_57 : memref<10240x128xf32, #tpu.memory_space<hbm>>) target(%arg11 : memref<128x128xf32, #tpu.memory_space<vmem>>) offsets(%dma_start3A_54 : memref<128xi32, #tpu.memory_space<vmem>>) semaphore(%arg14 : memref<!tpu.dma_semaphore, #tpu.memory_space<semaphore_mem>>)
    %jit3A_58 = arith.constant 2 : i32
    %div3A = arith.divsi %select_n3A_8, %jit3A_58 : i32
    %sign3A = arith.constant 0 : i32
    %sign3A_59 = arith.cmpi sgt, %select_n3A_8, %sign3A : i32
    %sign3A_60 = arith.extui %sign3A_59 : i1 to i32
    %sign3A_61 = arith.constant 0 : i32
    %sign3A_62 = arith.cmpi slt, %select_n3A_8, %sign3A_61 : i32
    %sign3A_63 = arith.extui %sign3A_62 : i1 to i32
    %sign3A_64 = arith.subi %sign3A_60, %sign3A_63 : i32
    %sign3A_65 = arith.constant 0 : i32
    %sign3A_66 = arith.cmpi sgt, %jit3A_58, %sign3A_65 : i32
    %sign3A_67 = arith.extui %sign3A_66 : i1 to i32
    %sign3A_68 = arith.constant 0 : i32
    %sign3A_69 = arith.cmpi slt, %jit3A_58, %sign3A_68 : i32
    %sign3A_70 = arith.extui %sign3A_69 : i1 to i32
    %sign3A_71 = arith.subi %sign3A_67, %sign3A_70 : i32
    %ne3A = arith.cmpi ne, %sign3A_64, %sign3A_71 : i32
    %rem3A = arith.remsi %select_n3A_8, %jit3A_58 : i32
    %ne3A_72 = arith.constant 0 : i32
    %ne3A_73 = arith.cmpi ne, %rem3A, %ne3A_72 : i32
    %and3A = arith.andi %ne3A, %ne3A_73 : i1
    %sub3A = arith.constant 1 : i32
    %sub3A_74 = arith.subi %div3A, %sub3A : i32
    %select_n3A_75 = arith.select %and3A, %sub3A_74, %div3A : i32
    %sub3A_76 = arith.constant 1 : i32
    %sub3A_77 = arith.subi %select_n3A_75, %sub3A_76 : i32
    %while3A = arith.constant 0 : i32
    %while3A_78 = arith.constant 0 : i32
    %while3A_79 = arith.subi %sub3A_77, %while3A_78 : i32
    %while3A_80 = arith.addi %while3A_78, %while3A_79 : i32
    %while3A_81 = arith.constant 1 : i32
    %while3A_82 = arith.divsi %while3A_79, %while3A_81 : i32
    %while3A_83 = arith.muli %while3A_82, %while3A_81 : i32
    %while3A_84 = arith.addi %while3A_78, %while3A_83 : i32
    %while3A_85 = arith.constant 1 : i32
    scf.for %while3A_125 = %while3A_78 to %while3A_84 step %while3A_85  : i32 {
      %mul3A_126 = arith.constant 2 : i32
      %mul3A_127 = arith.muli %while3A_125, %mul3A_126 : i32
      %add3A_128 = arith.constant 0 : i32
      %add3A_129 = arith.addi %mul3A_127, %add3A_128 : i32
      %dma_wait3A_130 = arith.constant 0 : i32
      %dma_wait3A_131 = tpu.memref_slice %arg7[%add3A_129, %dma_wait3A_130] : memref<112x128xi32, #tpu.memory_space<vmem>> -> memref<1x128xi32, #tpu.memory_space<vmem>>
      %dma_wait3A_132 = tpu.memref_squeeze %dma_wait3A_131 : memref<1x128xi32, #tpu.memory_space<vmem>> -> memref<128xi32, #tpu.memory_space<vmem>>
      %dma_wait3A_133 = arith.constant 0 : i32
      %dma_wait3A_134 = arith.constant 0 : i32
      %dma_wait3A_135 = tpu.memref_slice %arg2[%dma_wait3A_133, %dma_wait3A_134] : memref<10240x128xf32, #tpu.memory_space<hbm>> -> memref<10240x128xf32, #tpu.memory_space<hbm>>
      tpu.wait_indirect_dma semaphore(%arg13 : memref<!tpu.dma_semaphore, #tpu.memory_space<semaphore_mem>>) src(%dma_wait3A_135 : memref<10240x128xf32, #tpu.memory_space<hbm>>) dst(%arg10 : memref<128x128xf32, #tpu.memory_space<vmem>>)
      %add3A_136 = arith.addi %select_n3A, %add3A_129 : i32
      %dma_wait3A_137 = arith.constant 0 : i32
      %dma_wait3A_138 = tpu.memref_slice %arg4[%add3A_136, %dma_wait3A_137] : memref<2560x128xi32, #tpu.memory_space<hbm>> -> memref<1x128xi32, #tpu.memory_space<hbm>>
      %dma_wait3A_139 = tpu.memref_squeeze %dma_wait3A_138 : memref<1x128xi32, #tpu.memory_space<hbm>> -> memref<128xi32, #tpu.memory_space<hbm>>
      %dma_wait3A_140 = arith.constant 0 : i32
      %dma_wait3A_141 = tpu.memref_slice %arg4[%add3A_136, %dma_wait3A_140] : memref<2560x128xi32, #tpu.memory_space<hbm>> -> memref<1x128xi32, #tpu.memory_space<hbm>>
      %dma_wait3A_142 = tpu.memref_squeeze %dma_wait3A_141 : memref<1x128xi32, #tpu.memory_space<hbm>> -> memref<128xi32, #tpu.memory_space<hbm>>
      tpu.wait_dma2 semaphore(%arg15 : memref<!tpu.dma_semaphore, #tpu.memory_space<semaphore_mem>>) src(%dma_wait3A_142 : memref<128xi32, #tpu.memory_space<hbm>>) dst(%arg8 : memref<128xi32, #tpu.memory_space<vmem>>)
      "tpu.region"() ({
        %run_scoped3A = tpu.sem_alloc : memref<!tpu.dma_semaphore, #tpu.memory_space<semaphore_mem>>
        %dma_start3A_192 = arith.constant 0 : i32
        %dma_start3A_193 = arith.constant 0 : i32
        %dma_start3A_194 = tpu.memref_slice %arg12[%dma_start3A_192, %dma_start3A_193] : memref<10240x128xf32, #tpu.memory_space<vmem_shared>> -> memref<10240x128xf32, #tpu.memory_space<vmem_shared>>
        tpu.enqueue_indirect_dma source(%arg10 : memref<128x128xf32, #tpu.memory_space<vmem>>) target(%dma_start3A_194 : memref<10240x128xf32, #tpu.memory_space<vmem_shared>>) offsets(%arg8 : memref<128xi32, #tpu.memory_space<vmem>>) semaphore(%run_scoped3A : memref<!tpu.dma_semaphore, #tpu.memory_space<semaphore_mem>>) {add = true}
        %dma_wait3A_195 = arith.constant 0 : i32
        %dma_wait3A_196 = arith.constant 0 : i32
        %dma_wait3A_197 = tpu.memref_slice %arg12[%dma_wait3A_195, %dma_wait3A_196] : memref<10240x128xf32, #tpu.memory_space<vmem_shared>> -> memref<10240x128xf32, #tpu.memory_space<vmem_shared>>
        tpu.wait_indirect_dma semaphore(%run_scoped3A : memref<!tpu.dma_semaphore, #tpu.memory_space<semaphore_mem>>) src(%arg10 : memref<128x128xf32, #tpu.memory_space<vmem>>) dst(%dma_wait3A_197 : memref<10240x128xf32, #tpu.memory_space<vmem_shared>>)
        tpu.yield
      }) : () -> ()
      %add3A_143 = arith.addi %select_n3A, %add3A_129 : i32
      %add3A_144 = arith.constant 2 : i32
      %add3A_145 = arith.addi %add3A_143, %add3A_144 : i32
      %dma_start3A_146 = arith.constant 0 : i32
      %dma_start3A_147 = tpu.memref_slice %arg4[%add3A_145, %dma_start3A_146] : memref<2560x128xi32, #tpu.memory_space<hbm>> -> memref<1x128xi32, #tpu.memory_space<hbm>>
      %dma_start3A_148 = tpu.memref_squeeze %dma_start3A_147 : memref<1x128xi32, #tpu.memory_space<hbm>> -> memref<128xi32, #tpu.memory_space<hbm>>
      %dma_start3A_149 = arith.constant 0 : i32
      %dma_start3A_150 = tpu.memref_slice %arg4[%add3A_145, %dma_start3A_149] : memref<2560x128xi32, #tpu.memory_space<hbm>> -> memref<1x128xi32, #tpu.memory_space<hbm>>
      %dma_start3A_151 = tpu.memref_squeeze %dma_start3A_150 : memref<1x128xi32, #tpu.memory_space<hbm>> -> memref<128xi32, #tpu.memory_space<hbm>>
      tpu.enqueue_dma source(%dma_start3A_151 : memref<128xi32, #tpu.memory_space<hbm>>) target(%arg8 : memref<128xi32, #tpu.memory_space<vmem>>) target_semaphore(%arg15 : memref<!tpu.dma_semaphore, #tpu.memory_space<semaphore_mem>>)
      %add3A_152 = arith.constant 2 : i32
      %add3A_153 = arith.addi %add3A_129, %add3A_152 : i32
      %dma_start3A_154 = arith.constant 0 : i32
      %dma_start3A_155 = tpu.memref_slice %arg7[%add3A_153, %dma_start3A_154] : memref<112x128xi32, #tpu.memory_space<vmem>> -> memref<1x128xi32, #tpu.memory_space<vmem>>
      %dma_start3A_156 = tpu.memref_squeeze %dma_start3A_155 : memref<1x128xi32, #tpu.memory_space<vmem>> -> memref<128xi32, #tpu.memory_space<vmem>>
      %dma_start3A_157 = arith.constant 0 : i32
      %dma_start3A_158 = arith.constant 0 : i32
      %dma_start3A_159 = tpu.memref_slice %arg2[%dma_start3A_157, %dma_start3A_158] : memref<10240x128xf32, #tpu.memory_space<hbm>> -> memref<10240x128xf32, #tpu.memory_space<hbm>>
      tpu.enqueue_indirect_dma source(%dma_start3A_159 : memref<10240x128xf32, #tpu.memory_space<hbm>>) target(%arg10 : memref<128x128xf32, #tpu.memory_space<vmem>>) offsets(%dma_start3A_156 : memref<128xi32, #tpu.memory_space<vmem>>) semaphore(%arg13 : memref<!tpu.dma_semaphore, #tpu.memory_space<semaphore_mem>>)
      %add3A_160 = arith.constant 1 : i32
      %add3A_161 = arith.addi %mul3A_127, %add3A_160 : i32
      %dma_wait3A_162 = arith.constant 0 : i32
      %dma_wait3A_163 = tpu.memref_slice %arg7[%add3A_161, %dma_wait3A_162] : memref<112x128xi32, #tpu.memory_space<vmem>> -> memref<1x128xi32, #tpu.memory_space<vmem>>
      %dma_wait3A_164 = tpu.memref_squeeze %dma_wait3A_163 : memref<1x128xi32, #tpu.memory_space<vmem>> -> memref<128xi32, #tpu.memory_space<vmem>>
      %dma_wait3A_165 = arith.constant 0 : i32
      %dma_wait3A_166 = arith.constant 0 : i32
      %dma_wait3A_167 = tpu.memref_slice %arg2[%dma_wait3A_165, %dma_wait3A_166] : memref<10240x128xf32, #tpu.memory_space<hbm>> -> memref<10240x128xf32, #tpu.memory_space<hbm>>
      tpu.wait_indirect_dma semaphore(%arg14 : memref<!tpu.dma_semaphore, #tpu.memory_space<semaphore_mem>>) src(%dma_wait3A_167 : memref<10240x128xf32, #tpu.memory_space<hbm>>) dst(%arg11 : memref<128x128xf32, #tpu.memory_space<vmem>>)
      %add3A_168 = arith.addi %select_n3A, %add3A_161 : i32
      %dma_wait3A_169 = arith.constant 0 : i32
      %dma_wait3A_170 = tpu.memref_slice %arg4[%add3A_168, %dma_wait3A_169] : memref<2560x128xi32, #tpu.memory_space<hbm>> -> memref<1x128xi32, #tpu.memory_space<hbm>>
      %dma_wait3A_171 = tpu.memref_squeeze %dma_wait3A_170 : memref<1x128xi32, #tpu.memory_space<hbm>> -> memref<128xi32, #tpu.memory_space<hbm>>
      %dma_wait3A_172 = arith.constant 0 : i32
      %dma_wait3A_173 = tpu.memref_slice %arg4[%add3A_168, %dma_wait3A_172] : memref<2560x128xi32, #tpu.memory_space<hbm>> -> memref<1x128xi32, #tpu.memory_space<hbm>>
      %dma_wait3A_174 = tpu.memref_squeeze %dma_wait3A_173 : memref<1x128xi32, #tpu.memory_space<hbm>> -> memref<128xi32, #tpu.memory_space<hbm>>
      tpu.wait_dma2 semaphore(%arg16 : memref<!tpu.dma_semaphore, #tpu.memory_space<semaphore_mem>>) src(%dma_wait3A_174 : memref<128xi32, #tpu.memory_space<hbm>>) dst(%arg9 : memref<128xi32, #tpu.memory_space<vmem>>)
      "tpu.region"() ({
        %run_scoped3A = tpu.sem_alloc : memref<!tpu.dma_semaphore, #tpu.memory_space<semaphore_mem>>
        %dma_start3A_192 = arith.constant 0 : i32
        %dma_start3A_193 = arith.constant 0 : i32
        %dma_start3A_194 = tpu.memref_slice %arg12[%dma_start3A_192, %dma_start3A_193] : memref<10240x128xf32, #tpu.memory_space<vmem_shared>> -> memref<10240x128xf32, #tpu.memory_space<vmem_shared>>
        tpu.enqueue_indirect_dma source(%arg11 : memref<128x128xf32, #tpu.memory_space<vmem>>) target(%dma_start3A_194 : memref<10240x128xf32, #tpu.memory_space<vmem_shared>>) offsets(%arg9 : memref<128xi32, #tpu.memory_space<vmem>>) semaphore(%run_scoped3A : memref<!tpu.dma_semaphore, #tpu.memory_space<semaphore_mem>>) {add = true}
        %dma_wait3A_195 = arith.constant 0 : i32
        %dma_wait3A_196 = arith.constant 0 : i32
        %dma_wait3A_197 = tpu.memref_slice %arg12[%dma_wait3A_195, %dma_wait3A_196] : memref<10240x128xf32, #tpu.memory_space<vmem_shared>> -> memref<10240x128xf32, #tpu.memory_space<vmem_shared>>
        tpu.wait_indirect_dma semaphore(%run_scoped3A : memref<!tpu.dma_semaphore, #tpu.memory_space<semaphore_mem>>) src(%arg11 : memref<128x128xf32, #tpu.memory_space<vmem>>) dst(%dma_wait3A_197 : memref<10240x128xf32, #tpu.memory_space<vmem_shared>>)
        tpu.yield
      }) : () -> ()
      %add3A_175 = arith.addi %select_n3A, %add3A_161 : i32
      %add3A_176 = arith.constant 2 : i32
      %add3A_177 = arith.addi %add3A_175, %add3A_176 : i32
      %dma_start3A_178 = arith.constant 0 : i32
      %dma_start3A_179 = tpu.memref_slice %arg4[%add3A_177, %dma_start3A_178] : memref<2560x128xi32, #tpu.memory_space<hbm>> -> memref<1x128xi32, #tpu.memory_space<hbm>>
      %dma_start3A_180 = tpu.memref_squeeze %dma_start3A_179 : memref<1x128xi32, #tpu.memory_space<hbm>> -> memref<128xi32, #tpu.memory_space<hbm>>
      %dma_start3A_181 = arith.constant 0 : i32
      %dma_start3A_182 = tpu.memref_slice %arg4[%add3A_177, %dma_start3A_181] : memref<2560x128xi32, #tpu.memory_space<hbm>> -> memref<1x128xi32, #tpu.memory_space<hbm>>
      %dma_start3A_183 = tpu.memref_squeeze %dma_start3A_182 : memref<1x128xi32, #tpu.memory_space<hbm>> -> memref<128xi32, #tpu.memory_space<hbm>>
      tpu.enqueue_dma source(%dma_start3A_183 : memref<128xi32, #tpu.memory_space<hbm>>) target(%arg9 : memref<128xi32, #tpu.memory_space<vmem>>) target_semaphore(%arg16 : memref<!tpu.dma_semaphore, #tpu.memory_space<semaphore_mem>>)
      %add3A_184 = arith.constant 2 : i32
      %add3A_185 = arith.addi %add3A_161, %add3A_184 : i32
      %dma_start3A_186 = arith.constant 0 : i32
      %dma_start3A_187 = tpu.memref_slice %arg7[%add3A_185, %dma_start3A_186] : memref<112x128xi32, #tpu.memory_space<vmem>> -> memref<1x128xi32, #tpu.memory_space<vmem>>
      %dma_start3A_188 = tpu.memref_squeeze %dma_start3A_187 : memref<1x128xi32, #tpu.memory_space<vmem>> -> memref<128xi32, #tpu.memory_space<vmem>>
      %dma_start3A_189 = arith.constant 0 : i32
      %dma_start3A_190 = arith.constant 0 : i32
      %dma_start3A_191 = tpu.memref_slice %arg2[%dma_start3A_189, %dma_start3A_190] : memref<10240x128xf32, #tpu.memory_space<hbm>> -> memref<10240x128xf32, #tpu.memory_space<hbm>>
      tpu.enqueue_indirect_dma source(%dma_start3A_191 : memref<10240x128xf32, #tpu.memory_space<hbm>>) target(%arg11 : memref<128x128xf32, #tpu.memory_space<vmem>>) offsets(%dma_start3A_188 : memref<128xi32, #tpu.memory_space<vmem>>) semaphore(%arg14 : memref<!tpu.dma_semaphore, #tpu.memory_space<semaphore_mem>>)
    }
    %while3A_86 = arith.constant 1 : i32
    scf.for %while3A_125 = %while3A_84 to %while3A_80 step %while3A_86  : i32 {
      %mul3A_126 = arith.constant 2 : i32
      %mul3A_127 = arith.muli %while3A_125, %mul3A_126 : i32
      %add3A_128 = arith.constant 0 : i32
      %add3A_129 = arith.addi %mul3A_127, %add3A_128 : i32
      %dma_wait3A_130 = arith.constant 0 : i32
      %dma_wait3A_131 = tpu.memref_slice %arg7[%add3A_129, %dma_wait3A_130] : memref<112x128xi32, #tpu.memory_space<vmem>> -> memref<1x128xi32, #tpu.memory_space<vmem>>
      %dma_wait3A_132 = tpu.memref_squeeze %dma_wait3A_131 : memref<1x128xi32, #tpu.memory_space<vmem>> -> memref<128xi32, #tpu.memory_space<vmem>>
      %dma_wait3A_133 = arith.constant 0 : i32
      %dma_wait3A_134 = arith.constant 0 : i32
      %dma_wait3A_135 = tpu.memref_slice %arg2[%dma_wait3A_133, %dma_wait3A_134] : memref<10240x128xf32, #tpu.memory_space<hbm>> -> memref<10240x128xf32, #tpu.memory_space<hbm>>
      tpu.wait_indirect_dma semaphore(%arg13 : memref<!tpu.dma_semaphore, #tpu.memory_space<semaphore_mem>>) src(%dma_wait3A_135 : memref<10240x128xf32, #tpu.memory_space<hbm>>) dst(%arg10 : memref<128x128xf32, #tpu.memory_space<vmem>>)
      %add3A_136 = arith.addi %select_n3A, %add3A_129 : i32
      %dma_wait3A_137 = arith.constant 0 : i32
      %dma_wait3A_138 = tpu.memref_slice %arg4[%add3A_136, %dma_wait3A_137] : memref<2560x128xi32, #tpu.memory_space<hbm>> -> memref<1x128xi32, #tpu.memory_space<hbm>>
      %dma_wait3A_139 = tpu.memref_squeeze %dma_wait3A_138 : memref<1x128xi32, #tpu.memory_space<hbm>> -> memref<128xi32, #tpu.memory_space<hbm>>
      %dma_wait3A_140 = arith.constant 0 : i32
      %dma_wait3A_141 = tpu.memref_slice %arg4[%add3A_136, %dma_wait3A_140] : memref<2560x128xi32, #tpu.memory_space<hbm>> -> memref<1x128xi32, #tpu.memory_space<hbm>>
      %dma_wait3A_142 = tpu.memref_squeeze %dma_wait3A_141 : memref<1x128xi32, #tpu.memory_space<hbm>> -> memref<128xi32, #tpu.memory_space<hbm>>
      tpu.wait_dma2 semaphore(%arg15 : memref<!tpu.dma_semaphore, #tpu.memory_space<semaphore_mem>>) src(%dma_wait3A_142 : memref<128xi32, #tpu.memory_space<hbm>>) dst(%arg8 : memref<128xi32, #tpu.memory_space<vmem>>)
      "tpu.region"() ({
        %run_scoped3A = tpu.sem_alloc : memref<!tpu.dma_semaphore, #tpu.memory_space<semaphore_mem>>
        %dma_start3A_192 = arith.constant 0 : i32
        %dma_start3A_193 = arith.constant 0 : i32
        %dma_start3A_194 = tpu.memref_slice %arg12[%dma_start3A_192, %dma_start3A_193] : memref<10240x128xf32, #tpu.memory_space<vmem_shared>> -> memref<10240x128xf32, #tpu.memory_space<vmem_shared>>
        tpu.enqueue_indirect_dma source(%arg10 : memref<128x128xf32, #tpu.memory_space<vmem>>) target(%dma_start3A_194 : memref<10240x128xf32, #tpu.memory_space<vmem_shared>>) offsets(%arg8 : memref<128xi32, #tpu.memory_space<vmem>>) semaphore(%run_scoped3A : memref<!tpu.dma_semaphore, #tpu.memory_space<semaphore_mem>>) {add = true}
        %dma_wait3A_195 = arith.constant 0 : i32
        %dma_wait3A_196 = arith.constant 0 : i32
        %dma_wait3A_197 = tpu.memref_slice %arg12[%dma_wait3A_195, %dma_wait3A_196] : memref<10240x128xf32, #tpu.memory_space<vmem_shared>> -> memref<10240x128xf32, #tpu.memory_space<vmem_shared>>
        tpu.wait_indirect_dma semaphore(%run_scoped3A : memref<!tpu.dma_semaphore, #tpu.memory_space<semaphore_mem>>) src(%arg10 : memref<128x128xf32, #tpu.memory_space<vmem>>) dst(%dma_wait3A_197 : memref<10240x128xf32, #tpu.memory_space<vmem_shared>>)
        tpu.yield
      }) : () -> ()
      %add3A_143 = arith.addi %select_n3A, %add3A_129 : i32
      %add3A_144 = arith.constant 2 : i32
      %add3A_145 = arith.addi %add3A_143, %add3A_144 : i32
      %dma_start3A_146 = arith.constant 0 : i32
      %dma_start3A_147 = tpu.memref_slice %arg4[%add3A_145, %dma_start3A_146] : memref<2560x128xi32, #tpu.memory_space<hbm>> -> memref<1x128xi32, #tpu.memory_space<hbm>>
      %dma_start3A_148 = tpu.memref_squeeze %dma_start3A_147 : memref<1x128xi32, #tpu.memory_space<hbm>> -> memref<128xi32, #tpu.memory_space<hbm>>
      %dma_start3A_149 = arith.constant 0 : i32
      %dma_start3A_150 = tpu.memref_slice %arg4[%add3A_145, %dma_start3A_149] : memref<2560x128xi32, #tpu.memory_space<hbm>> -> memref<1x128xi32, #tpu.memory_space<hbm>>
      %dma_start3A_151 = tpu.memref_squeeze %dma_start3A_150 : memref<1x128xi32, #tpu.memory_space<hbm>> -> memref<128xi32, #tpu.memory_space<hbm>>
      tpu.enqueue_dma source(%dma_start3A_151 : memref<128xi32, #tpu.memory_space<hbm>>) target(%arg8 : memref<128xi32, #tpu.memory_space<vmem>>) target_semaphore(%arg15 : memref<!tpu.dma_semaphore, #tpu.memory_space<semaphore_mem>>)
      %add3A_152 = arith.constant 2 : i32
      %add3A_153 = arith.addi %add3A_129, %add3A_152 : i32
      %dma_start3A_154 = arith.constant 0 : i32
      %dma_start3A_155 = tpu.memref_slice %arg7[%add3A_153, %dma_start3A_154] : memref<112x128xi32, #tpu.memory_space<vmem>> -> memref<1x128xi32, #tpu.memory_space<vmem>>
      %dma_start3A_156 = tpu.memref_squeeze %dma_start3A_155 : memref<1x128xi32, #tpu.memory_space<vmem>> -> memref<128xi32, #tpu.memory_space<vmem>>
      %dma_start3A_157 = arith.constant 0 : i32
      %dma_start3A_158 = arith.constant 0 : i32
      %dma_start3A_159 = tpu.memref_slice %arg2[%dma_start3A_157, %dma_start3A_158] : memref<10240x128xf32, #tpu.memory_space<hbm>> -> memref<10240x128xf32, #tpu.memory_space<hbm>>
      tpu.enqueue_indirect_dma source(%dma_start3A_159 : memref<10240x128xf32, #tpu.memory_space<hbm>>) target(%arg10 : memref<128x128xf32, #tpu.memory_space<vmem>>) offsets(%dma_start3A_156 : memref<128xi32, #tpu.memory_space<vmem>>) semaphore(%arg13 : memref<!tpu.dma_semaphore, #tpu.memory_space<semaphore_mem>>)
      %add3A_160 = arith.constant 1 : i32
      %add3A_161 = arith.addi %mul3A_127, %add3A_160 : i32
      %dma_wait3A_162 = arith.constant 0 : i32
      %dma_wait3A_163 = tpu.memref_slice %arg7[%add3A_161, %dma_wait3A_162] : memref<112x128xi32, #tpu.memory_space<vmem>> -> memref<1x128xi32, #tpu.memory_space<vmem>>
      %dma_wait3A_164 = tpu.memref_squeeze %dma_wait3A_163 : memref<1x128xi32, #tpu.memory_space<vmem>> -> memref<128xi32, #tpu.memory_space<vmem>>
      %dma_wait3A_165 = arith.constant 0 : i32
      %dma_wait3A_166 = arith.constant 0 : i32
      %dma_wait3A_167 = tpu.memref_slice %arg2[%dma_wait3A_165, %dma_wait3A_166] : memref<10240x128xf32, #tpu.memory_space<hbm>> -> memref<10240x128xf32, #tpu.memory_space<hbm>>
      tpu.wait_indirect_dma semaphore(%arg14 : memref<!tpu.dma_semaphore, #tpu.memory_space<semaphore_mem>>) src(%dma_wait3A_167 : memref<10240x128xf32, #tpu.memory_space<hbm>>) dst(%arg11 : memref<128x128xf32, #tpu.memory_space<vmem>>)
      %add3A_168 = arith.addi %select_n3A, %add3A_161 : i32
      %dma_wait3A_169 = arith.constant 0 : i32
      %dma_wait3A_170 = tpu.memref_slice %arg4[%add3A_168, %dma_wait3A_169] : memref<2560x128xi32, #tpu.memory_space<hbm>> -> memref<1x128xi32, #tpu.memory_space<hbm>>
      %dma_wait3A_171 = tpu.memref_squeeze %dma_wait3A_170 : memref<1x128xi32, #tpu.memory_space<hbm>> -> memref<128xi32, #tpu.memory_space<hbm>>
      %dma_wait3A_172 = arith.constant 0 : i32
      %dma_wait3A_173 = tpu.memref_slice %arg4[%add3A_168, %dma_wait3A_172] : memref<2560x128xi32, #tpu.memory_space<hbm>> -> memref<1x128xi32, #tpu.memory_space<hbm>>
      %dma_wait3A_174 = tpu.memref_squeeze %dma_wait3A_173 : memref<1x128xi32, #tpu.memory_space<hbm>> -> memref<128xi32, #tpu.memory_space<hbm>>
      tpu.wait_dma2 semaphore(%arg16 : memref<!tpu.dma_semaphore, #tpu.memory_space<semaphore_mem>>) src(%dma_wait3A_174 : memref<128xi32, #tpu.memory_space<hbm>>) dst(%arg9 : memref<128xi32, #tpu.memory_space<vmem>>)
      "tpu.region"() ({
        %run_scoped3A = tpu.sem_alloc : memref<!tpu.dma_semaphore, #tpu.memory_space<semaphore_mem>>
        %dma_start3A_192 = arith.constant 0 : i32
        %dma_start3A_193 = arith.constant 0 : i32
        %dma_start3A_194 = tpu.memref_slice %arg12[%dma_start3A_192, %dma_start3A_193] : memref<10240x128xf32, #tpu.memory_space<vmem_shared>> -> memref<10240x128xf32, #tpu.memory_space<vmem_shared>>
        tpu.enqueue_indirect_dma source(%arg11 : memref<128x128xf32, #tpu.memory_space<vmem>>) target(%dma_start3A_194 : memref<10240x128xf32, #tpu.memory_space<vmem_shared>>) offsets(%arg9 : memref<128xi32, #tpu.memory_space<vmem>>) semaphore(%run_scoped3A : memref<!tpu.dma_semaphore, #tpu.memory_space<semaphore_mem>>) {add = true}
        %dma_wait3A_195 = arith.constant 0 : i32
        %dma_wait3A_196 = arith.constant 0 : i32
        %dma_wait3A_197 = tpu.memref_slice %arg12[%dma_wait3A_195, %dma_wait3A_196] : memref<10240x128xf32, #tpu.memory_space<vmem_shared>> -> memref<10240x128xf32, #tpu.memory_space<vmem_shared>>
        tpu.wait_indirect_dma semaphore(%run_scoped3A : memref<!tpu.dma_semaphore, #tpu.memory_space<semaphore_mem>>) src(%arg11 : memref<128x128xf32, #tpu.memory_space<vmem>>) dst(%dma_wait3A_197 : memref<10240x128xf32, #tpu.memory_space<vmem_shared>>)
        tpu.yield
      }) : () -> ()
      %add3A_175 = arith.addi %select_n3A, %add3A_161 : i32
      %add3A_176 = arith.constant 2 : i32
      %add3A_177 = arith.addi %add3A_175, %add3A_176 : i32
      %dma_start3A_178 = arith.constant 0 : i32
      %dma_start3A_179 = tpu.memref_slice %arg4[%add3A_177, %dma_start3A_178] : memref<2560x128xi32, #tpu.memory_space<hbm>> -> memref<1x128xi32, #tpu.memory_space<hbm>>
      %dma_start3A_180 = tpu.memref_squeeze %dma_start3A_179 : memref<1x128xi32, #tpu.memory_space<hbm>> -> memref<128xi32, #tpu.memory_space<hbm>>
      %dma_start3A_181 = arith.constant 0 : i32
      %dma_start3A_182 = tpu.memref_slice %arg4[%add3A_177, %dma_start3A_181] : memref<2560x128xi32, #tpu.memory_space<hbm>> -> memref<1x128xi32, #tpu.memory_space<hbm>>
      %dma_start3A_183 = tpu.memref_squeeze %dma_start3A_182 : memref<1x128xi32, #tpu.memory_space<hbm>> -> memref<128xi32, #tpu.memory_space<hbm>>
      tpu.enqueue_dma source(%dma_start3A_183 : memref<128xi32, #tpu.memory_space<hbm>>) target(%arg9 : memref<128xi32, #tpu.memory_space<vmem>>) target_semaphore(%arg16 : memref<!tpu.dma_semaphore, #tpu.memory_space<semaphore_mem>>)
      %add3A_184 = arith.constant 2 : i32
      %add3A_185 = arith.addi %add3A_161, %add3A_184 : i32
      %dma_start3A_186 = arith.constant 0 : i32
      %dma_start3A_187 = tpu.memref_slice %arg7[%add3A_185, %dma_start3A_186] : memref<112x128xi32, #tpu.memory_space<vmem>> -> memref<1x128xi32, #tpu.memory_space<vmem>>
      %dma_start3A_188 = tpu.memref_squeeze %dma_start3A_187 : memref<1x128xi32, #tpu.memory_space<vmem>> -> memref<128xi32, #tpu.memory_space<vmem>>
      %dma_start3A_189 = arith.constant 0 : i32
      %dma_start3A_190 = arith.constant 0 : i32
      %dma_start3A_191 = tpu.memref_slice %arg2[%dma_start3A_189, %dma_start3A_190] : memref<10240x128xf32, #tpu.memory_space<hbm>> -> memref<10240x128xf32, #tpu.memory_space<hbm>>
      tpu.enqueue_indirect_dma source(%dma_start3A_191 : memref<10240x128xf32, #tpu.memory_space<hbm>>) target(%arg11 : memref<128x128xf32, #tpu.memory_space<vmem>>) offsets(%dma_start3A_188 : memref<128xi32, #tpu.memory_space<vmem>>) semaphore(%arg14 : memref<!tpu.dma_semaphore, #tpu.memory_space<semaphore_mem>>)
    }
    %sub3A_87 = arith.constant 2 : i32
    %sub3A_88 = arith.subi %select_n3A_8, %sub3A_87 : i32
    %add3A_89 = arith.constant 0 : i32
    %add3A_90 = arith.addi %sub3A_88, %add3A_89 : i32
    %dma_wait3A = arith.constant 0 : i32
    %dma_wait3A_91 = tpu.memref_slice %arg7[%add3A_90, %dma_wait3A] : memref<112x128xi32, #tpu.memory_space<vmem>> -> memref<1x128xi32, #tpu.memory_space<vmem>>
    %dma_wait3A_92 = tpu.memref_squeeze %dma_wait3A_91 : memref<1x128xi32, #tpu.memory_space<vmem>> -> memref<128xi32, #tpu.memory_space<vmem>>
    %dma_wait3A_93 = arith.constant 0 : i32
    %dma_wait3A_94 = arith.constant 0 : i32
    %dma_wait3A_95 = tpu.memref_slice %arg2[%dma_wait3A_93, %dma_wait3A_94] : memref<10240x128xf32, #tpu.memory_space<hbm>> -> memref<10240x128xf32, #tpu.memory_space<hbm>>
    tpu.wait_indirect_dma semaphore(%arg13 : memref<!tpu.dma_semaphore, #tpu.memory_space<semaphore_mem>>) src(%dma_wait3A_95 : memref<10240x128xf32, #tpu.memory_space<hbm>>) dst(%arg10 : memref<128x128xf32, #tpu.memory_space<vmem>>)
    %add3A_96 = arith.addi %select_n3A, %add3A_90 : i32
    %dma_wait3A_97 = arith.constant 0 : i32
    %dma_wait3A_98 = tpu.memref_slice %arg4[%add3A_96, %dma_wait3A_97] : memref<2560x128xi32, #tpu.memory_space<hbm>> -> memref<1x128xi32, #tpu.memory_space<hbm>>
    %dma_wait3A_99 = tpu.memref_squeeze %dma_wait3A_98 : memref<1x128xi32, #tpu.memory_space<hbm>> -> memref<128xi32, #tpu.memory_space<hbm>>
    %dma_wait3A_100 = arith.constant 0 : i32
    %dma_wait3A_101 = tpu.memref_slice %arg4[%add3A_96, %dma_wait3A_100] : memref<2560x128xi32, #tpu.memory_space<hbm>> -> memref<1x128xi32, #tpu.memory_space<hbm>>
    %dma_wait3A_102 = tpu.memref_squeeze %dma_wait3A_101 : memref<1x128xi32, #tpu.memory_space<hbm>> -> memref<128xi32, #tpu.memory_space<hbm>>
    tpu.wait_dma2 semaphore(%arg15 : memref<!tpu.dma_semaphore, #tpu.memory_space<semaphore_mem>>) src(%dma_wait3A_102 : memref<128xi32, #tpu.memory_space<hbm>>) dst(%arg8 : memref<128xi32, #tpu.memory_space<vmem>>)
    "tpu.region"() ({
      %run_scoped3A = tpu.sem_alloc : memref<!tpu.dma_semaphore, #tpu.memory_space<semaphore_mem>>
      %dma_start3A_125 = arith.constant 0 : i32
      %dma_start3A_126 = arith.constant 0 : i32
      %dma_start3A_127 = tpu.memref_slice %arg12[%dma_start3A_125, %dma_start3A_126] : memref<10240x128xf32, #tpu.memory_space<vmem_shared>> -> memref<10240x128xf32, #tpu.memory_space<vmem_shared>>
      tpu.enqueue_indirect_dma source(%arg10 : memref<128x128xf32, #tpu.memory_space<vmem>>) target(%dma_start3A_127 : memref<10240x128xf32, #tpu.memory_space<vmem_shared>>) offsets(%arg8 : memref<128xi32, #tpu.memory_space<vmem>>) semaphore(%run_scoped3A : memref<!tpu.dma_semaphore, #tpu.memory_space<semaphore_mem>>) {add = true}
      %dma_wait3A_128 = arith.constant 0 : i32
      %dma_wait3A_129 = arith.constant 0 : i32
      %dma_wait3A_130 = tpu.memref_slice %arg12[%dma_wait3A_128, %dma_wait3A_129] : memref<10240x128xf32, #tpu.memory_space<vmem_shared>> -> memref<10240x128xf32, #tpu.memory_space<vmem_shared>>
      tpu.wait_indirect_dma semaphore(%run_scoped3A : memref<!tpu.dma_semaphore, #tpu.memory_space<semaphore_mem>>) src(%arg10 : memref<128x128xf32, #tpu.memory_space<vmem>>) dst(%dma_wait3A_130 : memref<10240x128xf32, #tpu.memory_space<vmem_shared>>)
      tpu.yield
    }) : () -> ()
    %sub3A_103 = arith.constant 2 : i32
    %sub3A_104 = arith.subi %select_n3A_8, %sub3A_103 : i32
    %add3A_105 = arith.constant 1 : i32
    %add3A_106 = arith.addi %sub3A_104, %add3A_105 : i32
    %dma_wait3A_107 = arith.constant 0 : i32
    %dma_wait3A_108 = tpu.memref_slice %arg7[%add3A_106, %dma_wait3A_107] : memref<112x128xi32, #tpu.memory_space<vmem>> -> memref<1x128xi32, #tpu.memory_space<vmem>>
    %dma_wait3A_109 = tpu.memref_squeeze %dma_wait3A_108 : memref<1x128xi32, #tpu.memory_space<vmem>> -> memref<128xi32, #tpu.memory_space<vmem>>
    %dma_wait3A_110 = arith.constant 0 : i32
    %dma_wait3A_111 = arith.constant 0 : i32
    %dma_wait3A_112 = tpu.memref_slice %arg2[%dma_wait3A_110, %dma_wait3A_111] : memref<10240x128xf32, #tpu.memory_space<hbm>> -> memref<10240x128xf32, #tpu.memory_space<hbm>>
    tpu.wait_indirect_dma semaphore(%arg14 : memref<!tpu.dma_semaphore, #tpu.memory_space<semaphore_mem>>) src(%dma_wait3A_112 : memref<10240x128xf32, #tpu.memory_space<hbm>>) dst(%arg11 : memref<128x128xf32, #tpu.memory_space<vmem>>)
    %add3A_113 = arith.addi %select_n3A, %add3A_106 : i32
    %dma_wait3A_114 = arith.constant 0 : i32
    %dma_wait3A_115 = tpu.memref_slice %arg4[%add3A_113, %dma_wait3A_114] : memref<2560x128xi32, #tpu.memory_space<hbm>> -> memref<1x128xi32, #tpu.memory_space<hbm>>
    %dma_wait3A_116 = tpu.memref_squeeze %dma_wait3A_115 : memref<1x128xi32, #tpu.memory_space<hbm>> -> memref<128xi32, #tpu.memory_space<hbm>>
    %dma_wait3A_117 = arith.constant 0 : i32
    %dma_wait3A_118 = tpu.memref_slice %arg4[%add3A_113, %dma_wait3A_117] : memref<2560x128xi32, #tpu.memory_space<hbm>> -> memref<1x128xi32, #tpu.memory_space<hbm>>
    %dma_wait3A_119 = tpu.memref_squeeze %dma_wait3A_118 : memref<1x128xi32, #tpu.memory_space<hbm>> -> memref<128xi32, #tpu.memory_space<hbm>>
    tpu.wait_dma2 semaphore(%arg16 : memref<!tpu.dma_semaphore, #tpu.memory_space<semaphore_mem>>) src(%dma_wait3A_119 : memref<128xi32, #tpu.memory_space<hbm>>) dst(%arg9 : memref<128xi32, #tpu.memory_space<vmem>>)
    "tpu.region"() ({
      %run_scoped3A = tpu.sem_alloc : memref<!tpu.dma_semaphore, #tpu.memory_space<semaphore_mem>>
      %dma_start3A_125 = arith.constant 0 : i32
      %dma_start3A_126 = arith.constant 0 : i32
      %dma_start3A_127 = tpu.memref_slice %arg12[%dma_start3A_125, %dma_start3A_126] : memref<10240x128xf32, #tpu.memory_space<vmem_shared>> -> memref<10240x128xf32, #tpu.memory_space<vmem_shared>>
      tpu.enqueue_indirect_dma source(%arg11 : memref<128x128xf32, #tpu.memory_space<vmem>>) target(%dma_start3A_127 : memref<10240x128xf32, #tpu.memory_space<vmem_shared>>) offsets(%arg9 : memref<128xi32, #tpu.memory_space<vmem>>) semaphore(%run_scoped3A : memref<!tpu.dma_semaphore, #tpu.memory_space<semaphore_mem>>) {add = true}
      %dma_wait3A_128 = arith.constant 0 : i32
      %dma_wait3A_129 = arith.constant 0 : i32
      %dma_wait3A_130 = tpu.memref_slice %arg12[%dma_wait3A_128, %dma_wait3A_129] : memref<10240x128xf32, #tpu.memory_space<vmem_shared>> -> memref<10240x128xf32, #tpu.memory_space<vmem_shared>>
      tpu.wait_indirect_dma semaphore(%run_scoped3A : memref<!tpu.dma_semaphore, #tpu.memory_space<semaphore_mem>>) src(%arg11 : memref<128x128xf32, #tpu.memory_space<vmem>>) dst(%dma_wait3A_130 : memref<10240x128xf32, #tpu.memory_space<vmem_shared>>)
      tpu.yield
    }) : () -> ()
    %barrier3A_120 = arith.constant 0 : index
    tpu.barrier barrier_id(%barrier3A_120)
    %mul3A_121 = arith.constant 640 : i32
    %mul3A_122 = arith.muli %arg1, %mul3A_121 : i32
    %mul3A_123 = arith.constant 640 : i32
    %mul3A_124 = arith.muli %arg1, %mul3A_123 : i32
    "tpu.region"() ({
      %run_scoped3A = tpu.sem_alloc : memref<!tpu.dma_semaphore, #tpu.memory_space<semaphore_mem>>
      %dma_start3A_125 = arith.constant 0 : i32
      %dma_start3A_126 = tpu.memref_slice %arg6[%arg0, %mul3A_124, %dma_start3A_125] : memref<2x10240x128xf32, #tpu.memory_space<hbm>> -> memref<1x640x128xf32, #tpu.memory_space<hbm>>
      %dma_start3A_127 = tpu.memref_squeeze %dma_start3A_126 : memref<1x640x128xf32, #tpu.memory_space<hbm>> -> memref<640x128xf32, #tpu.memory_space<hbm>>
      %dma_start3A_128 = arith.constant 0 : i32
      %dma_start3A_129 = tpu.memref_slice %arg12[%mul3A_122, %dma_start3A_128] : memref<10240x128xf32, #tpu.memory_space<vmem_shared>> -> memref<640x128xf32, #tpu.memory_space<vmem_shared>>
      tpu.enqueue_dma source(%dma_start3A_129 : memref<640x128xf32, #tpu.memory_space<vmem_shared>>) target(%dma_start3A_127 : memref<640x128xf32, #tpu.memory_space<hbm>>) target_semaphore(%run_scoped3A : memref<!tpu.dma_semaphore, #tpu.memory_space<semaphore_mem>>)
      %dma_wait3A_130 = arith.constant 0 : i32
      %dma_wait3A_131 = tpu.memref_slice %arg6[%arg0, %mul3A_124, %dma_wait3A_130] : memref<2x10240x128xf32, #tpu.memory_space<hbm>> -> memref<1x640x128xf32, #tpu.memory_space<hbm>>
      %dma_wait3A_132 = tpu.memref_squeeze %dma_wait3A_131 : memref<1x640x128xf32, #tpu.memory_space<hbm>> -> memref<640x128xf32, #tpu.memory_space<hbm>>
      %dma_wait3A_133 = arith.constant 0 : i32
      %dma_wait3A_134 = tpu.memref_slice %arg12[%mul3A_122, %dma_wait3A_133] : memref<10240x128xf32, #tpu.memory_space<vmem_shared>> -> memref<640x128xf32, #tpu.memory_space<vmem_shared>>
      tpu.wait_dma2 semaphore(%run_scoped3A : memref<!tpu.dma_semaphore, #tpu.memory_space<semaphore_mem>>) src(%dma_wait3A_134 : memref<640x128xf32, #tpu.memory_space<vmem_shared>>) dst(%dma_wait3A_132 : memref<640x128xf32, #tpu.memory_space<hbm>>)
      tpu.yield
    }) : () -> ()
    return
  }
}

module attributes {stable_mosaic.version = 14 : i64} {
  func.func @_scale_body(%arg0: i32, %arg1: memref<512x1xf32, #tpu.memory_space<vmem>>, %arg2: memref<512x1xf32, #tpu.memory_space<vmem>>, %arg3: memref<512x128xf32, #tpu.memory_space<vmem>>, %arg4: memref<512x1xf32, #tpu.memory_space<vmem>>, %arg5: memref<512x128xf32, #tpu.memory_space<vmem>>) attributes {dimension_semantics = [#tpu.dimension_semantics<arbitrary>], iteration_bounds = array<i64: 20>, scalar_prefetch = 0 : i64, scratch_operands = 0 : i64, tpu.core_type = #tpu.core_type<tc>, window_params = [{transform_indices = @transform_0, window_bounds = array<i64: 512, 1>}, {transform_indices = @transform_1, window_bounds = array<i64: 512, 1>}, {transform_indices = @transform_2, window_bounds = array<i64: 512, 128>}, {transform_indices = @transform_3, window_bounds = array<i64: 512, 1>}, {transform_indices = @transform_4, window_bounds = array<i64: 512, 128>}]} {
    %get3A = arith.constant 0 : index
    %get3A_0 = arith.constant 0 : index
    %get3A_1 = vector.load %arg1[%get3A, %get3A_0] : memref<512x1xf32, #tpu.memory_space<vmem>>, vector<512x1xf32>
    %get3A_2 = arith.constant 0 : index
    %get3A_3 = arith.constant 0 : index
    %get3A_4 = vector.load %arg2[%get3A_2, %get3A_3] : memref<512x1xf32, #tpu.memory_space<vmem>>, vector<512x1xf32>
    %add3A = arith.addf %get3A_1, %get3A_4 : vector<512x1xf32>
    %add3A_5 = arith.constant 1.000000e+00 : f32
    %add3A_6 = vector.broadcast %add3A_5 : f32 to vector<512x1xf32>
    %add3A_7 = arith.addf %add3A, %add3A_6 : vector<512x1xf32>
    %rsqrt3A = math.rsqrt %add3A_7 : vector<512x1xf32>
    %swap3A = arith.constant 0 : index
    %swap3A_8 = arith.constant 0 : index
    %swap3A_9 = vector.load %arg4[%swap3A, %swap3A_8] : memref<512x1xf32, #tpu.memory_space<vmem>>, vector<512x1xf32>
    tpu.vector_store %arg4[%swap3A, %swap3A_8], %rsqrt3A {strides = array<i32>} : memref<512x1xf32, #tpu.memory_space<vmem>>, vector<512x1xf32>,
    %get3A_10 = arith.constant 0 : index
    %get3A_11 = arith.constant 0 : index
    %get3A_12 = vector.load %arg3[%get3A_10, %get3A_11] : memref<512x128xf32, #tpu.memory_space<vmem>>, vector<512x128xf32>
    %mul3A = vector.broadcast %rsqrt3A : vector<512x1xf32> to vector<512x128xf32>
    %mul3A_13 = arith.mulf %get3A_12, %mul3A : vector<512x128xf32>
    %swap3A_14 = arith.constant 0 : index
    %swap3A_15 = arith.constant 0 : index
    %swap3A_16 = vector.load %arg5[%swap3A_14, %swap3A_15] : memref<512x128xf32, #tpu.memory_space<vmem>>, vector<512x128xf32>
    tpu.vector_store %arg5[%swap3A_14, %swap3A_15], %mul3A_13 {strides = array<i32>} : memref<512x128xf32, #tpu.memory_space<vmem>>, vector<512x128xf32>,
    return
  }
  func.func @transform_0(%arg0: i32) -> (i32, i32) {
    %c0_i32 = arith.constant 0 : i32
    %c0_i32_0 = arith.constant 0 : i32
    return %arg0, %c0_i32 : i32, i32
  }
  func.func @transform_1(%arg0: i32) -> (i32, i32) {
    %c0_i32 = arith.constant 0 : i32
    %c0_i32_0 = arith.constant 0 : i32
    return %arg0, %c0_i32 : i32, i32
  }
  func.func @transform_2(%arg0: i32) -> (i32, i32) {
    %c0_i32 = arith.constant 0 : i32
    %c0_i32_0 = arith.constant 0 : i32
    return %arg0, %c0_i32 : i32, i32
  }
  func.func @transform_3(%arg0: i32) -> (i32, i32) {
    %c0_i32 = arith.constant 0 : i32
    %c0_i32_0 = arith.constant 0 : i32
    return %arg0, %c0_i32 : i32, i32
  }
  func.func @transform_4(%arg0: i32) -> (i32, i32) {
    %c0_i32 = arith.constant 0 : i32
    %c0_i32_0 = arith.constant 0 : i32
    return %arg0, %c0_i32 : i32, i32
  }
}

module attributes {stable_mosaic.version = 14 : i64} {
  func.func @_layer_body(%arg0: i32, %arg1: memref<512x128xf32, #tpu.memory_space<vmem>>, %arg2: memref<512x128xf32, #tpu.memory_space<vmem>>, %arg3: memref<512x128xf32, #tpu.memory_space<vmem>>, %arg4: memref<512x1xf32, #tpu.memory_space<vmem>>, %arg5: memref<128x256xf32, #tpu.memory_space<vmem>>, %arg6: memref<1x256xf32, #tpu.memory_space<vmem>>, %arg7: memref<256x128xf32, #tpu.memory_space<vmem>>, %arg8: memref<512x128xf32, #tpu.memory_space<vmem>>) attributes {dimension_semantics = [#tpu.dimension_semantics<arbitrary>], iteration_bounds = array<i64: 20>, scalar_prefetch = 0 : i64, scratch_operands = 0 : i64, tpu.core_type = #tpu.core_type<tc>, window_params = [{transform_indices = @transform_0, window_bounds = array<i64: 512, 128>}, {transform_indices = @transform_1, window_bounds = array<i64: 512, 128>}, {transform_indices = @transform_2, window_bounds = array<i64: 512, 128>}, {transform_indices = @transform_3, window_bounds = array<i64: 512, 1>}, {pipeline_mode = #tpu.pipeline_mode<synchronous>, transform_indices = @transform_4, window_bounds = array<i64: 128, 256>}, {pipeline_mode = #tpu.pipeline_mode<synchronous>, transform_indices = @transform_5, window_bounds = array<i64: 1, 256>}, {pipeline_mode = #tpu.pipeline_mode<synchronous>, transform_indices = @transform_6, window_bounds = array<i64: 256, 128>}, {transform_indices = @transform_7, window_bounds = array<i64: 512, 128>}]} {
    %get3A = arith.constant 0 : index
    %get3A_0 = arith.constant 0 : index
    %get3A_1 = vector.load %arg1[%get3A, %get3A_0] : memref<512x128xf32, #tpu.memory_space<vmem>>, vector<512x128xf32>
    %get3A_2 = arith.constant 0 : index
    %get3A_3 = arith.constant 0 : index
    %get3A_4 = vector.load %arg2[%get3A_2, %get3A_3] : memref<512x128xf32, #tpu.memory_space<vmem>>, vector<512x128xf32>
    %add3A = arith.addf %get3A_1, %get3A_4 : vector<512x128xf32>
    %get3A_5 = arith.constant 0 : index
    %get3A_6 = arith.constant 0 : index
    %get3A_7 = vector.load %arg3[%get3A_5, %get3A_6] : memref<512x128xf32, #tpu.memory_space<vmem>>, vector<512x128xf32>
    %add3A_8 = arith.addf %add3A, %get3A_7 : vector<512x128xf32>
    %get3A_9 = arith.constant 0 : index
    %get3A_10 = arith.constant 0 : index
    %get3A_11 = vector.load %arg4[%get3A_9, %get3A_10] : memref<512x1xf32, #tpu.memory_space<vmem>>, vector<512x1xf32>
    %mul3A = vector.broadcast %get3A_11 : vector<512x1xf32> to vector<512x128xf32>
    %mul3A_12 = arith.mulf %add3A_8, %mul3A : vector<512x128xf32>
    %get3A_13 = arith.constant 0 : index
    %get3A_14 = arith.constant 0 : index
    %get3A_15 = vector.load %arg5[%get3A_13, %get3A_14] : memref<128x256xf32, #tpu.memory_space<vmem>>, vector<128x256xf32>
    %dot_general3A = arith.constant dense<0.000000e+00> : vector<512x256xf32>
    %dot_general3A_16 = tpu.matmul %mul3A_12, %get3A_15, %dot_general3A {dimension_numbers = #tpu.dot_dimension_numbers<[1], [0], [0], [1], [0, 0, 1, 1], [], []>, transpose_lhs_hint = false} : vector<512x128xf32>, vector<128x256xf32>, vector<512x256xf32> -> vector<512x256xf32>
    %get3A_17 = arith.constant 0 : index
    %get3A_18 = arith.constant 0 : index
    %get3A_19 = vector.load %arg6[%get3A_17, %get3A_18] : memref<1x256xf32, #tpu.memory_space<vmem>>, vector<1x256xf32>
    %add3A_20 = vector.broadcast %get3A_19 : vector<1x256xf32> to vector<512x256xf32>
    %add3A_21 = arith.addf %dot_general3A_16, %add3A_20 : vector<512x256xf32>
    %max3A = arith.constant 0.000000e+00 : f32
    %max3A_22 = vector.broadcast %max3A : f32 to vector<512x256xf32>
    %max3A_23 = arith.maximumf %add3A_21, %max3A_22 : vector<512x256xf32>
    %get3A_24 = arith.constant 0 : index
    %get3A_25 = arith.constant 0 : index
    %get3A_26 = vector.load %arg7[%get3A_24, %get3A_25] : memref<256x128xf32, #tpu.memory_space<vmem>>, vector<256x128xf32>
    %dot_general3A_27 = arith.constant dense<0.000000e+00> : vector<512x128xf32>
    %dot_general3A_28 = tpu.matmul %max3A_23, %get3A_26, %dot_general3A_27 {dimension_numbers = #tpu.dot_dimension_numbers<[1], [0], [0], [1], [0, 0, 1, 1], [], []>, transpose_lhs_hint = false} : vector<512x256xf32>, vector<256x128xf32>, vector<512x128xf32> -> vector<512x128xf32>
    %get3A_29 = arith.constant 0 : index
    %get3A_30 = arith.constant 0 : index
    %get3A_31 = vector.load %arg4[%get3A_29, %get3A_30] : memref<512x1xf32, #tpu.memory_space<vmem>>, vector<512x1xf32>
    %mul3A_32 = vector.broadcast %get3A_31 : vector<512x1xf32> to vector<512x128xf32>
    %mul3A_33 = arith.mulf %dot_general3A_28, %mul3A_32 : vector<512x128xf32>
    %swap3A = arith.constant 0 : index
    %swap3A_34 = arith.constant 0 : index
    %swap3A_35 = vector.load %arg8[%swap3A, %swap3A_34] : memref<512x128xf32, #tpu.memory_space<vmem>>, vector<512x128xf32>
    tpu.vector_store %arg8[%swap3A, %swap3A_34], %mul3A_33 {strides = array<i32>} : memref<512x128xf32, #tpu.memory_space<vmem>>, vector<512x128xf32>,
    return
  }
  func.func @transform_0(%arg0: i32) -> (i32, i32) {
    %c0_i32 = arith.constant 0 : i32
    %c0_i32_0 = arith.constant 0 : i32
    return %arg0, %c0_i32 : i32, i32
  }
  func.func @transform_1(%arg0: i32) -> (i32, i32) {
    %c0_i32 = arith.constant 0 : i32
    %c0_i32_0 = arith.constant 0 : i32
    return %arg0, %c0_i32 : i32, i32
  }
  func.func @transform_2(%arg0: i32) -> (i32, i32) {
    %c0_i32 = arith.constant 0 : i32
    %c0_i32_0 = arith.constant 0 : i32
    return %arg0, %c0_i32 : i32, i32
  }
  func.func @transform_3(%arg0: i32) -> (i32, i32) {
    %c0_i32 = arith.constant 0 : i32
    %c0_i32_0 = arith.constant 0 : i32
    return %arg0, %c0_i32 : i32, i32
  }
  func.func @transform_4(%arg0: i32) -> (i32, i32) {
    %c0_i32 = arith.constant 0 : i32
    %c0_i32_0 = arith.constant 0 : i32
    %c0_i32_1 = arith.constant 0 : i32
    return %c0_i32, %c0_i32_0 : i32, i32
  }
  func.func @transform_5(%arg0: i32) -> (i32, i32) {
    %c0_i32 = arith.constant 0 : i32
    %c0_i32_0 = arith.constant 0 : i32
    %c0_i32_1 = arith.constant 0 : i32
    return %c0_i32, %c0_i32_0 : i32, i32
  }
  func.func @transform_6(%arg0: i32) -> (i32, i32) {
    %c0_i32 = arith.constant 0 : i32
    %c0_i32_0 = arith.constant 0 : i32
    %c0_i32_1 = arith.constant 0 : i32
    return %c0_i32, %c0_i32_0 : i32, i32
  }
  func.func @transform_7(%arg0: i32) -> (i32, i32) {
    %c0_i32 = arith.constant 0 : i32
    %c0_i32_0 = arith.constant 0 : i32
    return %arg0, %c0_i32 : i32, i32
  }
}

module attributes {stable_mosaic.version = 14 : i64} {
  func.func @_final_body(%arg0: i32, %arg1: memref<512x128xf32, #tpu.memory_space<vmem>>, %arg2: memref<512x128xf32, #tpu.memory_space<vmem>>, %arg3: memref<512x128xf32, #tpu.memory_space<vmem>>, %arg4: memref<512x1xf32, #tpu.memory_space<vmem>>, %arg5: memref<1x128xf32, #tpu.memory_space<vmem>>, %arg6: memref<512x128xf32, #tpu.memory_space<vmem>>) attributes {dimension_semantics = [#tpu.dimension_semantics<arbitrary>], iteration_bounds = array<i64: 20>, scalar_prefetch = 0 : i64, scratch_operands = 0 : i64, tpu.core_type = #tpu.core_type<tc>, window_params = [{transform_indices = @transform_0, window_bounds = array<i64: 512, 128>}, {transform_indices = @transform_1, window_bounds = array<i64: 512, 128>}, {transform_indices = @transform_2, window_bounds = array<i64: 512, 128>}, {transform_indices = @transform_3, window_bounds = array<i64: 512, 1>}, {pipeline_mode = #tpu.pipeline_mode<synchronous>, transform_indices = @transform_4, window_bounds = array<i64: 1, 128>}, {transform_indices = @transform_5, window_bounds = array<i64: 512, 128>}]} {
    %get3A = arith.constant 0 : index
    %get3A_0 = arith.constant 0 : index
    %get3A_1 = vector.load %arg1[%get3A, %get3A_0] : memref<512x128xf32, #tpu.memory_space<vmem>>, vector<512x128xf32>
    %get3A_2 = arith.constant 0 : index
    %get3A_3 = arith.constant 0 : index
    %get3A_4 = vector.load %arg2[%get3A_2, %get3A_3] : memref<512x128xf32, #tpu.memory_space<vmem>>, vector<512x128xf32>
    %add3A = arith.addf %get3A_1, %get3A_4 : vector<512x128xf32>
    %get3A_5 = arith.constant 0 : index
    %get3A_6 = arith.constant 0 : index
    %get3A_7 = vector.load %arg3[%get3A_5, %get3A_6] : memref<512x128xf32, #tpu.memory_space<vmem>>, vector<512x128xf32>
    %add3A_8 = arith.addf %add3A, %get3A_7 : vector<512x128xf32>
    %get3A_9 = arith.constant 0 : index
    %get3A_10 = arith.constant 0 : index
    %get3A_11 = vector.load %arg4[%get3A_9, %get3A_10] : memref<512x1xf32, #tpu.memory_space<vmem>>, vector<512x1xf32>
    %mul3A = vector.broadcast %get3A_11 : vector<512x1xf32> to vector<512x128xf32>
    %mul3A_12 = arith.mulf %add3A_8, %mul3A : vector<512x128xf32>
    %get3A_13 = arith.constant 0 : index
    %get3A_14 = arith.constant 0 : index
    %get3A_15 = vector.load %arg5[%get3A_13, %get3A_14] : memref<1x128xf32, #tpu.memory_space<vmem>>, vector<1x128xf32>
    %add3A_16 = vector.broadcast %get3A_15 : vector<1x128xf32> to vector<512x128xf32>
    %add3A_17 = arith.addf %mul3A_12, %add3A_16 : vector<512x128xf32>
    %swap3A = arith.constant 0 : index
    %swap3A_18 = arith.constant 0 : index
    %swap3A_19 = vector.load %arg6[%swap3A, %swap3A_18] : memref<512x128xf32, #tpu.memory_space<vmem>>, vector<512x128xf32>
    tpu.vector_store %arg6[%swap3A, %swap3A_18], %add3A_17 {strides = array<i32>} : memref<512x128xf32, #tpu.memory_space<vmem>>, vector<512x128xf32>,
    return
  }
  func.func @transform_0(%arg0: i32) -> (i32, i32) {
    %c0_i32 = arith.constant 0 : i32
    %c0_i32_0 = arith.constant 0 : i32
    return %arg0, %c0_i32 : i32, i32
  }
  func.func @transform_1(%arg0: i32) -> (i32, i32) {
    %c0_i32 = arith.constant 0 : i32
    %c0_i32_0 = arith.constant 0 : i32
    return %arg0, %c0_i32 : i32, i32
  }
  func.func @transform_2(%arg0: i32) -> (i32, i32) {
    %c0_i32 = arith.constant 0 : i32
    %c0_i32_0 = arith.constant 0 : i32
    return %arg0, %c0_i32 : i32, i32
  }
  func.func @transform_3(%arg0: i32) -> (i32, i32) {
    %c0_i32 = arith.constant 0 : i32
    %c0_i32_0 = arith.constant 0 : i32
    return %arg0, %c0_i32 : i32, i32
  }
  func.func @transform_4(%arg0: i32) -> (i32, i32) {
    %c0_i32 = arith.constant 0 : i32
    %c0_i32_0 = arith.constant 0 : i32
    %c0_i32_1 = arith.constant 0 : i32
    return %c0_i32, %c0_i32_0 : i32, i32
  }
  func.func @transform_5(%arg0: i32) -> (i32, i32) {
    %c0_i32 = arith.constant 0 : i32
    %c0_i32_0 = arith.constant 0 : i32
    return %arg0, %c0_i32 : i32, i32
  }
}

</mosaic_0001>

<sc_bundles>
// kernel: kernel.11.cloned.1.call-start
scs
__scs_entry_jumppad:
0x0: {  	(pc) =	sbr.rel $0x88, $3  }
0x1: {  	(tag) =	ssettag $0x0;
	lr =	simm.s32 $0x1  }
0x2: {  	[smem:$0x3F9B] =	sst lr;
	_ =	strace $0xD0000000  }
0x3: {  	_ = 	snop  }
0x4: {  	_ = 	snop  }
0x5: {  	_ = 	snop  }
0x6: {  	_ = 	snop  }
0x7: {  	_ = 	snop  }
__scs_overlays_trampoline_lowered:
0x8: {  	[smem:$0x3FAA] =	sst s0  }
0x9: {  	[smem:$0x3FAB] =	sst s1  }
0xa: {  	[smem:$0x3FAC] =	sst s2  }
0xb: {  	[smem:$0x3FAD] =	sst s3  }
0xc: {  	[smem:$0x3FAE] =	sst s4  }
0xd: {  	[smem:$0x3FAF] =	sst s5  }
0xe: {  	[smem:$0x3FB0] =	sst s6  }
0xf: {  	[smem:$0x3FB1] =	sst s7  }
0x10: {  	[smem:$0x3FB2] =	sst s8  }
0x11: {  	[smem:$0x3FB3] =	sst s9;
	s0 =	simm.s32 @!p0 $0x0  }
0x12: {  	s1 =	sld [smem:$0x3F99];
	s0 =	simm.s32 @p0 $0x1  }
0x13: {  	[smem:$0x3FB4] =	sst s0;
	s0 =	simm.s32 @!p1 $0x0  }
0x14: {  	s2 =	sld [smem:$0x3F98];
	s0 =	simm.s32 @p1 $0x1  }
0x15: {  	[smem:$0x3FB5] =	sst s0;
	s0 =	simm.s32 @!p2 $0x0  }
0x16: {  	s3 =	sld [smem:$0x3FDB];
	s0 =	simm.s32 @p2 $0x1  }
0x17: {  	s4 =	simm.s32 $0x1BF5;
	[smem:$0x3FB7] =	sst s0  }
0x18: {  	s0 =	sld [smem:$0x3F9A];
	_ =	swait.ge [sflag:s4], $0x0  }
0x19: {  	s7 =	sld [smem:$0x3F9B]  }
0x1a: {  	s8 =	sadd.s32 $0xFFFFE003, lr  }
0x1b: {  	s9 =	sadd.s32 $0xFFFFFEF7, lr;
	s5 =	simm.s32 $0xFFFFFFFF;
	p2 =	slt.u32 s8, $0xFFFFF086  }
0x1c: {  	p1 =	slt.u32 s9, $0xF7A;
	s5 =	simm.s32 @!p2 $0x0  }
0x1d: {  	s5 =	simm.s32 @p1 $0x1;
	p0 =	seq.s32 s7, s2  }
0x1e: {  	s7 =	smul.u32 @!p0 $0xF7A, s2;
	p2 =	seq.s32 @!p0 s5, $0x0  }
0x1f: {  	s9 =	smul.u32 $0xF7A, s1;
	s8 =	simm.s32 @!p0 $0x1BF5;
	p2 =	por !p2, p0  }
0x20: {  	[sflag:s8] =	ssyncset.s32 @!p0 $0xFFFFF086;
	s6 =	sadd.s32 @!p0 s3, s7;
	s7 =	simm.s32 @!p0 $0x108  }
0x21: {  	s3 =	sadd.s32 s3, s9;
	s6 =	sadd.s32 @!p0 $0x88, s6;
	s7 =	simm.s32 @p2 $0x1082  }
0x22: {  	[simem:s7], [sflag:s8] =	dma.local @!p0 [hbm:s6], $0xF7A  }
0x23: {  	s9 =	sor.u32 $0xD0000000, s2;
	s6 =	simm.s32 $0x108;
	_ =	swait.ge @!p0 [sflag:s8], $0x0  }
0x24: {  	s3 =	sadd.s32 $0x88, s3;
	s6 =	simm.s32 @!p1 $0x1082;
	[sflag:s4] =	ssyncset.s32 $0xFFFFF086  }
0x25: {  	[simem:s6], [sflag:s4] =	dma.local [hbm:s3], $0xF7A  }
0x26: {  	[smem:$0x3F9B] =	sst s1;
	(tag) =	ssettag s2;
	_ =	strace s9  }
0x27: {  	s1 =	sld [smem:$0x3FAB]  }
0x28: {  	s2 =	sld [smem:$0x3FAC]  }
0x29: {  	s4 =	sld [smem:$0x3FAE]  }
0x2a: {  	p0 =	seq.s32 s5, $0x0;
	s5 =	sld [smem:$0x3FAF]  }
0x2b: {  	s6 =	sld [smem:$0x3FB0]  }
0x2c: {  	s7 =	sld [smem:$0x3FB1]  }
0x2d: {  	s3 =	simm.s32 $0x108;
	s8 =	sld [smem:$0x3FB2]  }
0x2e: {  	s3 =	simm.s32 @!p0 $0x1082;
	s9 =	sld [smem:$0x3FB3]  }
0x2f: {  	lr =	sadd.s32 s0, s3;
	s0 =	sld [smem:$0x3FAA]  }
0x30: {  	s3 =	sld [smem:$0x3FAD]  }
0x31: {  	[smem:$0x3FB6] =	sst s10  }
0x32: {  	s10 =	sld [smem:$0x3FB4];
	_ =	sdelay $0x3  }
0x33: {  	p0 =	seq.s32 s10, $0x1;
	s10 =	sld [smem:$0x3FB6];
	_ =	sdelay $0x3  }
0x34: {  	[smem:$0x3FB6] =	sst s10  }
0x35: {  	s10 =	sld [smem:$0x3FB5];
	_ =	sdelay $0x3  }
0x36: {  	p1 =	seq.s32 s10, $0x1;
	s10 =	sld [smem:$0x3FB6];
	_ =	sdelay $0x3  }
0x37: {  	[smem:$0x3FB6] =	sst s10  }
0x38: {  	s10 =	sld [smem:$0x3FB7]  }
0x39: {  	_ = 	snop;
	(pc) =	sbr.ind lr, $3  }
0x3a: {  	_ = 	snop  }
0x3b: {  	_ = 	snop  }
0x3c: {  	p2 =	seq.s32 s10, $0x1;
	s10 =	sld [smem:$0x3FB6]  }
0x3d: {  	_ =	shalt  }
0x3e: {  	_ =	shalt  }
0x3f: {  	_ =	shalt  }
0x40: {  	_ =	shalt  }
0x41: {  	_ =	shalt  }
0x42: {  	_ =	shalt  }
0x43: {  	_ =	shalt  }
0x44: {  	_ =	shalt  }
0x45: {  	_ =	shalt  }
0x46: {  	_ =	shalt  }
0x47: {  	_ =	shalt  }
0x48: {  	_ =	shalt  }
0x49: {  	_ =	shalt  }
0x4a: {  	_ =	shalt  }
0x4b: {  	_ =	shalt  }
0x4c: {  	_ =	shalt  }
0x4d: {  	_ =	shalt  }
0x4e: {  	_ =	shalt  }
0x4f: {  	_ =	shalt  }
0x50: {  	_ =	shalt  }
0x51: {  	_ =	shalt  }
0x52: {  	_ =	shalt  }
0x53: {  	_ =	shalt  }
0x54: {  	_ =	shalt  }
0x55: {  	_ =	shalt  }
0x56: {  	_ =	shalt  }
0x57: {  	_ =	shalt  }
0x58: {  	_ =	shalt  }
0x59: {  	_ =	shalt  }
0x5a: {  	_ =	shalt  }
0x5b: {  	_ =	shalt  }
0x5c: {  	_ =	shalt  }
0x5d: {  	_ =	shalt  }
0x5e: {  	_ =	shalt  }
0x5f: {  	_ =	shalt  }
0x60: {  	_ =	shalt  }
0x61: {  	_ =	shalt  }
0x62: {  	_ =	shalt  }
0x63: {  	_ =	shalt  }
0x64: {  	_ =	shalt  }
0x65: {  	_ =	shalt  }
0x66: {  	_ =	shalt  }
0x67: {  	_ =	shalt  }
0x68: {  	_ =	shalt  }
0x69: {  	_ =	shalt  }
0x6a: {  	_ =	shalt  }
0x6b: {  	_ =	shalt  }
0x6c: {  	_ =	shalt  }
0x6d: {  	_ =	shalt  }
0x6e: {  	_ =	shalt  }
0x6f: {  	_ =	shalt  }
0x70: {  	_ =	shalt  }
0x71: {  	_ =	shalt  }
0x72: {  	_ =	shalt  }
0x73: {  	_ =	shalt  }
0x74: {  	_ =	shalt  }
0x75: {  	_ =	shalt  }
0x76: {  	_ =	shalt  }
0x77: {  	_ =	shalt  }
0x78: {  	_ =	shalt  }
0x79: {  	_ =	shalt  }
0x7a: {  	_ =	shalt  }
0x7b: {  	_ =	shalt  }
0x7c: {  	_ =	shalt  }
0x7d: {  	_ =	shalt  }
0x7e: {  	_ =	shalt  }
0x7f: {  	_ =	shalt  }
0x80: {  	_ =	shalt  }
0x81: {  	_ =	shalt  }
0x82: {  	_ =	shalt  }
0x83: {  	_ =	shalt  }
0x84: {  	_ =	shalt  }
0x85: {  	_ =	shalt  }
0x86: {  	_ =	shalt  }
0x87: {  	_ =	shalt  }
.Lfunc_end0:
.L_simem_size_0:
called_computation.1_lowered:
.L_overlay_start_0:
0x88: {  	s2 =	sld [smem:$0x3FD9]  }
0x89: {  	s3 =	sld [smem:$0x3FFE];
	_ =	sdelay $0x1  }
0x8a: {  	s1 =	srdreg.scid  }
0x8b: {  	s0 =	sand.u32 $0x1, s1  }
0x8c: {  	s17 =	sshll.u32 s0, $0xA;
	s2 =	sadd.s32 s3, s2  }
0x8d: {  	s2 =	sadd.s32 s2, s17  }
0x8e: {  	[smem:$0x3FC2] =	sst s2  }
0x8f: {  	_ = 	snop  }
0x90: {  	s2 =	sld [smem:$0x3FD0];
	(tm) =	ssettm $0x1  }
0x91: {  	s18 =	sld [smem:$0x3FFB];
	_ =	sdelay $0x3  }
0x92: {  	_ =	strace s18  }
0x93: {  	s3 =	sld [smem:$0x3FFC];
	_ =	sdelay $0x3  }
0x94: {  	_ =	strace s3  }
0x95: {  	s3 =	sld [smem:$0x3FFD];
	_ =	sdelay $0x3  }
0x96: {  	_ =	strace s3  }
0x97: {  	_ =	strace $0x8FFFFFFF  }
0x98: {  	s19 =	sld [smem:$0x3FDB];
	_ =	sdelay $0x1  }
0x99: {  	s4 =	simm.s32 $_scs_section_size  }
0x9a: {  	s5 =	simm.s32 $_size__tile_overlayer_lowered;
	s6 =	simm.s32 $_tile_overlayer_lowered  }
0x9b: {  	s22 =	simm.s32 $0x1BFF;
	s21 =	sshll.u32 s6, $0x1;
	s3 =	sadd.s32 s4, s19  }
0x9c: {  	s7 =	simm.s32 $0x0;
	s20 =	sshll.u32 s5, $0x1;
	s5 =	sadd.s32 s21, s3  }
0x9d: {  	[timem:s7], [sflag:s22] =	dma.local [hbm:s5], s20  }
0x9e: {  	_ =	swait.ge [sflag:s22], s20  }
0x9f: {  	s4 =	ssub.s32 $0x0, s20;
	[sflag:s22] =	ssyncset.done $0x0  }
0xa0: {  	[sflag:s22] =	ssyncadd.s32 s4;
	_ =	sdelay $0x1  }
0xa1: {  	s23 =	simm.s32 $0x1B8B  }
0xa2: {  	_ =	swait.ge [sflag:s23], $0x1  }
0xa3: {  	[sflag:s23] =	ssyncset.done $0x0  }
0xa4: {  	s25 =	simm.s32 $0x1B8E;
	s24 =	sld [smem:$0x3FFE];
	[sflag:s23] =	ssyncadd.s32 $0xFFFFFFFF  }
0xa5: {  	s26 =	simm.s32 $execute0_lowered;
	[smem:$0x3FD2] =	sst s25  }
0xa6: {  	s5 =	sshll.u32 s26, $0x1;
	_ =	strace $0x80000049;
	[dreg:$0x1] =	wrdreg $0xFFFFFFFF  }
0xa7: {  	s28 =	simm.s32 $_size_execute0_lowered;
	s3 =	sadd.s32 s3, s5;
	[dreg:$0x0] =	wrdreg $0x0  }
0xa8: {  	s5 =	sshll.u32 s28, $0x1;
	[dreg:$0x2] =	wrdreg s3  }
0xa9: {  	[dreg:$0x3] =	wrdreg s5  }
0xaa: {  	[dreg:$0x4] =	wrdreg $0xC0  }
0xab: {  	_ =	task [dreg:s7], $0x5FFFF  }
0xac: {  	[dreg:$0x1] =	wrdreg $0xFFFFFFFF  }
0xad: {  	[dreg:$0x0] =	wrdreg $0x60  }
0xae: {  	[dreg:$0x2] =	wrdreg s24  }
0xaf: {  	[dreg:$0x3] =	wrdreg s2  }
0xb0: {  	[dreg:$0x4] =	wrdreg $0xB9000  }
0xb1: {  	[dreg:$0x5] =	wrdreg $0x9  }
0xb2: {  	_ =	task.clear_ibuf [dreg:s7], $0x6FFFF;
	_ =	strace $0x90000049  }
0xb3: {  	s29 =	simm.s32 $0x9;
	_ =	strace $0x8000004B  }
0xb4: {  	_ =	swait.ge [sflag:s29], $0x1  }
0xb5: {  	[sflag:s29] =	ssyncadd.s32 $0xFFFFFFFF  }
0xb6: {  	_ =	strace $0x9000004B  }
0xb7: {  	_ =	sfence  }
0xb8: {  	s30 =	sld [smem:$0x0];
	_ =	sdelay $0x2  }
0xb9: {  	s31 =	sshll.u32 s1, $0xD;
	s1 =	sshrl.u32 s1, $0x2  }
0xba: {  	s3 =	sand.u32 $0x4000, s31;
	s1 =	sadd.s32 s1, s30  }
0xbb: {  	s0 =	sor.u32 s3, s0;
	s1 =	sshll.u32 s1, $0x11  }
0xbc: {  	s0 =	sor.u32 s1, s0  }
0xbd: {  	s0 =	sadd.s32 $0x8F2B, s0  }
0xbe: {  	[sflag:s0] =	ssyncadd.remote.s32 $0x1  }
0xbf: {  	_ =	sfence.sel $0xFFFF  }
0xc0: {  	[dreg:$0x0] =	wrdreg $0xFFFFFFFF;
	(pc) =	sbr.abs _section_cstart, $3  }
0xc1: {  	[dreg:$0x1] =	wrdreg $0xFFFFFFFF  }
0xc2: {  	_ =	task.clear_ibuf [dreg:s7], $0x2FFFF;
	_ =	strace $0x9FFFFFFF  }
0xc3: {  	(tm) =	ssettm $0x7FFFFFFF  }
tec
execute0_lowered:
.L_overlay_start_1:
0x0: {  	(tag) =	ssettag $0x1  }
0x1: {  	s0 =	rddreg [dreg:$0x0]  }
0x2: {  	s1 =	rddreg [dreg:$0x1]  }
0x3: {  	s2 =	rddreg [dreg:$0x2];
	s10 =	stileid.u32;
	s3 =	simm.s32 $0x0  }
0x4: {  	s4 =	srdreg.scid;
	s14 =	simm.s32 $0x37;
	s18 =	simm.s32 $0x5  }
0x5: {  	s19 =	simm.s32 $0x3900;
	s20 =	simm.s32 $0x3800;
	s21 =	simm.s32 $0x80  }
0x6: {  	s22 =	simm.s32 $0x3880;
	s23 =	simm.s32 $0x7900;
	s5 =	smul.u32 $0x30, s10  }
0x7: {  	s24 =	simm.s32 $0x1;
	s6 =	sand.u32 $0x1, s4;
	s4 =	smul.u32 $0x70, s10  }
0x8: {  	s28 =	simm.s32 $0x4;
	s29 =	simm.s32 $0x0;
	s8 =	smul.u32 $0x14000, s10  }
0x9: {  	[smem:$0x7FF] =	sst s3;
	s10 =	smul.u32 $0x50000, s10;
	s25 =	sadd.s32 $0x5CE00, s0  }
0xa: {  	p0 =	seq.s32 s6, $0x0;
	s7 =	smul.u32 $0x140000, s6;
	_ =	strace $0x8000004A  }
0xb: {  	[dreg:$0x4] =	wrdreg s25;
	s26 =	ssub.s32 $0x2, s6;
	s25 =	simm.s32 $0x3  }
0xc: {  	s5 =	sadd.s32 $0x700, s5;
	s30 =	sshrl.u32 s10, $0x2;
	s31 =	sshrl.u32 s26, $0x1  }
0xd: {  	s14 =	simm.s32 @!p0 $0x17;
	s5 =	smov.u32 @p0 s4;
	s4 =	sadd.s32 $0xCE00, s0  }
0xe: {  	s7 =	sadd.s32 s8, s7;
	s6 =	sadd.s32 s30, s2;
	s16 =	ssub.s32 s26, s31  }
0xf: {  	s26 =	simm.s32 $0x2;
	s9 =	sshll.u32 s5, $0x4;
	s7 =	sshrl.u32 s7, $0x3  }
0x10: {  	s8 =	sadd.s32 $0x4000, s6;
	s10 =	sadd.s32 $0xC000, s6;
	s11 =	sadd.s32 $0x10000, s6  }
0x11: {  	s16 =	smax.u32 s16, $0x1;
	s17 =	sadd.s32 s9, s0;
	s0 =	sadd.s32 s7, s0  }
0x12: {  	s7 =	sadd.s32 s1, s9;
	s9 =	sadd.s32 $0x8000, s6;
	s12 =	sadd.s32 $0x2E00, s17  }
0x13: {  	s13 =	sadd.s32 $0x2E10, s17;
	s15 =	sadd.s32 $0x5D600, s0;
	s17 =	sadd.s32 $0x2E30, s17  }
.LBB2_1:
0x14: {  	[tilespmem:s3], [sflag:$0x5] =	stream.linear.gather [hbm4b:s7+s3], $0x3800, $0x38;
	[tilespmem:$0x1F900] =	vst v63  }
0x15: {  	_ =	swait.ge [sflag:s18], $0x3800  }
0x16: {  	[sflag:s18] =	ssyncset.done $0x0  }
0x17: {  	s0 =	rddreg [dreg:$0x4];
	[sflag:s18] =	ssyncadd.s32 $0xFFFFC800  }
0x18: {  	[tilespmem:s19], [sflag:$0x5] =	stream.linear.gather [hbm4b:s0+s3], $0x4000, $0x38;
	[tilespmem:$0x1F900] =	vst v63  }
0x19: {  	_ =	swait.ge [sflag:s18], $0x4000  }
0x1a: {  	[sflag:s18] =	ssyncset.done $0x0  }
0x1b: {  	[sflag:s18] =	ssyncadd.s32 $0xFFFFC000  }
0x1c: {  	[spmem:s6] =	stream.linear.scatter [tilespmem:s19], [sflag:$0x5], $0x4000, $0x38;
	[tilespmem:$0x1F900] =	vst v63  }
0x1d: {  	_ =	swait.ge [sflag:s18], $0x4000  }
0x1e: {  	[sflag:s18] =	ssyncset.done $0x0  }
0x1f: {  	[sflag:s18] =	ssyncadd.s32 $0xFFFFC000  }
0x20: {  	[spmem:s8] =	stream.linear.scatter [tilespmem:s19], [sflag:$0x5], $0x4000, $0x38;
	[tilespmem:$0x1F900] =	vst v63  }
0x21: {  	_ =	swait.ge [sflag:s18], $0x4000  }
0x22: {  	[sflag:s18] =	ssyncset.done $0x0  }
0x23: {  	[sflag:s18] =	ssyncadd.s32 $0xFFFFC000  }
0x24: {  	[spmem:s9] =	stream.linear.scatter [tilespmem:s19], [sflag:$0x5], $0x4000, $0x38;
	[tilespmem:$0x1F900] =	vst v63  }
0x25: {  	_ =	swait.ge [sflag:s18], $0x4000  }
0x26: {  	[sflag:s18] =	ssyncset.done $0x0  }
0x27: {  	[sflag:s18] =	ssyncadd.s32 $0xFFFFC000  }
0x28: {  	[spmem:s10] =	stream.linear.scatter [tilespmem:s19], [sflag:$0x5], $0x4000, $0x38;
	[tilespmem:$0x1F900] =	vst v63  }
0x29: {  	_ =	swait.ge [sflag:s18], $0x4000  }
0x2a: {  	[sflag:s18] =	ssyncset.done $0x0  }
0x2b: {  	[sflag:s18] =	ssyncadd.s32 $0xFFFFC000  }
0x2c: {  	[spmem:s11] =	stream.linear.scatter [tilespmem:s19], [sflag:$0x5], $0x4000, $0x38;
	[tilespmem:$0x1F900] =	vst v63  }
0x2d: {  	_ =	swait.ge [sflag:s18], $0x4000  }
0x2e: {  	[sflag:s18] =	ssyncset.done $0x0  }
0x2f: {  	[sflag:s18] =	ssyncadd.s32 $0xFFFFC000  }
0x30: {  	[bflag:$0x0] =	sbarrier.arrive $0xFFFF  }
0x31: {  	[tilespmem:s20], [sflag:$0x3] =	stream.linear.gather [hbm4b:s12+s3], $0x80, $0x38;
	[tilespmem:$0x1F900] =	vst v63  }
0x32: {  	_ = 	snop  }
0x33: {  	[tilespmem:s19], [sflag:$0x1] =	stream.indirect.gather [hbm4b:s4+s21], $0x80, s3, s21, $0xb8;
	[tilespmem:$0x1F900] =	vst v63  }
0x34: {  	_ = 	snop  }
0x35: {  	[tilespmem:s22], [sflag:$0x4] =	stream.linear.gather [hbm4b:s13+s3], $0x80, $0x38;
	[tilespmem:$0x1F900] =	vst v63  }
0x36: {  	_ = 	snop  }
0x37: {  	[tilespmem:s23], [sflag:$0x2] =	stream.indirect.gather [hbm4b:s4+s21], $0x80, s21, s21, $0xb8;
	[tilespmem:$0x1F900] =	vst v63  }
0x38: {  	_ =	swait.ge [sflag:s24], $0x4000  }
0x39: {  	[sflag:s24] =	ssyncset.done $0x0  }
0x3a: {  	[sflag:s24] =	ssyncadd.s32 $0xFFFFC000  }
0x3b: {  	_ =	swait.ge [sflag:s25], $0x80  }
0x3c: {  	[sflag:s25] =	ssyncset.done $0x0  }
0x3d: {  	[sflag:s25] =	ssyncadd.s32 $0xFFFFFF80  }
0x3e: {  	[spmem:s2] =	stream.indirect.scatter.add.f32 [tilespmem:s19], [sflag:$0x5], $0x80, s20, s21, $0xb8;
	[tilespmem:$0x1F900] =	vst v63  }
0x3f: {  	_ =	swait.ge [sflag:s18], $0x4000  }
0x40: {  	[sflag:s18] =	ssyncset.done $0x0  }
0x41: {  	s1 =	sadd.s32 $0xFFFFFFF0, s17;
	[sflag:s18] =	ssyncadd.s32 $0xFFFFC000  }
0x42: {  	[tilespmem:s20], [sflag:$0x3] =	stream.linear.gather [hbm4b:s1+s3], $0x80, $0x38;
	[tilespmem:$0x1F900] =	vst v63  }
0x43: {  	s5 =	simm.s32 $0x100  }
0x44: {  	[tilespmem:s19], [sflag:$0x1] =	stream.indirect.gather [hbm4b:s4+s21], $0x80, s5, s21, $0xb8;
	[tilespmem:$0x1F900] =	vst v63  }
0x45: {  	_ =	swait.ge [sflag:s26], $0x4000  }
0x46: {  	[sflag:s26] =	ssyncset.done $0x0  }
0x47: {  	[sflag:s26] =	ssyncadd.s32 $0xFFFFC000  }
0x48: {  	_ =	swait.ge [sflag:s28], $0x80  }
0x49: {  	[sflag:s28] =	ssyncset.done $0x0  }
0x4a: {  	p0 =	sne.s32 s14, $0x1;
	[sflag:s28] =	ssyncadd.s32 $0xFFFFFF80  }
0x4b: {  	[spmem:s2] =	stream.indirect.scatter.add.f32 [tilespmem:s23], [sflag:$0x5], $0x80, s22, s21, $0xb8;
	[tilespmem:$0x1F900] =	vst v63  }
.Ltmp0:
0x4c: {  	_ = 	snop;
	(pc) =	sbr.rel @!p0 .LBB2_3-.Ltmp0, $4  }
0x4d: {  	_ =	swait.ge [sflag:s18], $0x4000  }
0x4e: {  	s30 =	sadd.s32 $0xFFFFFFFF, s14;
	s31 =	simm.s32 $0x280;
	[sflag:s18] =	ssyncset.done $0x0  }
0x4f: {  	s0 =	sadd.s32 $0x20, s17;
	s1 =	simm.s32 $0x180;
	[sflag:s18] =	ssyncadd.s32 $0xFFFFC000  }
0x50: {  	[tilespmem:s22], [sflag:$0x4] =	stream.linear.gather [hbm4b:s17+s3], $0x80, $0x38;
	[tilespmem:$0x1F900] =	vst v63  }
.LBB2_2:
0x51: {  	[tilespmem:s23], [sflag:$0x2] =	stream.indirect.gather [hbm4b:s4+s21], $0x80, s1, s21, $0xb8;
	[tilespmem:$0x1F900] =	vst v63  }
0x52: {  	p0 =	sne.s32 s30, $0x1;
	s30 =	sadd.s32 $0xFFFFFFFF, s30;
	_ =	swait.ge [sflag:s24], $0x4000  }
0x53: {  	s1 =	smov.u32 s31;
	[sflag:s24] =	ssyncset.done $0x0  }
0x54: {  	[sflag:s24] =	ssyncadd.s32 $0xFFFFC000  }
0x55: {  	_ =	swait.ge [sflag:s25], $0x80  }
0x56: {  	[sflag:s25] =	ssyncset.done $0x0  }
0x57: {  	[sflag:s25] =	ssyncadd.s32 $0xFFFFFF80  }
0x58: {  	[spmem:s2] =	stream.indirect.scatter.add.f32 [tilespmem:s19], [sflag:$0x5], $0x80, s20, s21, $0xb8;
	[tilespmem:$0x1F900] =	vst v63  }
0x59: {  	_ =	swait.ge [sflag:s18], $0x4000  }
0x5a: {  	[sflag:s18] =	ssyncset.done $0x0  }
0x5b: {  	s5 =	sadd.s32 $0xFFFFFFF0, s0;
	[sflag:s18] =	ssyncadd.s32 $0xFFFFC000  }
0x5c: {  	[tilespmem:s20], [sflag:$0x3] =	stream.linear.gather [hbm4b:s5+s3], $0x80, $0x38;
	[tilespmem:$0x1F900] =	vst v63  }
0x5d: {  	s5 =	sadd.s32 $0xFFFFFF80, s31  }
0x5e: {  	[tilespmem:s19], [sflag:$0x1] =	stream.indirect.gather [hbm4b:s4+s21], $0x80, s5, s21, $0xb8;
	[tilespmem:$0x1F900] =	vst v63  }
0x5f: {  	_ =	swait.ge [sflag:s26], $0x4000  }
0x60: {  	[sflag:s26] =	ssyncset.done $0x0  }
0x61: {  	[sflag:s26] =	ssyncadd.s32 $0xFFFFC000  }
0x62: {  	_ =	swait.ge [sflag:s28], $0x80  }
0x63: {  	[sflag:s28] =	ssyncset.done $0x0  }
0x64: {  	[sflag:s28] =	ssyncadd.s32 $0xFFFFFF80  }
0x65: {  	[spmem:s2] =	stream.indirect.scatter.add.f32 [tilespmem:s23], [sflag:$0x5], $0x80, s22, s21, $0xb8;
	[tilespmem:$0x1F900] =	vst v63  }
.Ltmp1:
0x66: {  	_ =	swait.ge [sflag:s18], $0x4000;
	(pc) =	sbr.rel @p0 .LBB2_2-.Ltmp1, $4  }
0x67: {  	[sflag:s18] =	ssyncset.done $0x0  }
0x68: {  	[sflag:s18] =	ssyncadd.s32 $0xFFFFC000  }
0x69: {  	[tilespmem:s22], [sflag:$0x4] =	stream.linear.gather [hbm4b:s0+s3], $0x80, $0x38;
	[tilespmem:$0x1F900] =	vst v63  }
0x6a: {  	s31 =	sadd.s32 $0x100, s31;
	s0 =	sadd.s32 $0x20, s0  }
.LBB2_3:
0x6b: {  	[tilespmem:s23], [sflag:$0x2] =	stream.indirect.gather [hbm4b:s4+s21], $0x80, s1, s21, $0xb8;
	[tilespmem:$0x1F900] =	vst v63  }
0x6c: {  	_ =	swait.ge [sflag:s24], $0x4000  }
0x6d: {  	[sflag:s24] =	ssyncset.done $0x0  }
0x6e: {  	[sflag:s24] =	ssyncadd.s32 $0xFFFFC000  }
0x6f: {  	_ =	swait.ge [sflag:s25], $0x80  }
0x70: {  	[sflag:s25] =	ssyncset.done $0x0  }
0x71: {  	[sflag:s25] =	ssyncadd.s32 $0xFFFFFF80  }
0x72: {  	[spmem:s2] =	stream.indirect.scatter.add.f32 [tilespmem:s19], [sflag:$0x5], $0x80, s20, s21, $0xb8;
	[tilespmem:$0x1F900] =	vst v63  }
0x73: {  	_ =	swait.ge [sflag:s18], $0x4000  }
0x74: {  	[sflag:s18] =	ssyncset.done $0x0  }
0x75: {  	[sflag:s18] =	ssyncadd.s32 $0xFFFFC000  }
0x76: {  	_ =	swait.ge [sflag:s26], $0x4000  }
0x77: {  	[sflag:s26] =	ssyncset.done $0x0  }
0x78: {  	[sflag:s26] =	ssyncadd.s32 $0xFFFFC000  }
0x79: {  	_ =	swait.ge [sflag:s28], $0x80  }
0x7a: {  	[sflag:s28] =	ssyncset.done $0x0  }
0x7b: {  	[sflag:s28] =	ssyncadd.s32 $0xFFFFFF80  }
0x7c: {  	[spmem:s2] =	stream.indirect.scatter.add.f32 [tilespmem:s23], [sflag:$0x5], $0x80, s22, s21, $0xb8;
	[tilespmem:$0x1F900] =	vst v63  }
0x7d: {  	s0 =	stileid.u32;
	_ =	swait.ge [sflag:s18], $0x4000  }
0x7e: {  	s31 =	sshrl.u32 s6, $0x3;
	s29 =	sadd.s32 $0x1, s29;
	[sflag:s18] =	ssyncset.done $0x0  }
0x7f: {  	s0 =	sshll.u32 s0, $0x6;
	p0 =	sne.s32 s29, s16;
	[sflag:s18] =	ssyncadd.s32 $0xFFFFC000  }
.Ltmp2:
0x80: {  	s0 =	sor.u32 $0x1C05, s0;
	[bflag:$0x0] =	sbarrier.arrive $0xFFFF;
	(pc) =	sbr.rel @p0 .LBB2_1-.Ltmp2, $4  }
0x81: {  	[hbm:s15], [sflag:s0] =	dma.local [spmem:s31], $0x2800  }
0x82: {  	_ =	swait.ge [sflag:s18], $0x2800  }
0x83: {  	[sflag:s18] =	ssyncset.done $0x0  }
0x84: {  	[sflag:s18] =	ssyncadd.s32 $0xFFFFD800  }
0x85: {  	_ =	sfence.sel $0x180000  }
0x86: {  	[bflag:$0x0] =	sbarrier.arrive $0xFFFF  }
0x87: {  	_ =	strace $0x9000004A  }
0x88: {  	s0 =	stileid.u32;
	[bflag:$0x2] =	sbarrier.arrive $0xFFFF  }
0x89: {  	p0 =	sne.s32 s0, $0x0;
	s0 =	rddreg [dreg:$0x3]  }
0x8a: {  	s0 =	sadd.s32 @!p0 $0x100000, s0  }
0x8b: {  	[sflag:s0] =	ssyncadd.tile.s32 @!p0 $0x1;
	_ =	shalt  }
.Lfunc_end2:
_tile_overlayer_lowered:
.L_overlay_start_2:
0x8c: {  	(tag) =	ssettag $0x2  }
0x8d: {  	s0 =	rddreg [dreg:$0x0];
	s2 =	stileid.u32  }
0x8e: {  	s1 =	rddreg [dreg:$0x1];
	p0 =	sne.s32 s2, $0x0  }
0x8f: {  	s3 =	rddreg [dreg:$0x2];
	[bflag:$0x3] =	sbarrier.arrive $0xFFFF;
	s2 =	simm.s32 @!p0 $0x1C05  }
0x90: {  	[timem:s3], [sflag:s2] =	dma.local @!p0 [hbm:s0], s1  }
0x91: {  	s0 =	simm.s32 @!p0 $0x5  }
0x92: {  	_ =	swait.ge @!p0 [sflag:s0], s1  }
0x93: {  	s1 =	ssub.s32 @!p0 $0x0, s1;
	[sflag:s0] =	ssyncset.done @!p0 $0x0  }
0x94: {  	[sflag:s0] =	ssyncadd.s32 @!p0 s1  }
0x95: {  	[bflag:$0x3] =	sbarrier.arrive $0xFFFF  }
0x96: {  	_ =	shalt  }

// kernel: kernel.14.cloned.1.call-start
scs
__scs_entry_jumppad:
0x0: {  	(pc) =	sbr.rel $0x88, $3  }
0x1: {  	(tag) =	ssettag $0x0;
	lr =	simm.s32 $0x1  }
0x2: {  	[smem:$0x3F9B] =	sst lr;
	_ =	strace $0xD0000000  }
0x3: {  	_ = 	snop  }
0x4: {  	_ = 	snop  }
0x5: {  	_ = 	snop  }
0x6: {  	_ = 	snop  }
0x7: {  	_ = 	snop  }
__scs_overlays_trampoline_lowered:
0x8: {  	[smem:$0x3FAA] =	sst s0  }
0x9: {  	[smem:$0x3FAB] =	sst s1  }
0xa: {  	[smem:$0x3FAC] =	sst s2  }
0xb: {  	[smem:$0x3FAD] =	sst s3  }
0xc: {  	[smem:$0x3FAE] =	sst s4  }
0xd: {  	[smem:$0x3FAF] =	sst s5  }
0xe: {  	[smem:$0x3FB0] =	sst s6  }
0xf: {  	[smem:$0x3FB1] =	sst s7  }
0x10: {  	[smem:$0x3FB2] =	sst s8  }
0x11: {  	[smem:$0x3FB3] =	sst s9;
	s0 =	simm.s32 @!p0 $0x0  }
0x12: {  	s1 =	sld [smem:$0x3F99];
	s0 =	simm.s32 @p0 $0x1  }
0x13: {  	[smem:$0x3FB4] =	sst s0;
	s0 =	simm.s32 @!p1 $0x0  }
0x14: {  	s2 =	sld [smem:$0x3F98];
	s0 =	simm.s32 @p1 $0x1  }
0x15: {  	[smem:$0x3FB5] =	sst s0;
	s0 =	simm.s32 @!p2 $0x0  }
0x16: {  	s3 =	sld [smem:$0x3FDB];
	s0 =	simm.s32 @p2 $0x1  }
0x17: {  	s4 =	simm.s32 $0x1BF5;
	[smem:$0x3FB7] =	sst s0  }
0x18: {  	s0 =	sld [smem:$0x3F9A];
	_ =	swait.ge [sflag:s4], $0x0  }
0x19: {  	s7 =	sld [smem:$0x3F9B]  }
0x1a: {  	s8 =	sadd.s32 $0xFFFFE003, lr  }
0x1b: {  	s9 =	sadd.s32 $0xFFFFFEF7, lr;
	s5 =	simm.s32 $0xFFFFFFFF;
	p2 =	slt.u32 s8, $0xFFFFF086  }
0x1c: {  	p1 =	slt.u32 s9, $0xF7A;
	s5 =	simm.s32 @!p2 $0x0  }
0x1d: {  	s5 =	simm.s32 @p1 $0x1;
	p0 =	seq.s32 s7, s2  }
0x1e: {  	s7 =	smul.u32 @!p0 $0xF7A, s2;
	p2 =	seq.s32 @!p0 s5, $0x0  }
0x1f: {  	s9 =	smul.u32 $0xF7A, s1;
	s8 =	simm.s32 @!p0 $0x1BF5;
	p2 =	por !p2, p0  }
0x20: {  	[sflag:s8] =	ssyncset.s32 @!p0 $0xFFFFF086;
	s6 =	sadd.s32 @!p0 s3, s7;
	s7 =	simm.s32 @!p0 $0x108  }
0x21: {  	s3 =	sadd.s32 s3, s9;
	s6 =	sadd.s32 @!p0 $0x88, s6;
	s7 =	simm.s32 @p2 $0x1082  }
0x22: {  	[simem:s7], [sflag:s8] =	dma.local @!p0 [hbm:s6], $0xF7A  }
0x23: {  	s9 =	sor.u32 $0xD0000000, s2;
	s6 =	simm.s32 $0x108;
	_ =	swait.ge @!p0 [sflag:s8], $0x0  }
0x24: {  	s3 =	sadd.s32 $0x88, s3;
	s6 =	simm.s32 @!p1 $0x1082;
	[sflag:s4] =	ssyncset.s32 $0xFFFFF086  }
0x25: {  	[simem:s6], [sflag:s4] =	dma.local [hbm:s3], $0xF7A  }
0x26: {  	[smem:$0x3F9B] =	sst s1;
	(tag) =	ssettag s2;
	_ =	strace s9  }
0x27: {  	s1 =	sld [smem:$0x3FAB]  }
0x28: {  	s2 =	sld [smem:$0x3FAC]  }
0x29: {  	s4 =	sld [smem:$0x3FAE]  }
0x2a: {  	p0 =	seq.s32 s5, $0x0;
	s5 =	sld [smem:$0x3FAF]  }
0x2b: {  	s6 =	sld [smem:$0x3FB0]  }
0x2c: {  	s7 =	sld [smem:$0x3FB1]  }
0x2d: {  	s3 =	simm.s32 $0x108;
	s8 =	sld [smem:$0x3FB2]  }
0x2e: {  	s3 =	simm.s32 @!p0 $0x1082;
	s9 =	sld [smem:$0x3FB3]  }
0x2f: {  	lr =	sadd.s32 s0, s3;
	s0 =	sld [smem:$0x3FAA]  }
0x30: {  	s3 =	sld [smem:$0x3FAD]  }
0x31: {  	[smem:$0x3FB6] =	sst s10  }
0x32: {  	s10 =	sld [smem:$0x3FB4];
	_ =	sdelay $0x3  }
0x33: {  	p0 =	seq.s32 s10, $0x1;
	s10 =	sld [smem:$0x3FB6];
	_ =	sdelay $0x3  }
0x34: {  	[smem:$0x3FB6] =	sst s10  }
0x35: {  	s10 =	sld [smem:$0x3FB5];
	_ =	sdelay $0x3  }
0x36: {  	p1 =	seq.s32 s10, $0x1;
	s10 =	sld [smem:$0x3FB6];
	_ =	sdelay $0x3  }
0x37: {  	[smem:$0x3FB6] =	sst s10  }
0x38: {  	s10 =	sld [smem:$0x3FB7]  }
0x39: {  	_ = 	snop;
	(pc) =	sbr.ind lr, $3  }
0x3a: {  	_ = 	snop  }
0x3b: {  	_ = 	snop  }
0x3c: {  	p2 =	seq.s32 s10, $0x1;
	s10 =	sld [smem:$0x3FB6]  }
0x3d: {  	_ =	shalt  }
0x3e: {  	_ =	shalt  }
0x3f: {  	_ =	shalt  }
0x40: {  	_ =	shalt  }
0x41: {  	_ =	shalt  }
0x42: {  	_ =	shalt  }
0x43: {  	_ =	shalt  }
0x44: {  	_ =	shalt  }
0x45: {  	_ =	shalt  }
0x46: {  	_ =	shalt  }
0x47: {  	_ =	shalt  }
0x48: {  	_ =	shalt  }
0x49: {  	_ =	shalt  }
0x4a: {  	_ =	shalt  }
0x4b: {  	_ =	shalt  }
0x4c: {  	_ =	shalt  }
0x4d: {  	_ =	shalt  }
0x4e: {  	_ =	shalt  }
0x4f: {  	_ =	shalt  }
0x50: {  	_ =	shalt  }
0x51: {  	_ =	shalt  }
0x52: {  	_ =	shalt  }
0x53: {  	_ =	shalt  }
0x54: {  	_ =	shalt  }
0x55: {  	_ =	shalt  }
0x56: {  	_ =	shalt  }
0x57: {  	_ =	shalt  }
0x58: {  	_ =	shalt  }
0x59: {  	_ =	shalt  }
0x5a: {  	_ =	shalt  }
0x5b: {  	_ =	shalt  }
0x5c: {  	_ =	shalt  }
0x5d: {  	_ =	shalt  }
0x5e: {  	_ =	shalt  }
0x5f: {  	_ =	shalt  }
0x60: {  	_ =	shalt  }
0x61: {  	_ =	shalt  }
0x62: {  	_ =	shalt  }
0x63: {  	_ =	shalt  }
0x64: {  	_ =	shalt  }
0x65: {  	_ =	shalt  }
0x66: {  	_ =	shalt  }
0x67: {  	_ =	shalt  }
0x68: {  	_ =	shalt  }
0x69: {  	_ =	shalt  }
0x6a: {  	_ =	shalt  }
0x6b: {  	_ =	shalt  }
0x6c: {  	_ =	shalt  }
0x6d: {  	_ =	shalt  }
0x6e: {  	_ =	shalt  }
0x6f: {  	_ =	shalt  }
0x70: {  	_ =	shalt  }
0x71: {  	_ =	shalt  }
0x72: {  	_ =	shalt  }
0x73: {  	_ =	shalt  }
0x74: {  	_ =	shalt  }
0x75: {  	_ =	shalt  }
0x76: {  	_ =	shalt  }
0x77: {  	_ =	shalt  }
0x78: {  	_ =	shalt  }
0x79: {  	_ =	shalt  }
0x7a: {  	_ =	shalt  }
0x7b: {  	_ =	shalt  }
0x7c: {  	_ =	shalt  }
0x7d: {  	_ =	shalt  }
0x7e: {  	_ =	shalt  }
0x7f: {  	_ =	shalt  }
0x80: {  	_ =	shalt  }
0x81: {  	_ =	shalt  }
0x82: {  	_ =	shalt  }
0x83: {  	_ =	shalt  }
0x84: {  	_ =	shalt  }
0x85: {  	_ =	shalt  }
0x86: {  	_ =	shalt  }
0x87: {  	_ =	shalt  }
.Lfunc_end0:
.L_simem_size_0:
called_computation.2_lowered:
.L_overlay_start_0:
0x88: {  	s2 =	sld [smem:$0x3FD9]  }
0x89: {  	s3 =	sld [smem:$0x3FFE];
	_ =	sdelay $0x1  }
0x8a: {  	s1 =	srdreg.scid  }
0x8b: {  	s0 =	sand.u32 $0x1, s1  }
0x8c: {  	s17 =	sshll.u32 s0, $0xA;
	s2 =	sadd.s32 s3, s2  }
0x8d: {  	s2 =	sadd.s32 s2, s17  }
0x8e: {  	[smem:$0x3FC2] =	sst s2  }
0x8f: {  	_ = 	snop  }
0x90: {  	s2 =	sld [smem:$0x3FD0];
	(tm) =	ssettm $0x1  }
0x91: {  	s18 =	sld [smem:$0x3FFB];
	_ =	sdelay $0x3  }
0x92: {  	_ =	strace s18  }
0x93: {  	s3 =	sld [smem:$0x3FFC];
	_ =	sdelay $0x3  }
0x94: {  	_ =	strace s3  }
0x95: {  	s3 =	sld [smem:$0x3FFD];
	_ =	sdelay $0x3  }
0x96: {  	_ =	strace s3  }
0x97: {  	_ =	strace $0x8FFFFFFF  }
0x98: {  	s19 =	sld [smem:$0x3FDB];
	_ =	sdelay $0x1  }
0x99: {  	s4 =	simm.s32 $_scs_section_size  }
0x9a: {  	s5 =	simm.s32 $_size__tile_overlayer_lowered;
	s6 =	simm.s32 $_tile_overlayer_lowered  }
0x9b: {  	s22 =	simm.s32 $0x1BFF;
	s21 =	sshll.u32 s6, $0x1;
	s3 =	sadd.s32 s4, s19  }
0x9c: {  	s7 =	simm.s32 $0x0;
	s20 =	sshll.u32 s5, $0x1;
	s5 =	sadd.s32 s21, s3  }
0x9d: {  	[timem:s7], [sflag:s22] =	dma.local [hbm:s5], s20  }
0x9e: {  	_ =	swait.ge [sflag:s22], s20  }
0x9f: {  	s4 =	ssub.s32 $0x0, s20;
	[sflag:s22] =	ssyncset.done $0x0  }
0xa0: {  	[sflag:s22] =	ssyncadd.s32 s4;
	_ =	sdelay $0x1  }
0xa1: {  	s23 =	simm.s32 $0x1B8B  }
0xa2: {  	_ =	swait.ge [sflag:s23], $0x1  }
0xa3: {  	[sflag:s23] =	ssyncset.done $0x0  }
0xa4: {  	s25 =	simm.s32 $0x1B8E;
	s24 =	sld [smem:$0x3FFE];
	[sflag:s23] =	ssyncadd.s32 $0xFFFFFFFF  }
0xa5: {  	s26 =	simm.s32 $execute0_lowered;
	[smem:$0x3FD2] =	sst s25  }
0xa6: {  	s5 =	sshll.u32 s26, $0x1;
	_ =	strace $0x8000004C;
	[dreg:$0x1] =	wrdreg $0xFFFFFFFF  }
0xa7: {  	s28 =	simm.s32 $_size_execute0_lowered;
	s3 =	sadd.s32 s3, s5;
	[dreg:$0x0] =	wrdreg $0x0  }
0xa8: {  	s5 =	sshll.u32 s28, $0x1;
	[dreg:$0x2] =	wrdreg s3  }
0xa9: {  	[dreg:$0x3] =	wrdreg s5  }
0xaa: {  	[dreg:$0x4] =	wrdreg $0xC0  }
0xab: {  	_ =	task [dreg:s7], $0x5FFFF  }
0xac: {  	[dreg:$0x1] =	wrdreg $0xFFFFFFFF  }
0xad: {  	[dreg:$0x0] =	wrdreg $0x60  }
0xae: {  	[dreg:$0x2] =	wrdreg s24  }
0xaf: {  	[dreg:$0x3] =	wrdreg s2  }
0xb0: {  	[dreg:$0x4] =	wrdreg $0xB9000  }
0xb1: {  	[dreg:$0x5] =	wrdreg $0x9  }
0xb2: {  	_ =	task.clear_ibuf [dreg:s7], $0x6FFFF;
	_ =	strace $0x9000004C  }
0xb3: {  	s29 =	simm.s32 $0x9;
	_ =	strace $0x8000004E  }
0xb4: {  	_ =	swait.ge [sflag:s29], $0x1  }
0xb5: {  	[sflag:s29] =	ssyncadd.s32 $0xFFFFFFFF  }
0xb6: {  	_ =	strace $0x9000004E  }
0xb7: {  	_ =	sfence  }
0xb8: {  	s30 =	sld [smem:$0x0];
	_ =	sdelay $0x2  }
0xb9: {  	s31 =	sshll.u32 s1, $0xD;
	s1 =	sshrl.u32 s1, $0x2  }
0xba: {  	s3 =	sand.u32 $0x4000, s31;
	s1 =	sadd.s32 s1, s30  }
0xbb: {  	s0 =	sor.u32 s3, s0;
	s1 =	sshll.u32 s1, $0x11  }
0xbc: {  	s0 =	sor.u32 s1, s0  }
0xbd: {  	s0 =	sadd.s32 $0x8F2B, s0  }
0xbe: {  	[sflag:s0] =	ssyncadd.remote.s32 $0x1  }
0xbf: {  	_ =	sfence.sel $0xFFFF  }
0xc0: {  	[dreg:$0x0] =	wrdreg $0xFFFFFFFF;
	(pc) =	sbr.abs _section_cstart, $3  }
0xc1: {  	[dreg:$0x1] =	wrdreg $0xFFFFFFFF  }
0xc2: {  	_ =	task.clear_ibuf [dreg:s7], $0x2FFFF;
	_ =	strace $0x9FFFFFFF  }
0xc3: {  	(tm) =	ssettm $0x7FFFFFFF  }
tec
execute0_lowered:
.L_overlay_start_1:
0x0: {  	(tag) =	ssettag $0x1  }
0x1: {  	s0 =	rddreg [dreg:$0x0]  }
0x2: {  	s1 =	rddreg [dreg:$0x1]  }
0x3: {  	s2 =	rddreg [dreg:$0x2];
	s10 =	stileid.u32;
	s3 =	simm.s32 $0x0  }
0x4: {  	s4 =	srdreg.scid;
	s14 =	simm.s32 $0x37;
	s18 =	simm.s32 $0x5  }
0x5: {  	s19 =	simm.s32 $0x3900;
	s20 =	simm.s32 $0x3800;
	s21 =	simm.s32 $0x80  }
0x6: {  	s22 =	simm.s32 $0x3880;
	s23 =	simm.s32 $0x7900;
	s5 =	smul.u32 $0x30, s10  }
0x7: {  	s24 =	simm.s32 $0x1;
	s6 =	sand.u32 $0x1, s4;
	s4 =	smul.u32 $0x70, s10  }
0x8: {  	s28 =	simm.s32 $0x4;
	s29 =	simm.s32 $0x0;
	s8 =	smul.u32 $0x14000, s10  }
0x9: {  	[smem:$0x7FF] =	sst s3;
	s10 =	smul.u32 $0x50000, s10;
	s25 =	sadd.s32 $0x5CE00, s0  }
0xa: {  	p0 =	seq.s32 s6, $0x0;
	s7 =	smul.u32 $0x140000, s6;
	_ =	strace $0x8000004D  }
0xb: {  	[dreg:$0x4] =	wrdreg s25;
	s26 =	ssub.s32 $0x2, s6;
	s25 =	simm.s32 $0x3  }
0xc: {  	s5 =	sadd.s32 $0x700, s5;
	s30 =	sshrl.u32 s10, $0x2;
	s31 =	sshrl.u32 s26, $0x1  }
0xd: {  	s14 =	simm.s32 @!p0 $0x17;
	s5 =	smov.u32 @p0 s4;
	s4 =	sadd.s32 $0xCE00, s0  }
0xe: {  	s7 =	sadd.s32 s8, s7;
	s6 =	sadd.s32 s30, s2;
	s16 =	ssub.s32 s26, s31  }
0xf: {  	s26 =	simm.s32 $0x2;
	s9 =	sshll.u32 s5, $0x4;
	s7 =	sshrl.u32 s7, $0x3  }
0x10: {  	s8 =	sadd.s32 $0x4000, s6;
	s10 =	sadd.s32 $0xC000, s6;
	s11 =	sadd.s32 $0x10000, s6  }
0x11: {  	s16 =	smax.u32 s16, $0x1;
	s17 =	sadd.s32 s9, s0;
	s0 =	sadd.s32 s7, s0  }
0x12: {  	s7 =	sadd.s32 s1, s9;
	s9 =	sadd.s32 $0x8000, s6;
	s12 =	sadd.s32 $0x2E00, s17  }
0x13: {  	s13 =	sadd.s32 $0x2E10, s17;
	s15 =	sadd.s32 $0x5D600, s0;
	s17 =	sadd.s32 $0x2E30, s17  }
.LBB2_1:
0x14: {  	[tilespmem:s3], [sflag:$0x5] =	stream.linear.gather [hbm4b:s7+s3], $0x3800, $0x38;
	[tilespmem:$0x1F900] =	vst v63  }
0x15: {  	_ =	swait.ge [sflag:s18], $0x3800  }
0x16: {  	[sflag:s18] =	ssyncset.done $0x0  }
0x17: {  	s0 =	rddreg [dreg:$0x4];
	[sflag:s18] =	ssyncadd.s32 $0xFFFFC800  }
0x18: {  	[tilespmem:s19], [sflag:$0x5] =	stream.linear.gather [hbm4b:s0+s3], $0x4000, $0x38;
	[tilespmem:$0x1F900] =	vst v63  }
0x19: {  	_ =	swait.ge [sflag:s18], $0x4000  }
0x1a: {  	[sflag:s18] =	ssyncset.done $0x0  }
0x1b: {  	[sflag:s18] =	ssyncadd.s32 $0xFFFFC000  }
0x1c: {  	[spmem:s6] =	stream.linear.scatter [tilespmem:s19], [sflag:$0x5], $0x4000, $0x38;
	[tilespmem:$0x1F900] =	vst v63  }
0x1d: {  	_ =	swait.ge [sflag:s18], $0x4000  }
0x1e: {  	[sflag:s18] =	ssyncset.done $0x0  }
0x1f: {  	[sflag:s18] =	ssyncadd.s32 $0xFFFFC000  }
0x20: {  	[spmem:s8] =	stream.linear.scatter [tilespmem:s19], [sflag:$0x5], $0x4000, $0x38;
	[tilespmem:$0x1F900] =	vst v63  }
0x21: {  	_ =	swait.ge [sflag:s18], $0x4000  }
0x22: {  	[sflag:s18] =	ssyncset.done $0x0  }
0x23: {  	[sflag:s18] =	ssyncadd.s32 $0xFFFFC000  }
0x24: {  	[spmem:s9] =	stream.linear.scatter [tilespmem:s19], [sflag:$0x5], $0x4000, $0x38;
	[tilespmem:$0x1F900] =	vst v63  }
0x25: {  	_ =	swait.ge [sflag:s18], $0x4000  }
0x26: {  	[sflag:s18] =	ssyncset.done $0x0  }
0x27: {  	[sflag:s18] =	ssyncadd.s32 $0xFFFFC000  }
0x28: {  	[spmem:s10] =	stream.linear.scatter [tilespmem:s19], [sflag:$0x5], $0x4000, $0x38;
	[tilespmem:$0x1F900] =	vst v63  }
0x29: {  	_ =	swait.ge [sflag:s18], $0x4000  }
0x2a: {  	[sflag:s18] =	ssyncset.done $0x0  }
0x2b: {  	[sflag:s18] =	ssyncadd.s32 $0xFFFFC000  }
0x2c: {  	[spmem:s11] =	stream.linear.scatter [tilespmem:s19], [sflag:$0x5], $0x4000, $0x38;
	[tilespmem:$0x1F900] =	vst v63  }
0x2d: {  	_ =	swait.ge [sflag:s18], $0x4000  }
0x2e: {  	[sflag:s18] =	ssyncset.done $0x0  }
0x2f: {  	[sflag:s18] =	ssyncadd.s32 $0xFFFFC000  }
0x30: {  	[bflag:$0x0] =	sbarrier.arrive $0xFFFF  }
0x31: {  	[tilespmem:s20], [sflag:$0x3] =	stream.linear.gather [hbm4b:s12+s3], $0x80, $0x38;
	[tilespmem:$0x1F900] =	vst v63  }
0x32: {  	_ = 	snop  }
0x33: {  	[tilespmem:s19], [sflag:$0x1] =	stream.indirect.gather [hbm4b:s4+s21], $0x80, s3, s21, $0xb8;
	[tilespmem:$0x1F900] =	vst v63  }
0x34: {  	_ = 	snop  }
0x35: {  	[tilespmem:s22], [sflag:$0x4] =	stream.linear.gather [hbm4b:s13+s3], $0x80, $0x38;
	[tilespmem:$0x1F900] =	vst v63  }
0x36: {  	_ = 	snop  }
0x37: {  	[tilespmem:s23], [sflag:$0x2] =	stream.indirect.gather [hbm4b:s4+s21], $0x80, s21, s21, $0xb8;
	[tilespmem:$0x1F900] =	vst v63  }
0x38: {  	_ =	swait.ge [sflag:s24], $0x4000  }
0x39: {  	[sflag:s24] =	ssyncset.done $0x0  }
0x3a: {  	[sflag:s24] =	ssyncadd.s32 $0xFFFFC000  }
0x3b: {  	_ =	swait.ge [sflag:s25], $0x80  }
0x3c: {  	[sflag:s25] =	ssyncset.done $0x0  }
0x3d: {  	[sflag:s25] =	ssyncadd.s32 $0xFFFFFF80  }
0x3e: {  	[spmem:s2] =	stream.indirect.scatter.add.f32 [tilespmem:s19], [sflag:$0x5], $0x80, s20, s21, $0xb8;
	[tilespmem:$0x1F900] =	vst v63  }
0x3f: {  	_ =	swait.ge [sflag:s18], $0x4000  }
0x40: {  	[sflag:s18] =	ssyncset.done $0x0  }
0x41: {  	s1 =	sadd.s32 $0xFFFFFFF0, s17;
	[sflag:s18] =	ssyncadd.s32 $0xFFFFC000  }
0x42: {  	[tilespmem:s20], [sflag:$0x3] =	stream.linear.gather [hbm4b:s1+s3], $0x80, $0x38;
	[tilespmem:$0x1F900] =	vst v63  }
0x43: {  	s5 =	simm.s32 $0x100  }
0x44: {  	[tilespmem:s19], [sflag:$0x1] =	stream.indirect.gather [hbm4b:s4+s21], $0x80, s5, s21, $0xb8;
	[tilespmem:$0x1F900] =	vst v63  }
0x45: {  	_ =	swait.ge [sflag:s26], $0x4000  }
0x46: {  	[sflag:s26] =	ssyncset.done $0x0  }
0x47: {  	[sflag:s26] =	ssyncadd.s32 $0xFFFFC000  }
0x48: {  	_ =	swait.ge [sflag:s28], $0x80  }
0x49: {  	[sflag:s28] =	ssyncset.done $0x0  }
0x4a: {  	p0 =	sne.s32 s14, $0x1;
	[sflag:s28] =	ssyncadd.s32 $0xFFFFFF80  }
0x4b: {  	[spmem:s2] =	stream.indirect.scatter.add.f32 [tilespmem:s23], [sflag:$0x5], $0x80, s22, s21, $0xb8;
	[tilespmem:$0x1F900] =	vst v63  }
.Ltmp0:
0x4c: {  	_ = 	snop;
	(pc) =	sbr.rel @!p0 .LBB2_3-.Ltmp0, $4  }
0x4d: {  	_ =	swait.ge [sflag:s18], $0x4000  }
0x4e: {  	s30 =	sadd.s32 $0xFFFFFFFF, s14;
	s31 =	simm.s32 $0x280;
	[sflag:s18] =	ssyncset.done $0x0  }
0x4f: {  	s0 =	sadd.s32 $0x20, s17;
	s1 =	simm.s32 $0x180;
	[sflag:s18] =	ssyncadd.s32 $0xFFFFC000  }
0x50: {  	[tilespmem:s22], [sflag:$0x4] =	stream.linear.gather [hbm4b:s17+s3], $0x80, $0x38;
	[tilespmem:$0x1F900] =	vst v63  }
.LBB2_2:
0x51: {  	[tilespmem:s23], [sflag:$0x2] =	stream.indirect.gather [hbm4b:s4+s21], $0x80, s1, s21, $0xb8;
	[tilespmem:$0x1F900] =	vst v63  }
0x52: {  	p0 =	sne.s32 s30, $0x1;
	s30 =	sadd.s32 $0xFFFFFFFF, s30;
	_ =	swait.ge [sflag:s24], $0x4000  }
0x53: {  	s1 =	smov.u32 s31;
	[sflag:s24] =	ssyncset.done $0x0  }
0x54: {  	[sflag:s24] =	ssyncadd.s32 $0xFFFFC000  }
0x55: {  	_ =	swait.ge [sflag:s25], $0x80  }
0x56: {  	[sflag:s25] =	ssyncset.done $0x0  }
0x57: {  	[sflag:s25] =	ssyncadd.s32 $0xFFFFFF80  }
0x58: {  	[spmem:s2] =	stream.indirect.scatter.add.f32 [tilespmem:s19], [sflag:$0x5], $0x80, s20, s21, $0xb8;
	[tilespmem:$0x1F900] =	vst v63  }
0x59: {  	_ =	swait.ge [sflag:s18], $0x4000  }
0x5a: {  	[sflag:s18] =	ssyncset.done $0x0  }
0x5b: {  	s5 =	sadd.s32 $0xFFFFFFF0, s0;
	[sflag:s18] =	ssyncadd.s32 $0xFFFFC000  }
0x5c: {  	[tilespmem:s20], [sflag:$0x3] =	stream.linear.gather [hbm4b:s5+s3], $0x80, $0x38;
	[tilespmem:$0x1F900] =	vst v63  }
0x5d: {  	s5 =	sadd.s32 $0xFFFFFF80, s31  }
0x5e: {  	[tilespmem:s19], [sflag:$0x1] =	stream.indirect.gather [hbm4b:s4+s21], $0x80, s5, s21, $0xb8;
	[tilespmem:$0x1F900] =	vst v63  }
0x5f: {  	_ =	swait.ge [sflag:s26], $0x4000  }
0x60: {  	[sflag:s26] =	ssyncset.done $0x0  }
0x61: {  	[sflag:s26] =	ssyncadd.s32 $0xFFFFC000  }
0x62: {  	_ =	swait.ge [sflag:s28], $0x80  }
0x63: {  	[sflag:s28] =	ssyncset.done $0x0  }
0x64: {  	[sflag:s28] =	ssyncadd.s32 $0xFFFFFF80  }
0x65: {  	[spmem:s2] =	stream.indirect.scatter.add.f32 [tilespmem:s23], [sflag:$0x5], $0x80, s22, s21, $0xb8;
	[tilespmem:$0x1F900] =	vst v63  }
.Ltmp1:
0x66: {  	_ =	swait.ge [sflag:s18], $0x4000;
	(pc) =	sbr.rel @p0 .LBB2_2-.Ltmp1, $4  }
0x67: {  	[sflag:s18] =	ssyncset.done $0x0  }
0x68: {  	[sflag:s18] =	ssyncadd.s32 $0xFFFFC000  }
0x69: {  	[tilespmem:s22], [sflag:$0x4] =	stream.linear.gather [hbm4b:s0+s3], $0x80, $0x38;
	[tilespmem:$0x1F900] =	vst v63  }
0x6a: {  	s31 =	sadd.s32 $0x100, s31;
	s0 =	sadd.s32 $0x20, s0  }
.LBB2_3:
0x6b: {  	[tilespmem:s23], [sflag:$0x2] =	stream.indirect.gather [hbm4b:s4+s21], $0x80, s1, s21, $0xb8;
	[tilespmem:$0x1F900] =	vst v63  }
0x6c: {  	_ =	swait.ge [sflag:s24], $0x4000  }
0x6d: {  	[sflag:s24] =	ssyncset.done $0x0  }
0x6e: {  	[sflag:s24] =	ssyncadd.s32 $0xFFFFC000  }
0x6f: {  	_ =	swait.ge [sflag:s25], $0x80  }
0x70: {  	[sflag:s25] =	ssyncset.done $0x0  }
0x71: {  	[sflag:s25] =	ssyncadd.s32 $0xFFFFFF80  }
0x72: {  	[spmem:s2] =	stream.indirect.scatter.add.f32 [tilespmem:s19], [sflag:$0x5], $0x80, s20, s21, $0xb8;
	[tilespmem:$0x1F900] =	vst v63  }
0x73: {  	_ =	swait.ge [sflag:s18], $0x4000  }
0x74: {  	[sflag:s18] =	ssyncset.done $0x0  }
0x75: {  	[sflag:s18] =	ssyncadd.s32 $0xFFFFC000  }
0x76: {  	_ =	swait.ge [sflag:s26], $0x4000  }
0x77: {  	[sflag:s26] =	ssyncset.done $0x0  }
0x78: {  	[sflag:s26] =	ssyncadd.s32 $0xFFFFC000  }
0x79: {  	_ =	swait.ge [sflag:s28], $0x80  }
0x7a: {  	[sflag:s28] =	ssyncset.done $0x0  }
0x7b: {  	[sflag:s28] =	ssyncadd.s32 $0xFFFFFF80  }
0x7c: {  	[spmem:s2] =	stream.indirect.scatter.add.f32 [tilespmem:s23], [sflag:$0x5], $0x80, s22, s21, $0xb8;
	[tilespmem:$0x1F900] =	vst v63  }
0x7d: {  	s0 =	stileid.u32;
	_ =	swait.ge [sflag:s18], $0x4000  }
0x7e: {  	s31 =	sshrl.u32 s6, $0x3;
	s29 =	sadd.s32 $0x1, s29;
	[sflag:s18] =	ssyncset.done $0x0  }
0x7f: {  	s0 =	sshll.u32 s0, $0x6;
	p0 =	sne.s32 s29, s16;
	[sflag:s18] =	ssyncadd.s32 $0xFFFFC000  }
.Ltmp2:
0x80: {  	s0 =	sor.u32 $0x1C05, s0;
	[bflag:$0x0] =	sbarrier.arrive $0xFFFF;
	(pc) =	sbr.rel @p0 .LBB2_1-.Ltmp2, $4  }
0x81: {  	[hbm:s15], [sflag:s0] =	dma.local [spmem:s31], $0x2800  }
0x82: {  	_ =	swait.ge [sflag:s18], $0x2800  }
0x83: {  	[sflag:s18] =	ssyncset.done $0x0  }
0x84: {  	[sflag:s18] =	ssyncadd.s32 $0xFFFFD800  }
0x85: {  	_ =	sfence.sel $0x180000  }
0x86: {  	[bflag:$0x0] =	sbarrier.arrive $0xFFFF  }
0x87: {  	_ =	strace $0x9000004D  }
0x88: {  	s0 =	stileid.u32;
	[bflag:$0x2] =	sbarrier.arrive $0xFFFF  }
0x89: {  	p0 =	sne.s32 s0, $0x0;
	s0 =	rddreg [dreg:$0x3]  }
0x8a: {  	s0 =	sadd.s32 @!p0 $0x100000, s0  }
0x8b: {  	[sflag:s0] =	ssyncadd.tile.s32 @!p0 $0x1;
	_ =	shalt  }
.Lfunc_end2:
_tile_overlayer_lowered:
.L_overlay_start_2:
0x8c: {  	(tag) =	ssettag $0x2  }
0x8d: {  	s0 =	rddreg [dreg:$0x0];
	s2 =	stileid.u32  }
0x8e: {  	s1 =	rddreg [dreg:$0x1];
	p0 =	sne.s32 s2, $0x0  }
0x8f: {  	s3 =	rddreg [dreg:$0x2];
	[bflag:$0x3] =	sbarrier.arrive $0xFFFF;
	s2 =	simm.s32 @!p0 $0x1C05  }
0x90: {  	[timem:s3], [sflag:s2] =	dma.local @!p0 [hbm:s0], s1  }
0x91: {  	s0 =	simm.s32 @!p0 $0x5  }
0x92: {  	_ =	swait.ge @!p0 [sflag:s0], s1  }
0x93: {  	s1 =	ssub.s32 @!p0 $0x0, s1;
	[sflag:s0] =	ssyncset.done @!p0 $0x0  }
0x94: {  	[sflag:s0] =	ssyncadd.s32 @!p0 s1  }
0x95: {  	[bflag:$0x3] =	sbarrier.arrive $0xFFFF  }
0x96: {  	_ =	shalt  }

// kernel: kernel.8.cloned.1.call-start
scs
__scs_entry_jumppad:
0x0: {  	(pc) =	sbr.rel $0x88, $3  }
0x1: {  	(tag) =	ssettag $0x0;
	lr =	simm.s32 $0x1  }
0x2: {  	[smem:$0x3F9B] =	sst lr;
	_ =	strace $0xD0000000  }
0x3: {  	_ = 	snop  }
0x4: {  	_ = 	snop  }
0x5: {  	_ = 	snop  }
0x6: {  	_ = 	snop  }
0x7: {  	_ = 	snop  }
__scs_overlays_trampoline_lowered:
0x8: {  	[smem:$0x3FAA] =	sst s0  }
0x9: {  	[smem:$0x3FAB] =	sst s1  }
0xa: {  	[smem:$0x3FAC] =	sst s2  }
0xb: {  	[smem:$0x3FAD] =	sst s3  }
0xc: {  	[smem:$0x3FAE] =	sst s4  }
0xd: {  	[smem:$0x3FAF] =	sst s5  }
0xe: {  	[smem:$0x3FB0] =	sst s6  }
0xf: {  	[smem:$0x3FB1] =	sst s7  }
0x10: {  	[smem:$0x3FB2] =	sst s8  }
0x11: {  	[smem:$0x3FB3] =	sst s9;
	s0 =	simm.s32 @!p0 $0x0  }
0x12: {  	s1 =	sld [smem:$0x3F99];
	s0 =	simm.s32 @p0 $0x1  }
0x13: {  	[smem:$0x3FB4] =	sst s0;
	s0 =	simm.s32 @!p1 $0x0  }
0x14: {  	s2 =	sld [smem:$0x3F98];
	s0 =	simm.s32 @p1 $0x1  }
0x15: {  	[smem:$0x3FB5] =	sst s0;
	s0 =	simm.s32 @!p2 $0x0  }
0x16: {  	s3 =	sld [smem:$0x3FDB];
	s0 =	simm.s32 @p2 $0x1  }
0x17: {  	s4 =	simm.s32 $0x1BF5;
	[smem:$0x3FB7] =	sst s0  }
0x18: {  	s0 =	sld [smem:$0x3F9A];
	_ =	swait.ge [sflag:s4], $0x0  }
0x19: {  	s7 =	sld [smem:$0x3F9B]  }
0x1a: {  	s8 =	sadd.s32 $0xFFFFE003, lr  }
0x1b: {  	s9 =	sadd.s32 $0xFFFFFEF7, lr;
	s5 =	simm.s32 $0xFFFFFFFF;
	p2 =	slt.u32 s8, $0xFFFFF086  }
0x1c: {  	p1 =	slt.u32 s9, $0xF7A;
	s5 =	simm.s32 @!p2 $0x0  }
0x1d: {  	s5 =	simm.s32 @p1 $0x1;
	p0 =	seq.s32 s7, s2  }
0x1e: {  	s7 =	smul.u32 @!p0 $0xF7A, s2;
	p2 =	seq.s32 @!p0 s5, $0x0  }
0x1f: {  	s9 =	smul.u32 $0xF7A, s1;
	s8 =	simm.s32 @!p0 $0x1BF5;
	p2 =	por !p2, p0  }
0x20: {  	[sflag:s8] =	ssyncset.s32 @!p0 $0xFFFFF086;
	s6 =	sadd.s32 @!p0 s3, s7;
	s7 =	simm.s32 @!p0 $0x108  }
0x21: {  	s3 =	sadd.s32 s3, s9;
	s6 =	sadd.s32 @!p0 $0x88, s6;
	s7 =	simm.s32 @p2 $0x1082  }
0x22: {  	[simem:s7], [sflag:s8] =	dma.local @!p0 [hbm:s6], $0xF7A  }
0x23: {  	s9 =	sor.u32 $0xD0000000, s2;
	s6 =	simm.s32 $0x108;
	_ =	swait.ge @!p0 [sflag:s8], $0x0  }
0x24: {  	s3 =	sadd.s32 $0x88, s3;
	s6 =	simm.s32 @!p1 $0x1082;
	[sflag:s4] =	ssyncset.s32 $0xFFFFF086  }
0x25: {  	[simem:s6], [sflag:s4] =	dma.local [hbm:s3], $0xF7A  }
0x26: {  	[smem:$0x3F9B] =	sst s1;
	(tag) =	ssettag s2;
	_ =	strace s9  }
0x27: {  	s1 =	sld [smem:$0x3FAB]  }
0x28: {  	s2 =	sld [smem:$0x3FAC]  }
0x29: {  	s4 =	sld [smem:$0x3FAE]  }
0x2a: {  	p0 =	seq.s32 s5, $0x0;
	s5 =	sld [smem:$0x3FAF]  }
0x2b: {  	s6 =	sld [smem:$0x3FB0]  }
0x2c: {  	s7 =	sld [smem:$0x3FB1]  }
0x2d: {  	s3 =	simm.s32 $0x108;
	s8 =	sld [smem:$0x3FB2]  }
0x2e: {  	s3 =	simm.s32 @!p0 $0x1082;
	s9 =	sld [smem:$0x3FB3]  }
0x2f: {  	lr =	sadd.s32 s0, s3;
	s0 =	sld [smem:$0x3FAA]  }
0x30: {  	s3 =	sld [smem:$0x3FAD]  }
0x31: {  	[smem:$0x3FB6] =	sst s10  }
0x32: {  	s10 =	sld [smem:$0x3FB4];
	_ =	sdelay $0x3  }
0x33: {  	p0 =	seq.s32 s10, $0x1;
	s10 =	sld [smem:$0x3FB6];
	_ =	sdelay $0x3  }
0x34: {  	[smem:$0x3FB6] =	sst s10  }
0x35: {  	s10 =	sld [smem:$0x3FB5];
	_ =	sdelay $0x3  }
0x36: {  	p1 =	seq.s32 s10, $0x1;
	s10 =	sld [smem:$0x3FB6];
	_ =	sdelay $0x3  }
0x37: {  	[smem:$0x3FB6] =	sst s10  }
0x38: {  	s10 =	sld [smem:$0x3FB7]  }
0x39: {  	_ = 	snop;
	(pc) =	sbr.ind lr, $3  }
0x3a: {  	_ = 	snop  }
0x3b: {  	_ = 	snop  }
0x3c: {  	p2 =	seq.s32 s10, $0x1;
	s10 =	sld [smem:$0x3FB6]  }
0x3d: {  	_ =	shalt  }
0x3e: {  	_ =	shalt  }
0x3f: {  	_ =	shalt  }
0x40: {  	_ =	shalt  }
0x41: {  	_ =	shalt  }
0x42: {  	_ =	shalt  }
0x43: {  	_ =	shalt  }
0x44: {  	_ =	shalt  }
0x45: {  	_ =	shalt  }
0x46: {  	_ =	shalt  }
0x47: {  	_ =	shalt  }
0x48: {  	_ =	shalt  }
0x49: {  	_ =	shalt  }
0x4a: {  	_ =	shalt  }
0x4b: {  	_ =	shalt  }
0x4c: {  	_ =	shalt  }
0x4d: {  	_ =	shalt  }
0x4e: {  	_ =	shalt  }
0x4f: {  	_ =	shalt  }
0x50: {  	_ =	shalt  }
0x51: {  	_ =	shalt  }
0x52: {  	_ =	shalt  }
0x53: {  	_ =	shalt  }
0x54: {  	_ =	shalt  }
0x55: {  	_ =	shalt  }
0x56: {  	_ =	shalt  }
0x57: {  	_ =	shalt  }
0x58: {  	_ =	shalt  }
0x59: {  	_ =	shalt  }
0x5a: {  	_ =	shalt  }
0x5b: {  	_ =	shalt  }
0x5c: {  	_ =	shalt  }
0x5d: {  	_ =	shalt  }
0x5e: {  	_ =	shalt  }
0x5f: {  	_ =	shalt  }
0x60: {  	_ =	shalt  }
0x61: {  	_ =	shalt  }
0x62: {  	_ =	shalt  }
0x63: {  	_ =	shalt  }
0x64: {  	_ =	shalt  }
0x65: {  	_ =	shalt  }
0x66: {  	_ =	shalt  }
0x67: {  	_ =	shalt  }
0x68: {  	_ =	shalt  }
0x69: {  	_ =	shalt  }
0x6a: {  	_ =	shalt  }
0x6b: {  	_ =	shalt  }
0x6c: {  	_ =	shalt  }
0x6d: {  	_ =	shalt  }
0x6e: {  	_ =	shalt  }
0x6f: {  	_ =	shalt  }
0x70: {  	_ =	shalt  }
0x71: {  	_ =	shalt  }
0x72: {  	_ =	shalt  }
0x73: {  	_ =	shalt  }
0x74: {  	_ =	shalt  }
0x75: {  	_ =	shalt  }
0x76: {  	_ =	shalt  }
0x77: {  	_ =	shalt  }
0x78: {  	_ =	shalt  }
0x79: {  	_ =	shalt  }
0x7a: {  	_ =	shalt  }
0x7b: {  	_ =	shalt  }
0x7c: {  	_ =	shalt  }
0x7d: {  	_ =	shalt  }
0x7e: {  	_ =	shalt  }
0x7f: {  	_ =	shalt  }
0x80: {  	_ =	shalt  }
0x81: {  	_ =	shalt  }
0x82: {  	_ =	shalt  }
0x83: {  	_ =	shalt  }
0x84: {  	_ =	shalt  }
0x85: {  	_ =	shalt  }
0x86: {  	_ =	shalt  }
0x87: {  	_ =	shalt  }
.Lfunc_end0:
.L_simem_size_0:
called_computation_lowered:
.L_overlay_start_0:
0x88: {  	s2 =	sld [smem:$0x3FD9]  }
0x89: {  	s3 =	sld [smem:$0x3FFE];
	_ =	sdelay $0x1  }
0x8a: {  	s1 =	srdreg.scid  }
0x8b: {  	s0 =	sand.u32 $0x1, s1  }
0x8c: {  	s16 =	sshll.u32 s0, $0xA;
	s2 =	sadd.s32 s3, s2  }
0x8d: {  	s2 =	sadd.s32 s2, s16  }
0x8e: {  	[smem:$0x3FC2] =	sst s2  }
0x8f: {  	_ = 	snop  }
0x90: {  	(tm) =	ssettm $0x1  }
0x91: {  	s17 =	sld [smem:$0x3FFB];
	_ =	sdelay $0x3  }
0x92: {  	_ =	strace s17  }
0x93: {  	s2 =	sld [smem:$0x3FFC];
	_ =	sdelay $0x3  }
0x94: {  	_ =	strace s2  }
0x95: {  	s2 =	sld [smem:$0x3FFD];
	_ =	sdelay $0x3  }
0x96: {  	_ =	strace s2  }
0x97: {  	_ =	strace $0x8FFFFFFF  }
0x98: {  	s18 =	sld [smem:$0x3FDB];
	_ =	sdelay $0x1  }
0x99: {  	s19 =	simm.s32 $_scs_section_size  }
0x9a: {  	s4 =	simm.s32 $_size__tile_overlayer_lowered;
	s5 =	simm.s32 $_tile_overlayer_lowered  }
0x9b: {  	s22 =	simm.s32 $0x1BFF;
	s21 =	sshll.u32 s5, $0x1;
	s2 =	sadd.s32 s19, s18  }
0x9c: {  	s6 =	simm.s32 $0x0;
	s20 =	sshll.u32 s4, $0x1;
	s4 =	sadd.s32 s21, s2  }
0x9d: {  	[timem:s6], [sflag:s22] =	dma.local [hbm:s4], s20  }
0x9e: {  	_ =	swait.ge [sflag:s22], s20  }
0x9f: {  	s3 =	ssub.s32 $0x0, s20;
	[sflag:s22] =	ssyncset.done $0x0  }
0xa0: {  	[sflag:s22] =	ssyncadd.s32 s3;
	_ =	sdelay $0x1  }
0xa1: {  	s23 =	simm.s32 $0x1B8B  }
0xa2: {  	_ =	swait.ge [sflag:s23], $0x1  }
0xa3: {  	[sflag:s23] =	ssyncset.done $0x0  }
0xa4: {  	s25 =	simm.s32 $0x1B8E;
	s24 =	sld [smem:$0x3FFE];
	[sflag:s23] =	ssyncadd.s32 $0xFFFFFFFF  }
0xa5: {  	s26 =	simm.s32 $execute0_lowered;
	[smem:$0x3FD2] =	sst s25  }
0xa6: {  	s4 =	sshll.u32 s26, $0x1;
	_ =	strace $0x80000046;
	[dreg:$0x1] =	wrdreg $0xFFFFFFFF  }
0xa7: {  	s28 =	simm.s32 $_size_execute0_lowered;
	s2 =	sadd.s32 s2, s4;
	[dreg:$0x0] =	wrdreg $0x0  }
0xa8: {  	s4 =	sshll.u32 s28, $0x1;
	[dreg:$0x2] =	wrdreg s2  }
0xa9: {  	[dreg:$0x3] =	wrdreg s4  }
0xaa: {  	[dreg:$0x4] =	wrdreg $0xC0  }
0xab: {  	_ =	task [dreg:s6], $0x5FFFF  }
0xac: {  	[dreg:$0x1] =	wrdreg $0xFFFFFFFF  }
0xad: {  	[dreg:$0x0] =	wrdreg $0x60  }
0xae: {  	[dreg:$0x2] =	wrdreg s24  }
0xaf: {  	[dreg:$0x3] =	wrdreg $0x2B000  }
0xb0: {  	[dreg:$0x4] =	wrdreg $0x9  }
0xb1: {  	_ =	task.clear_ibuf [dreg:s6], $0x5FFFF;
	_ =	strace $0x90000046  }
0xb2: {  	s29 =	simm.s32 $0x9;
	_ =	strace $0x80000048  }
0xb3: {  	_ =	swait.ge [sflag:s29], $0x1  }
0xb4: {  	[sflag:s29] =	ssyncadd.s32 $0xFFFFFFFF  }
0xb5: {  	_ =	strace $0x90000048  }
0xb6: {  	_ =	sfence  }
0xb7: {  	s30 =	sld [smem:$0x0];
	_ =	sdelay $0x2  }
0xb8: {  	s31 =	sshll.u32 s1, $0xD;
	s1 =	sshrl.u32 s1, $0x2  }
0xb9: {  	s3 =	sand.u32 $0x4000, s31;
	s1 =	sadd.s32 s1, s30  }
0xba: {  	s0 =	sor.u32 s3, s0;
	s1 =	sshll.u32 s1, $0x11  }
0xbb: {  	s0 =	sor.u32 s1, s0  }
0xbc: {  	s0 =	sadd.s32 $0x8F2B, s0  }
0xbd: {  	[sflag:s0] =	ssyncadd.remote.s32 $0x1  }
0xbe: {  	_ =	sfence.sel $0xFFFF  }
0xbf: {  	[dreg:$0x0] =	wrdreg $0xFFFFFFFF;
	(pc) =	sbr.abs _section_cstart, $3  }
0xc0: {  	[dreg:$0x1] =	wrdreg $0xFFFFFFFF  }
0xc1: {  	_ =	task.clear_ibuf [dreg:s6], $0x2FFFF;
	_ =	strace $0x9FFFFFFF  }
0xc2: {  	(tm) =	ssettm $0x7FFFFFFF  }
0xc3: {  	_ =	shalt  }
tec
execute0_lowered:
.L_overlay_start_1:
0x0: {  	(tag) =	ssettag $0x1  }
0x1: {  	s4 =	rddreg [dreg:$0x0]  }
0x2: {  	s2 =	rddreg [dreg:$0x1]  }
0x3: {  	s3 =	srdreg.scid;
	s1 =	stileid.u32  }
0x4: {  	s0 =	rddreg [dreg:$0x2];
	s10 =	simm.s32 $0x80;
	s11 =	simm.s32 $0x2800  }
0x5: {  	s12 =	simm.s32 $0x100;
	s13 =	simm.s32 $0x180;
	s14 =	simm.s32 $0x1  }
0x6: {  	s15 =	simm.s32 $0x2;
	s16 =	simm.s32 $0x3;
	s17 =	simm.s32 $0x4  }
0x7: {  	s20 =	simm.s32 $0x20;
	s21 =	simm.s32 $0x10;
	s22 =	simm.s32 $0x0  }
0x8: {  	s5 =	sand.u32 $0x1, s3;
	s6 =	sshll.u32 s1, $0x1;
	s7 =	smul.u32 $0x500, s1  }
0x9: {  	s3 =	simm.s32 $0x0;
	s30 =	smul.u32 $0xA00, s1;
	s18 =	sshll.u32 s1, $0x6  }
0xa: {  	s6 =	sor.u32 s5, s6;
	[smem:$0x7FF] =	sst s3;
	s8 =	sshll.u32 s5, $0x7  }
0xb: {  	s5 =	ssub.s32 $0x2, s5;
	s18 =	sor.u32 $0x1C05, s18;
	s6 =	smul.u32 $0x500, s6  }
0xc: {  	_ =	strace $0x80000047;
	s7 =	sor.u32 s8, s7;
	s31 =	sshrl.u32 s5, $0x1  }
0xd: {  	s8 =	sshrl.u32 s30, $0x2;
	s7 =	sshrl.u32 s7, $0x3;
	s9 =	ssub.s32 s5, s31  }
0xe: {  	s5 =	sadd.s32 s8, s2;
	s8 =	simm.s32 $0x5;
	s6 =	sadd.s32 s6, s4  }
0xf: {  	s7 =	sadd.s32 s7, s4;
	s19 =	sshrl.u32 s5, $0x3;
	s4 =	sadd.s32 $0x2E00, s6  }
0x10: {  	v0 =	vimm.f32 $1.000000000e+00;
	v1 =	vimm.f32 $0.0e+00;
	s6 =	sadd.s32 $0xCE00, s7;
	s7 =	smax.u32 s9, $0x1;
	s9 =	simm.s32 $0x2880  }
.LBB2_1:
0x11: {  	[tilespmem:$0x2800] =	vst v0  }
0x12: {  	[tilespmem:$0x2810] =	vst v0  }
0x13: {  	[tilespmem:$0x2820] =	vst v0  }
0x14: {  	[tilespmem:$0x2830] =	vst v0  }
0x15: {  	[tilespmem:$0x2840] =	vst v0  }
0x16: {  	[tilespmem:$0x2850] =	vst v0  }
0x17: {  	[tilespmem:$0x2860] =	vst v0  }
0x18: {  	[tilespmem:$0x2870] =	vst v0  }
0x19: {  	[tilespmem:$0x2880] =	vst v1  }
0x1a: {  	[tilespmem:$0x2890] =	vst v1  }
0x1b: {  	[tilespmem:$0x28A0] =	vst v1  }
0x1c: {  	[tilespmem:$0x28B0] =	vst v1  }
0x1d: {  	[tilespmem:$0x28C0] =	vst v1  }
0x1e: {  	[tilespmem:$0x28D0] =	vst v1  }
0x1f: {  	[tilespmem:$0x28E0] =	vst v1  }
0x20: {  	[tilespmem:$0x28F0] =	vst v1  }
0x21: {  	[tilespmem:$0x2900] =	vst v1  }
0x22: {  	[tilespmem:$0x2910] =	vst v1  }
0x23: {  	[tilespmem:$0x2920] =	vst v1  }
0x24: {  	[tilespmem:$0x2930] =	vst v1  }
0x25: {  	[tilespmem:$0x2940] =	vst v1  }
0x26: {  	[tilespmem:$0x2950] =	vst v1  }
0x27: {  	[tilespmem:$0x2960] =	vst v1  }
0x28: {  	[tilespmem:$0x2970] =	vst v1  }
0x29: {  	[tilespmem:$0x2980] =	vst v1  }
0x2a: {  	[tilespmem:$0x2990] =	vst v1  }
0x2b: {  	[tilespmem:$0x29A0] =	vst v1  }
0x2c: {  	[tilespmem:$0x29B0] =	vst v1  }
0x2d: {  	[tilespmem:$0x29C0] =	vst v1  }
0x2e: {  	[tilespmem:$0x29D0] =	vst v1  }
0x2f: {  	[tilespmem:$0x29E0] =	vst v1  }
0x30: {  	[tilespmem:$0x29F0] =	vst v1  }
0x31: {  	[tilespmem:$0x2A00] =	vst v1  }
0x32: {  	[tilespmem:$0x2A10] =	vst v1  }
0x33: {  	[tilespmem:$0x2A20] =	vst v1  }
0x34: {  	[tilespmem:$0x2A30] =	vst v1  }
0x35: {  	[tilespmem:$0x2A40] =	vst v1  }
0x36: {  	[tilespmem:$0x2A50] =	vst v1  }
0x37: {  	[tilespmem:$0x2A60] =	vst v1  }
0x38: {  	[tilespmem:$0x2A70] =	vst v1  }
0x39: {  	[tilespmem:$0x2A80] =	vst v1  }
0x3a: {  	[tilespmem:$0x2A90] =	vst v1  }
0x3b: {  	[tilespmem:$0x2AA0] =	vst v1  }
0x3c: {  	[tilespmem:$0x2AB0] =	vst v1  }
0x3d: {  	[tilespmem:$0x2AC0] =	vst v1  }
0x3e: {  	[tilespmem:$0x2AD0] =	vst v1  }
0x3f: {  	[tilespmem:$0x2AE0] =	vst v1  }
0x40: {  	[tilespmem:$0x2AF0] =	vst v1  }
0x41: {  	[tilespmem:s3], [sflag:$0x5] =	stream.linear.gather [hbm4b:s4+s3], $0x2800, $0x38;
	[tilespmem:$0x2D80] =	vst v63  }
0x42: {  	_ =	swait.ge [sflag:s8], $0x2800  }
0x43: {  	[sflag:s8] =	ssyncset.done $0x0  }
0x44: {  	[sflag:s8] =	ssyncadd.s32 $0xFFFFD800  }
0x45: {  	[spmem:s5] =	stream.linear.scatter [tilespmem:s9], [sflag:$0x5], $0x280, $0x38;
	[tilespmem:$0x2D80] =	vst v63  }
0x46: {  	_ =	swait.ge [sflag:s8], $0x280  }
0x47: {  	[sflag:s8] =	ssyncset.done $0x0  }
0x48: {  	[sflag:s8] =	ssyncadd.s32 $0xFFFFFD80  }
0x49: {  	[bflag:$0x0] =	sbarrier.arrive $0xFFFF  }
0x4a: {  	[spmem:s2] =	stream.indirect.scatter.add.f32 [tilespmem:s11], [sflag:$0x1], $0x1, s3, s10, $0xb8;
	[tilespmem:$0x2D80] =	vst v63  }
0x4b: {  	_ = 	snop  }
0x4c: {  	[spmem:s2] =	stream.indirect.scatter.add.f32 [tilespmem:s11], [sflag:$0x2], $0x1, s10, s10, $0xb8;
	[tilespmem:$0x2D80] =	vst v63  }
0x4d: {  	_ = 	snop  }
0x4e: {  	[spmem:s2] =	stream.indirect.scatter.add.f32 [tilespmem:s11], [sflag:$0x3], $0x1, s12, s10, $0xb8;
	[tilespmem:$0x2D80] =	vst v63  }
0x4f: {  	_ = 	snop  }
0x50: {  	[spmem:s2] =	stream.indirect.scatter.add.f32 [tilespmem:s11], [sflag:$0x4], $0x1, s13, s10, $0xb8;
	[tilespmem:$0x2D80] =	vst v63  }
0x51: {  	_ =	swait.ge [sflag:s14], $0x80  }
0x52: {  	[sflag:s14] =	ssyncset.done $0x0  }
0x53: {  	s23 =	simm.s32 $0x200;
	[sflag:s14] =	ssyncadd.s32 $0xFFFFFF80  }
0x54: {  	[spmem:s2] =	stream.indirect.scatter.add.f32 [tilespmem:s11], [sflag:$0x1], $0x1, s23, s10, $0xb8;
	[tilespmem:$0x2D80] =	vst v63  }
0x55: {  	_ =	swait.ge [sflag:s15], $0x80  }
0x56: {  	[sflag:s15] =	ssyncset.done $0x0  }
0x57: {  	s30 =	simm.s32 $0x280;
	[sflag:s15] =	ssyncadd.s32 $0xFFFFFF80  }
0x58: {  	[spmem:s2] =	stream.indirect.scatter.add.f32 [tilespmem:s11], [sflag:$0x2], $0x1, s30, s10, $0xb8;
	[tilespmem:$0x2D80] =	vst v63  }
0x59: {  	_ =	swait.ge [sflag:s16], $0x80  }
0x5a: {  	[sflag:s16] =	ssyncset.done $0x0  }
0x5b: {  	s31 =	simm.s32 $0x300;
	[sflag:s16] =	ssyncadd.s32 $0xFFFFFF80  }
0x5c: {  	[spmem:s2] =	stream.indirect.scatter.add.f32 [tilespmem:s11], [sflag:$0x3], $0x1, s31, s10, $0xb8;
	[tilespmem:$0x2D80] =	vst v63  }
0x5d: {  	_ =	swait.ge [sflag:s17], $0x80  }
0x5e: {  	[sflag:s17] =	ssyncset.done $0x0  }
0x5f: {  	s24 =	simm.s32 $0x380;
	s23 =	simm.s32 $0xFFFF7000;
	[sflag:s17] =	ssyncadd.s32 $0xFFFFFF80  }
.LBB2_2:
0x60: {  	[spmem:s2] =	stream.indirect.scatter.add.f32 [tilespmem:s11], [sflag:$0x4], $0x1, s24, s10, $0xb8;
	[tilespmem:$0x2D80] =	vst v63  }
0x61: {  	s24 =	smov.u32 s23  }
0x62: {  	p0 =	sne.s32 s23, $0xFFFFF800;
	s23 =	sadd.s32 $0x800, s23;
	_ =	swait.ge [sflag:s14], $0x80  }
0x63: {  	s24 =	sshra.s32 s24, $0x2;
	[sflag:s14] =	ssyncset.done $0x0  }
0x64: {  	s25 =	sadd.s32 $0x2800, s24;
	[sflag:s14] =	ssyncadd.s32 $0xFFFFFF80  }
0x65: {  	[spmem:s2] =	stream.indirect.scatter.add.f32 [tilespmem:s11], [sflag:$0x1], $0x1, s25, s10, $0xb8;
	[tilespmem:$0x2D80] =	vst v63  }
0x66: {  	_ =	swait.ge [sflag:s15], $0x80  }
0x67: {  	[sflag:s15] =	ssyncset.done $0x0  }
0x68: {  	s25 =	sadd.s32 $0x2880, s24;
	[sflag:s15] =	ssyncadd.s32 $0xFFFFFF80  }
0x69: {  	[spmem:s2] =	stream.indirect.scatter.add.f32 [tilespmem:s11], [sflag:$0x2], $0x1, s25, s10, $0xb8;
	[tilespmem:$0x2D80] =	vst v63  }
0x6a: {  	_ =	swait.ge [sflag:s16], $0x80  }
0x6b: {  	[sflag:s16] =	ssyncset.done $0x0  }
.Ltmp0:
0x6c: {  	s25 =	sadd.s32 $0x2900, s24;
	[sflag:s16] =	ssyncadd.s32 $0xFFFFFF80;
	(pc) =	sbr.rel @p0 .LBB2_2-.Ltmp0, $4  }
0x6d: {  	[spmem:s2] =	stream.indirect.scatter.add.f32 [tilespmem:s11], [sflag:$0x3], $0x1, s25, s10, $0xb8;
	[tilespmem:$0x2D80] =	vst v63  }
0x6e: {  	_ =	swait.ge [sflag:s17], $0x80  }
0x6f: {  	[sflag:s17] =	ssyncset.done $0x0  }
0x70: {  	s24 =	sadd.s32 $0x2980, s24;
	[sflag:s17] =	ssyncadd.s32 $0xFFFFFF80  }
0x71: {  	[spmem:s2] =	stream.indirect.scatter.add.f32 [tilespmem:s11], [sflag:$0x4], $0x1, s24, s10, $0xb8;
	[tilespmem:$0x2D80] =	vst v63  }
0x72: {  	_ =	swait.ge [sflag:s14], $0x80  }
0x73: {  	[sflag:s14] =	ssyncset.done $0x0  }
0x74: {  	[sflag:s14] =	ssyncadd.s32 $0xFFFFFF80  }
0x75: {  	_ =	swait.ge [sflag:s15], $0x80  }
0x76: {  	[sflag:s15] =	ssyncset.done $0x0  }
0x77: {  	[sflag:s15] =	ssyncadd.s32 $0xFFFFFF80  }
0x78: {  	_ =	swait.ge [sflag:s16], $0x80  }
0x79: {  	[sflag:s16] =	ssyncset.done $0x0  }
0x7a: {  	[sflag:s16] =	ssyncadd.s32 $0xFFFFFF80  }
0x7b: {  	_ =	swait.ge [sflag:s17], $0x80  }
0x7c: {  	s22 =	sadd.s32 $0x1, s22;
	[sflag:s17] =	ssyncset.done $0x0  }
0x7d: {  	p0 =	sne.s32 s22, s7;
	[sflag:s17] =	ssyncadd.s32 $0xFFFFFF80  }
.Ltmp1:
0x7e: {  	[bflag:$0x0] =	sbarrier.arrive $0xFFFF;
	(pc) =	sbr.rel @p0 .LBB2_1-.Ltmp1, $4  }
0x7f: {  	[hbm:s6@s20], [sflag:s18] =	dma.strided [spmem:s19@s21], $0x50, s14, $0x10   }
0x80: {  	_ =	swait.ge [sflag:s8], $0x50  }
0x81: {  	[sflag:s8] =	ssyncset.done $0x0  }
0x82: {  	[sflag:s8] =	ssyncadd.s32 $0xFFFFFFB0  }
0x83: {  	_ =	sfence.sel $0x180000  }
0x84: {  	[bflag:$0x0] =	sbarrier.arrive $0xFFFF  }
0x85: {  	p0 =	sne.s32 s1, $0x0;
	_ =	strace $0x90000047  }
0x86: {  	s0 =	sadd.s32 @!p0 $0x100000, s0;
	[bflag:$0x2] =	sbarrier.arrive $0xFFFF  }
0x87: {  	[sflag:s0] =	ssyncadd.tile.s32 @!p0 $0x1;
	_ =	shalt  }
.Lfunc_end2:
_tile_overlayer_lowered:
.L_overlay_start_2:
0x88: {  	(tag) =	ssettag $0x2  }
0x89: {  	s0 =	rddreg [dreg:$0x0];
	s2 =	stileid.u32  }
0x8a: {  	s1 =	rddreg [dreg:$0x1];
	p0 =	sne.s32 s2, $0x0  }
0x8b: {  	s3 =	rddreg [dreg:$0x2];
	[bflag:$0x3] =	sbarrier.arrive $0xFFFF;
	s2 =	simm.s32 @!p0 $0x1C05  }
0x8c: {  	[timem:s3], [sflag:s2] =	dma.local @!p0 [hbm:s0], s1  }
0x8d: {  	s0 =	simm.s32 @!p0 $0x5  }
0x8e: {  	_ =	swait.ge @!p0 [sflag:s0], s1  }
0x8f: {  	s1 =	ssub.s32 @!p0 $0x0, s1;
	[sflag:s0] =	ssyncset.done @!p0 $0x0  }
0x90: {  	[sflag:s0] =	ssyncadd.s32 @!p0 s1  }
0x91: {  	[bflag:$0x3] =	sbarrier.arrive $0xFFFF  }
0x92: {  	_ =	shalt  }

</sc_bundles>
